<compile_context>
chip_gen: v7x
topology: tpu7x:2x2x1
jax: 0.10.2.dev20260603
libtpu: 0.0.44.dev20260713+nightly
codegen_flags: <defaults>
</compile_context>

<pallas_src>
import functools

import jax
import jax.numpy as jnp
from jax import lax
from jax.experimental import pallas as pl
from jax.experimental.pallas import tpu as pltpu
from jax.experimental.pallas import tpu_sc as plsc

B, S = 4096, 200
D_MODEL = 128
N = B * S
NC, NS = 2, 16
NW = NC * NS
BR_W = B // NW
SUPB = 16
N_SUP = BR_W // SUPB
NSLOT = 6
GAHEAD = 2
R_TAB = 7 * 12 * 4 * 24 * 4
R_BLK = R_TAB // 7


def _table_body(dow_e, mon_e, qtr_e, hr_e, ses_e, w, b2, out):
    d = pl.program_id(0)
    r = lax.broadcasted_iota(jnp.int32, (R_BLK, 1), 0)
    d_id = jnp.full((R_BLK, 1), d, jnp.int32)
    m_id = r // 384
    q_id = (r // 96) % 4
    h_id = (r // 4) % 24
    s_id = r % 4

    def onehot(ids, n):
        cols = lax.broadcasted_iota(jnp.int32, (R_BLK, n), 1)
        return (ids == cols).astype(jnp.float32)

    p_d = jnp.dot(dow_e[...], w[0:16, :], preferred_element_type=jnp.float32)
    p_m = jnp.dot(mon_e[...], w[16:32, :], preferred_element_type=jnp.float32)
    p_q = jnp.dot(qtr_e[...], w[32:40, :], preferred_element_type=jnp.float32)
    p_h = jnp.dot(hr_e[...], w[40:56, :], preferred_element_type=jnp.float32)
    p_s = jnp.dot(ses_e[...], w[56:64, :], preferred_element_type=jnp.float32)

    acc = jnp.dot(onehot(d_id, 7), p_d, preferred_element_type=jnp.float32)
    acc += jnp.dot(onehot(m_id, 12), p_m, preferred_element_type=jnp.float32)
    acc += jnp.dot(onehot(q_id, 4), p_q, preferred_element_type=jnp.float32)
    acc += jnp.dot(onehot(h_id, 24), p_h, preferred_element_type=jnp.float32)
    acc += jnp.dot(onehot(s_id, 4), p_s, preferred_element_type=jnp.float32)
    out[...] = acc + b2[...]


def _build_table(dow_e, mon_e, qtr_e, hr_e, ses_e, w, b2):
    full = lambda shape: pl.BlockSpec(shape, lambda d: (0, 0))
    return pl.pallas_call(
        _table_body,
        grid=(7,),
        in_specs=[full((7, 16)), full((12, 16)), full((4, 8)),
                  full((24, 16)), full((4, 8)), full((64, 128)),
                  full((1, 128))],
        out_specs=pl.BlockSpec((R_BLK, D_MODEL), lambda d: (d, 0)),
        out_shape=jax.ShapeDtypeStruct((R_TAB, D_MODEL), jnp.float32),
    )(dow_e, mon_e, qtr_e, hr_e, ses_e, w, b2)


def _fuse_body(d, m, q, h, s, out):
    out[...] = (((d[...] * 12 + m[...]) * 4 + q[...]) * 24 + h[...]) * 4 + s[...]


def _fuse_idx(d, m, q, h, s):
    blk = pl.BlockSpec((B // 8, S), lambda i: (i, 0))
    return pl.pallas_call(
        _fuse_body,
        grid=(8,),
        in_specs=[blk] * 5,
        out_specs=blk,
        out_shape=jax.ShapeDtypeStruct((B, S), jnp.int32),
    )(d, m, q, h, s)


_mesh = plsc.VectorSubcoreMesh(core_axis_name="c", subcore_axis_name="s")


@functools.partial(
    pl.kernel,
    mesh=_mesh,
    out_type=jax.ShapeDtypeStruct((N, D_MODEL), jnp.float32),
    scratch_types=[
        pltpu.VMEM((SUPB, S), jnp.int32),
        [pltpu.VMEM((128, D_MODEL), jnp.float32)] * NSLOT,
        [pltpu.SemaphoreType.DMA] * NSLOT,
        [pltpu.SemaphoreType.DMA] * NSLOT,
    ],
)
def _sc_gather(fidx, table, out, idx_v, rows, semg, sems):
    wid = lax.axis_index("s") * NC + lax.axis_index("c")
    base_br = wid * BR_W
    obase = wid * BR_W * S

    chunks = []
    for j in range(SUPB):
        chunks.append((j, 0, 128))
        chunks.append((j, 128, 72))

    def super_body(sup, carry):
        pltpu.sync_copy(fidx.at[pl.ds(base_br + sup * SUPB, SUPB)], idx_v)
        off0 = obase + sup * SUPB * S
        g_h = {}
        s_h = {}

        def scatter(p):
            j, ioff, size = chunks[p]
            g_h[p].wait()
            s_h[p] = pltpu.async_copy(
                rows[p % NSLOT].at[pl.ds(0, size)],
                out.at[pl.ds(off0 + j * S + ioff, size)],
                sems[p % NSLOT])

        for k in range(len(chunks)):
            j, ioff, size = chunks[k]
            slot = k % NSLOT
            if k >= NSLOT:
                s_h[k - NSLOT].wait()
            g_h[k] = pltpu.async_copy(
                table.at[idx_v.at[j, pl.ds(ioff, size)]],
                rows[slot].at[pl.ds(0, size)],
                semg[slot])
            if k >= GAHEAD:
                scatter(k - GAHEAD)
        for p in range(len(chunks) - GAHEAD, len(chunks)):
            scatter(p)
        for p in range(len(chunks) - NSLOT, len(chunks)):
            s_h[p].wait()
        return carry

    lax.fori_loop(0, N_SUP, super_body, 0)


def kernel(dayofweek, month, quarter, hour, session, dow_emb, month_emb,
           quarter_emb, hour_emb, session_emb, W, b):
    table = _build_table(dow_emb, month_emb, quarter_emb, hour_emb,
                         session_emb, W, b.reshape(1, D_MODEL))
    fidx = _fuse_idx(dayofweek.astype(jnp.int32), month.astype(jnp.int32),
                     quarter.astype(jnp.int32), hour.astype(jnp.int32),
                     session.astype(jnp.int32))
    out = _sc_gather(fidx, table)
    return out.reshape(B, S, D_MODEL)

# --- scband reference (transcript-rebuilt; emitter-appended) ---
"""Pipeline reference for scband-calendar-encoding-24395414241949 (READ-ONLY COPY).

The authoritative reference and input builder live on the scoring server;
editing this copy changes nothing except your own understanding.
"""

import jax, jax.numpy as jnp
import numpy as np

B, S = 4096, 200
D_MODEL = 128
D_DOW, D_MON, D_QTR, D_HR, D_SES = 16, 16, 8, 16, 8
TOTAL = D_DOW + D_MON + D_QTR + D_HR + D_SES  # 64


def setup_inputs(seed: int = 0) -> dict:
    key = jax.random.key(seed)
    ks = jax.random.split(key, 12)
    dayofweek = jax.random.randint(ks[0], (B, S), 0, 7, dtype=jnp.int64 if jax.config.jax_enable_x64 else jnp.int32)
    month = jax.random.randint(ks[1], (B, S), 0, 12)
    quarter = jax.random.randint(ks[2], (B, S), 0, 4)
    hour = jax.random.randint(ks[3], (B, S), 0, 24)
    session = jax.random.randint(ks[4], (B, S), 0, 4)
    dow_emb = jax.random.normal(ks[5], (7, D_DOW), dtype=jnp.float32)
    month_emb = jax.random.normal(ks[6], (12, D_MON), dtype=jnp.float32)
    quarter_emb = jax.random.normal(ks[7], (4, D_QTR), dtype=jnp.float32)
    hour_emb = jax.random.normal(ks[8], (24, D_HR), dtype=jnp.float32)
    session_emb = jax.random.normal(ks[9], (4, D_SES), dtype=jnp.float32)
    W = jax.random.normal(ks[10], (TOTAL, D_MODEL), dtype=jnp.float32) * (1.0 / np.sqrt(TOTAL))
    b = jax.random.normal(ks[11], (D_MODEL,), dtype=jnp.float32) * 0.01
    return {"dayofweek": dayofweek, "month": month, "quarter": quarter, "hour": hour, "session": session,
            "dow_emb": dow_emb, "month_emb": month_emb, "quarter_emb": quarter_emb,
            "hour_emb": hour_emb, "session_emb": session_emb, "W": W, "b": b}


def reference(dayofweek, month, quarter, hour, session, dow_emb, month_emb, quarter_emb, hour_emb, session_emb, W, b):
    dow = jnp.take(dow_emb, dayofweek, axis=0)
    mon = jnp.take(month_emb, month, axis=0)
    qtr = jnp.take(quarter_emb, quarter, axis=0)
    hr = jnp.take(hour_emb, hour, axis=0)
    ses = jnp.take(session_emb, session, axis=0)
    combined = jnp.concatenate([dow, mon, qtr, hr, ses], axis=-1)
    out = jnp.dot(combined, W) + b
    # dropout is identity at inference
    return out

if __name__ == "__main__":
    import jax
    _d = setup_inputs()
    print(jax.jit(kernel)(*tuple(_d.values())))

</pallas_src>

<mosaic_0001>
#map = affine_map<(d0, d1) -> (0, 0)>
module attributes {stable_mosaic.version = 14 : i64} {
  func.func @_sc_gather(%arg0: i32, %arg1: i32, %arg2: memref<4096x200xi32, #tpu.memory_space<hbm>>, %arg3: memref<32256x128xf32, #tpu.memory_space<hbm>>, %arg4: memref<819200x128xf32, #tpu.memory_space<hbm>>, %arg5: memref<16x200xi32, #tpu.memory_space<vmem>>, %arg6: memref<128x128xf32, #tpu.memory_space<vmem>>, %arg7: memref<128x128xf32, #tpu.memory_space<vmem>>, %arg8: memref<128x128xf32, #tpu.memory_space<vmem>>, %arg9: memref<128x128xf32, #tpu.memory_space<vmem>>, %arg10: memref<128x128xf32, #tpu.memory_space<vmem>>, %arg11: memref<128x128xf32, #tpu.memory_space<vmem>>, %arg12: memref<!tpu.dma_semaphore, #tpu.memory_space<semaphore_mem>>, %arg13: memref<!tpu.dma_semaphore, #tpu.memory_space<semaphore_mem>>, %arg14: memref<!tpu.dma_semaphore, #tpu.memory_space<semaphore_mem>>, %arg15: memref<!tpu.dma_semaphore, #tpu.memory_space<semaphore_mem>>, %arg16: memref<!tpu.dma_semaphore, #tpu.memory_space<semaphore_mem>>, %arg17: memref<!tpu.dma_semaphore, #tpu.memory_space<semaphore_mem>>, %arg18: memref<!tpu.dma_semaphore, #tpu.memory_space<semaphore_mem>>, %arg19: memref<!tpu.dma_semaphore, #tpu.memory_space<semaphore_mem>>, %arg20: memref<!tpu.dma_semaphore, #tpu.memory_space<semaphore_mem>>, %arg21: memref<!tpu.dma_semaphore, #tpu.memory_space<semaphore_mem>>, %arg22: memref<!tpu.dma_semaphore, #tpu.memory_space<semaphore_mem>>, %arg23: memref<!tpu.dma_semaphore, #tpu.memory_space<semaphore_mem>>) attributes {dimension_semantics = [#tpu.dimension_semantics<core_parallel>, #tpu.dimension_semantics<subcore_parallel>], iteration_bounds = array<i64: 2, 16>, scalar_prefetch = 0 : i64, scratch_operands = 19 : i64, tpu.core_type = #tpu.core_type<sc_vector_subcore>, window_params = [{transform_indices = #map}, {transform_indices = #map}, {transform_indices = #map}]} {
    %mul3A = arith.constant 2 : i32
    %mul3A_0 = arith.muli %arg1, %mul3A : i32
    %add3A = arith.addi %mul3A_0, %arg0 : i32
    %mul3A_1 = arith.constant 128 : i32
    %mul3A_2 = arith.muli %add3A, %mul3A_1 : i32
    %mul3A_3 = arith.constant 128 : i32
    %mul3A_4 = arith.muli %add3A, %mul3A_3 : i32
    %mul3A_5 = arith.constant 200 : i32
    %mul3A_6 = arith.muli %mul3A_4, %mul3A_5 : i32
    %scan3A = arith.constant 0 : i32
    %scan3A_7 = arith.constant 0 : i32
    %scan3A_8 = arith.constant 8 : i32
    %scan3A_9 = arith.addi %scan3A_7, %scan3A_8 : i32
    %scan3A_10 = arith.constant 1 : i32
    scf.for %scan3A_12 = %scan3A_7 to %scan3A_9 step %scan3A_10  : i32 {
      %mul3A_13 = arith.constant 16 : i32
      %mul3A_14 = arith.muli %scan3A_12, %mul3A_13 : i32
      %add3A_15 = arith.addi %mul3A_2, %mul3A_14 : i32
      "tpu.region"() ({
        %run_scoped3A = tpu.sem_alloc : memref<!tpu.dma_semaphore, #tpu.memory_space<semaphore_mem>>
        %dma_start3A_1427 = arith.constant 0 : i32
        %dma_start3A_1428 = tpu.memref_slice %arg2[%add3A_15, %dma_start3A_1427] : memref<4096x200xi32, #tpu.memory_space<hbm>> -> memref<16x200xi32, #tpu.memory_space<hbm>>
        %dma_start3A_1429 = arith.constant 0 : i32
        %dma_start3A_1430 = tpu.memref_slice %arg2[%add3A_15, %dma_start3A_1429] : memref<4096x200xi32, #tpu.memory_space<hbm>> -> memref<16x200xi32, #tpu.memory_space<hbm>>
        tpu.enqueue_dma source(%dma_start3A_1430 : memref<16x200xi32, #tpu.memory_space<hbm>>) target(%arg5 : memref<16x200xi32, #tpu.memory_space<vmem>>) target_semaphore(%run_scoped3A : memref<!tpu.dma_semaphore, #tpu.memory_space<semaphore_mem>>)
        %dma_wait3A_1431 = arith.constant 0 : i32
        %dma_wait3A_1432 = tpu.memref_slice %arg2[%add3A_15, %dma_wait3A_1431] : memref<4096x200xi32, #tpu.memory_space<hbm>> -> memref<16x200xi32, #tpu.memory_space<hbm>>
        %dma_wait3A_1433 = arith.constant 0 : i32
        %dma_wait3A_1434 = tpu.memref_slice %arg2[%add3A_15, %dma_wait3A_1433] : memref<4096x200xi32, #tpu.memory_space<hbm>> -> memref<16x200xi32, #tpu.memory_space<hbm>>
        tpu.wait_dma2 semaphore(%run_scoped3A : memref<!tpu.dma_semaphore, #tpu.memory_space<semaphore_mem>>) src(%dma_wait3A_1434 : memref<16x200xi32, #tpu.memory_space<hbm>>) dst(%arg5 : memref<16x200xi32, #tpu.memory_space<vmem>>)
        tpu.yield
      }) : () -> ()
      %mul3A_16 = arith.constant 16 : i32
      %mul3A_17 = arith.muli %scan3A_12, %mul3A_16 : i32
      %mul3A_18 = arith.constant 200 : i32
      %mul3A_19 = arith.muli %mul3A_17, %mul3A_18 : i32
      %add3A_20 = arith.addi %mul3A_6, %mul3A_19 : i32
      %dma_start3A = arith.constant 0 : i32
      %dma_start3A_21 = arith.constant 0 : i32
      %dma_start3A_22 = arith.constant 0 : i32
      %dma_start3A_23 = tpu.memref_slice %arg6[%dma_start3A_21, %dma_start3A_22] : memref<128x128xf32, #tpu.memory_space<vmem>> -> memref<128x128xf32, #tpu.memory_space<vmem>>
      %dma_start3A_24 = arith.constant 0 : i32
      %dma_start3A_25 = tpu.memref_slice %arg5[%dma_start3A, %dma_start3A_24] : memref<16x200xi32, #tpu.memory_space<vmem>> -> memref<1x128xi32, #tpu.memory_space<vmem>>
      %dma_start3A_26 = tpu.memref_squeeze %dma_start3A_25 : memref<1x128xi32, #tpu.memory_space<vmem>> -> memref<128xi32, #tpu.memory_space<vmem>>
      %dma_start3A_27 = arith.constant 0 : i32
      %dma_start3A_28 = arith.constant 0 : i32
      %dma_start3A_29 = tpu.memref_slice %arg3[%dma_start3A_27, %dma_start3A_28] : memref<32256x128xf32, #tpu.memory_space<hbm>> -> memref<32256x128xf32, #tpu.memory_space<hbm>>
      tpu.enqueue_indirect_dma source(%dma_start3A_29 : memref<32256x128xf32, #tpu.memory_space<hbm>>) target(%dma_start3A_23 : memref<128x128xf32, #tpu.memory_space<vmem>>) offsets(%dma_start3A_26 : memref<128xi32, #tpu.memory_space<vmem>>) semaphore(%arg12 : memref<!tpu.dma_semaphore, #tpu.memory_space<semaphore_mem>>)
      %dma_start3A_30 = arith.constant 0 : i32
      %dma_start3A_31 = arith.constant 0 : i32
      %dma_start3A_32 = arith.constant 0 : i32
      %dma_start3A_33 = tpu.memref_slice %arg7[%dma_start3A_31, %dma_start3A_32] : memref<128x128xf32, #tpu.memory_space<vmem>> -> memref<72x128xf32, #tpu.memory_space<vmem>>
      %dma_start3A_34 = arith.constant 128 : i32
      %dma_start3A_35 = tpu.memref_slice %arg5[%dma_start3A_30, %dma_start3A_34] : memref<16x200xi32, #tpu.memory_space<vmem>> -> memref<1x72xi32, #tpu.memory_space<vmem>>
      %dma_start3A_36 = tpu.memref_squeeze %dma_start3A_35 : memref<1x72xi32, #tpu.memory_space<vmem>> -> memref<72xi32, #tpu.memory_space<vmem>>
      %dma_start3A_37 = arith.constant 0 : i32
      %dma_start3A_38 = arith.constant 0 : i32
      %dma_start3A_39 = tpu.memref_slice %arg3[%dma_start3A_37, %dma_start3A_38] : memref<32256x128xf32, #tpu.memory_space<hbm>> -> memref<32256x128xf32, #tpu.memory_space<hbm>>
      tpu.enqueue_indirect_dma source(%dma_start3A_39 : memref<32256x128xf32, #tpu.memory_space<hbm>>) target(%dma_start3A_33 : memref<72x128xf32, #tpu.memory_space<vmem>>) offsets(%dma_start3A_36 : memref<72xi32, #tpu.memory_space<vmem>>) semaphore(%arg13 : memref<!tpu.dma_semaphore, #tpu.memory_space<semaphore_mem>>)
      %dma_start3A_40 = arith.constant 1 : i32
      %dma_start3A_41 = arith.constant 0 : i32
      %dma_start3A_42 = arith.constant 0 : i32
      %dma_start3A_43 = tpu.memref_slice %arg8[%dma_start3A_41, %dma_start3A_42] : memref<128x128xf32, #tpu.memory_space<vmem>> -> memref<128x128xf32, #tpu.memory_space<vmem>>
      %dma_start3A_44 = arith.constant 0 : i32
      %dma_start3A_45 = tpu.memref_slice %arg5[%dma_start3A_40, %dma_start3A_44] : memref<16x200xi32, #tpu.memory_space<vmem>> -> memref<1x128xi32, #tpu.memory_space<vmem>>
      %dma_start3A_46 = tpu.memref_squeeze %dma_start3A_45 : memref<1x128xi32, #tpu.memory_space<vmem>> -> memref<128xi32, #tpu.memory_space<vmem>>
      %dma_start3A_47 = arith.constant 0 : i32
      %dma_start3A_48 = arith.constant 0 : i32
      %dma_start3A_49 = tpu.memref_slice %arg3[%dma_start3A_47, %dma_start3A_48] : memref<32256x128xf32, #tpu.memory_space<hbm>> -> memref<32256x128xf32, #tpu.memory_space<hbm>>
      tpu.enqueue_indirect_dma source(%dma_start3A_49 : memref<32256x128xf32, #tpu.memory_space<hbm>>) target(%dma_start3A_43 : memref<128x128xf32, #tpu.memory_space<vmem>>) offsets(%dma_start3A_46 : memref<128xi32, #tpu.memory_space<vmem>>) semaphore(%arg14 : memref<!tpu.dma_semaphore, #tpu.memory_space<semaphore_mem>>)
      %dma_wait3A = arith.constant 0 : i32
      %dma_wait3A_50 = arith.constant 0 : i32
      %dma_wait3A_51 = arith.constant 0 : i32
      %dma_wait3A_52 = tpu.memref_slice %arg6[%dma_wait3A_50, %dma_wait3A_51] : memref<128x128xf32, #tpu.memory_space<vmem>> -> memref<128x128xf32, #tpu.memory_space<vmem>>
      %dma_wait3A_53 = arith.constant 0 : i32
      %dma_wait3A_54 = tpu.memref_slice %arg5[%dma_wait3A, %dma_wait3A_53] : memref<16x200xi32, #tpu.memory_space<vmem>> -> memref<1x128xi32, #tpu.memory_space<vmem>>
      %dma_wait3A_55 = tpu.memref_squeeze %dma_wait3A_54 : memref<1x128xi32, #tpu.memory_space<vmem>> -> memref<128xi32, #tpu.memory_space<vmem>>
      %dma_wait3A_56 = arith.constant 0 : i32
      %dma_wait3A_57 = arith.constant 0 : i32
      %dma_wait3A_58 = tpu.memref_slice %arg3[%dma_wait3A_56, %dma_wait3A_57] : memref<32256x128xf32, #tpu.memory_space<hbm>> -> memref<32256x128xf32, #tpu.memory_space<hbm>>
      tpu.wait_indirect_dma semaphore(%arg12 : memref<!tpu.dma_semaphore, #tpu.memory_space<semaphore_mem>>) src(%dma_wait3A_58 : memref<32256x128xf32, #tpu.memory_space<hbm>>) dst(%dma_wait3A_52 : memref<128x128xf32, #tpu.memory_space<vmem>>)
      %add3A_59 = arith.constant 0 : i32
      %add3A_60 = arith.addi %add3A_20, %add3A_59 : i32
      %add3A_61 = arith.constant 0 : i32
      %add3A_62 = arith.addi %add3A_60, %add3A_61 : i32
      %dma_start3A_63 = arith.constant 0 : i32
      %dma_start3A_64 = arith.constant 0 : i32
      %dma_start3A_65 = tpu.memref_slice %arg6[%dma_start3A_63, %dma_start3A_64] : memref<128x128xf32, #tpu.memory_space<vmem>> -> memref<128x128xf32, #tpu.memory_space<vmem>>
      %dma_start3A_66 = arith.constant 0 : i32
      %dma_start3A_67 = tpu.memref_slice %arg4[%add3A_62, %dma_start3A_66] : memref<819200x128xf32, #tpu.memory_space<hbm>> -> memref<128x128xf32, #tpu.memory_space<hbm>>
      %dma_start3A_68 = arith.constant 0 : i32
      %dma_start3A_69 = tpu.memref_slice %arg4[%add3A_62, %dma_start3A_68] : memref<819200x128xf32, #tpu.memory_space<hbm>> -> memref<128x128xf32, #tpu.memory_space<hbm>>
      %dma_start3A_70 = arith.constant 0 : i32
      %dma_start3A_71 = arith.constant 0 : i32
      %dma_start3A_72 = tpu.memref_slice %arg6[%dma_start3A_70, %dma_start3A_71] : memref<128x128xf32, #tpu.memory_space<vmem>> -> memref<128x128xf32, #tpu.memory_space<vmem>>
      tpu.enqueue_dma source(%dma_start3A_72 : memref<128x128xf32, #tpu.memory_space<vmem>>) target(%dma_start3A_69 : memref<128x128xf32, #tpu.memory_space<hbm>>) target_semaphore(%arg18 : memref<!tpu.dma_semaphore, #tpu.memory_space<semaphore_mem>>)
      %dma_start3A_73 = arith.constant 1 : i32
      %dma_start3A_74 = arith.constant 0 : i32
      %dma_start3A_75 = arith.constant 0 : i32
      %dma_start3A_76 = tpu.memref_slice %arg9[%dma_start3A_74, %dma_start3A_75] : memref<128x128xf32, #tpu.memory_space<vmem>> -> memref<72x128xf32, #tpu.memory_space<vmem>>
      %dma_start3A_77 = arith.constant 128 : i32
      %dma_start3A_78 = tpu.memref_slice %arg5[%dma_start3A_73, %dma_start3A_77] : memref<16x200xi32, #tpu.memory_space<vmem>> -> memref<1x72xi32, #tpu.memory_space<vmem>>
      %dma_start3A_79 = tpu.memref_squeeze %dma_start3A_78 : memref<1x72xi32, #tpu.memory_space<vmem>> -> memref<72xi32, #tpu.memory_space<vmem>>
      %dma_start3A_80 = arith.constant 0 : i32
      %dma_start3A_81 = arith.constant 0 : i32
      %dma_start3A_82 = tpu.memref_slice %arg3[%dma_start3A_80, %dma_start3A_81] : memref<32256x128xf32, #tpu.memory_space<hbm>> -> memref<32256x128xf32, #tpu.memory_space<hbm>>
      tpu.enqueue_indirect_dma source(%dma_start3A_82 : memref<32256x128xf32, #tpu.memory_space<hbm>>) target(%dma_start3A_76 : memref<72x128xf32, #tpu.memory_space<vmem>>) offsets(%dma_start3A_79 : memref<72xi32, #tpu.memory_space<vmem>>) semaphore(%arg15 : memref<!tpu.dma_semaphore, #tpu.memory_space<semaphore_mem>>)
      %dma_wait3A_83 = arith.constant 0 : i32
      %dma_wait3A_84 = arith.constant 0 : i32
      %dma_wait3A_85 = arith.constant 0 : i32
      %dma_wait3A_86 = tpu.memref_slice %arg7[%dma_wait3A_84, %dma_wait3A_85] : memref<128x128xf32, #tpu.memory_space<vmem>> -> memref<72x128xf32, #tpu.memory_space<vmem>>
      %dma_wait3A_87 = arith.constant 128 : i32
      %dma_wait3A_88 = tpu.memref_slice %arg5[%dma_wait3A_83, %dma_wait3A_87] : memref<16x200xi32, #tpu.memory_space<vmem>> -> memref<1x72xi32, #tpu.memory_space<vmem>>
      %dma_wait3A_89 = tpu.memref_squeeze %dma_wait3A_88 : memref<1x72xi32, #tpu.memory_space<vmem>> -> memref<72xi32, #tpu.memory_space<vmem>>
      %dma_wait3A_90 = arith.constant 0 : i32
      %dma_wait3A_91 = arith.constant 0 : i32
      %dma_wait3A_92 = tpu.memref_slice %arg3[%dma_wait3A_90, %dma_wait3A_91] : memref<32256x128xf32, #tpu.memory_space<hbm>> -> memref<32256x128xf32, #tpu.memory_space<hbm>>
      tpu.wait_indirect_dma semaphore(%arg13 : memref<!tpu.dma_semaphore, #tpu.memory_space<semaphore_mem>>) src(%dma_wait3A_92 : memref<32256x128xf32, #tpu.memory_space<hbm>>) dst(%dma_wait3A_86 : memref<72x128xf32, #tpu.memory_space<vmem>>)
      %add3A_93 = arith.constant 0 : i32
      %add3A_94 = arith.addi %add3A_20, %add3A_93 : i32
      %add3A_95 = arith.constant 128 : i32
      %add3A_96 = arith.addi %add3A_94, %add3A_95 : i32
      %dma_start3A_97 = arith.constant 0 : i32
      %dma_start3A_98 = arith.constant 0 : i32
      %dma_start3A_99 = tpu.memref_slice %arg7[%dma_start3A_97, %dma_start3A_98] : memref<128x128xf32, #tpu.memory_space<vmem>> -> memref<72x128xf32, #tpu.memory_space<vmem>>
      %dma_start3A_100 = arith.constant 0 : i32
      %dma_start3A_101 = tpu.memref_slice %arg4[%add3A_96, %dma_start3A_100] : memref<819200x128xf32, #tpu.memory_space<hbm>> -> memref<72x128xf32, #tpu.memory_space<hbm>>
      %dma_start3A_102 = arith.constant 0 : i32
      %dma_start3A_103 = tpu.memref_slice %arg4[%add3A_96, %dma_start3A_102] : memref<819200x128xf32, #tpu.memory_space<hbm>> -> memref<72x128xf32, #tpu.memory_space<hbm>>
      %dma_start3A_104 = arith.constant 0 : i32
      %dma_start3A_105 = arith.constant 0 : i32
      %dma_start3A_106 = tpu.memref_slice %arg7[%dma_start3A_104, %dma_start3A_105] : memref<128x128xf32, #tpu.memory_space<vmem>> -> memref<72x128xf32, #tpu.memory_space<vmem>>
      tpu.enqueue_dma source(%dma_start3A_106 : memref<72x128xf32, #tpu.memory_space<vmem>>) target(%dma_start3A_103 : memref<72x128xf32, #tpu.memory_space<hbm>>) target_semaphore(%arg19 : memref<!tpu.dma_semaphore, #tpu.memory_space<semaphore_mem>>)
      %dma_start3A_107 = arith.constant 2 : i32
      %dma_start3A_108 = arith.constant 0 : i32
      %dma_start3A_109 = arith.constant 0 : i32
      %dma_start3A_110 = tpu.memref_slice %arg10[%dma_start3A_108, %dma_start3A_109] : memref<128x128xf32, #tpu.memory_space<vmem>> -> memref<128x128xf32, #tpu.memory_space<vmem>>
      %dma_start3A_111 = arith.constant 0 : i32
      %dma_start3A_112 = tpu.memref_slice %arg5[%dma_start3A_107, %dma_start3A_111] : memref<16x200xi32, #tpu.memory_space<vmem>> -> memref<1x128xi32, #tpu.memory_space<vmem>>
      %dma_start3A_113 = tpu.memref_squeeze %dma_start3A_112 : memref<1x128xi32, #tpu.memory_space<vmem>> -> memref<128xi32, #tpu.memory_space<vmem>>
      %dma_start3A_114 = arith.constant 0 : i32
      %dma_start3A_115 = arith.constant 0 : i32
      %dma_start3A_116 = tpu.memref_slice %arg3[%dma_start3A_114, %dma_start3A_115] : memref<32256x128xf32, #tpu.memory_space<hbm>> -> memref<32256x128xf32, #tpu.memory_space<hbm>>
      tpu.enqueue_indirect_dma source(%dma_start3A_116 : memref<32256x128xf32, #tpu.memory_space<hbm>>) target(%dma_start3A_110 : memref<128x128xf32, #tpu.memory_space<vmem>>) offsets(%dma_start3A_113 : memref<128xi32, #tpu.memory_space<vmem>>) semaphore(%arg16 : memref<!tpu.dma_semaphore, #tpu.memory_space<semaphore_mem>>)
      %dma_wait3A_117 = arith.constant 1 : i32
      %dma_wait3A_118 = arith.constant 0 : i32
      %dma_wait3A_119 = arith.constant 0 : i32
      %dma_wait3A_120 = tpu.memref_slice %arg8[%dma_wait3A_118, %dma_wait3A_119] : memref<128x128xf32, #tpu.memory_space<vmem>> -> memref<128x128xf32, #tpu.memory_space<vmem>>
      %dma_wait3A_121 = arith.constant 0 : i32
      %dma_wait3A_122 = tpu.memref_slice %arg5[%dma_wait3A_117, %dma_wait3A_121] : memref<16x200xi32, #tpu.memory_space<vmem>> -> memref<1x128xi32, #tpu.memory_space<vmem>>
      %dma_wait3A_123 = tpu.memref_squeeze %dma_wait3A_122 : memref<1x128xi32, #tpu.memory_space<vmem>> -> memref<128xi32, #tpu.memory_space<vmem>>
      %dma_wait3A_124 = arith.constant 0 : i32
      %dma_wait3A_125 = arith.constant 0 : i32
      %dma_wait3A_126 = tpu.memref_slice %arg3[%dma_wait3A_124, %dma_wait3A_125] : memref<32256x128xf32, #tpu.memory_space<hbm>> -> memref<32256x128xf32, #tpu.memory_space<hbm>>
      tpu.wait_indirect_dma semaphore(%arg14 : memref<!tpu.dma_semaphore, #tpu.memory_space<semaphore_mem>>) src(%dma_wait3A_126 : memref<32256x128xf32, #tpu.memory_space<hbm>>) dst(%dma_wait3A_120 : memref<128x128xf32, #tpu.memory_space<vmem>>)
      %add3A_127 = arith.constant 200 : i32
      %add3A_128 = arith.addi %add3A_20, %add3A_127 : i32
      %add3A_129 = arith.constant 0 : i32
      %add3A_130 = arith.addi %add3A_128, %add3A_129 : i32
      %dma_start3A_131 = arith.constant 0 : i32
      %dma_start3A_132 = arith.constant 0 : i32
      %dma_start3A_133 = tpu.memref_slice %arg8[%dma_start3A_131, %dma_start3A_132] : memref<128x128xf32, #tpu.memory_space<vmem>> -> memref<128x128xf32, #tpu.memory_space<vmem>>
      %dma_start3A_134 = arith.constant 0 : i32
      %dma_start3A_135 = tpu.memref_slice %arg4[%add3A_130, %dma_start3A_134] : memref<819200x128xf32, #tpu.memory_space<hbm>> -> memref<128x128xf32, #tpu.memory_space<hbm>>
      %dma_start3A_136 = arith.constant 0 : i32
      %dma_start3A_137 = tpu.memref_slice %arg4[%add3A_130, %dma_start3A_136] : memref<819200x128xf32, #tpu.memory_space<hbm>> -> memref<128x128xf32, #tpu.memory_space<hbm>>
      %dma_start3A_138 = arith.constant 0 : i32
      %dma_start3A_139 = arith.constant 0 : i32
      %dma_start3A_140 = tpu.memref_slice %arg8[%dma_start3A_138, %dma_start3A_139] : memref<128x128xf32, #tpu.memory_space<vmem>> -> memref<128x128xf32, #tpu.memory_space<vmem>>
      tpu.enqueue_dma source(%dma_start3A_140 : memref<128x128xf32, #tpu.memory_space<vmem>>) target(%dma_start3A_137 : memref<128x128xf32, #tpu.memory_space<hbm>>) target_semaphore(%arg20 : memref<!tpu.dma_semaphore, #tpu.memory_space<semaphore_mem>>)
      %dma_start3A_141 = arith.constant 2 : i32
      %dma_start3A_142 = arith.constant 0 : i32
      %dma_start3A_143 = arith.constant 0 : i32
      %dma_start3A_144 = tpu.memref_slice %arg11[%dma_start3A_142, %dma_start3A_143] : memref<128x128xf32, #tpu.memory_space<vmem>> -> memref<72x128xf32, #tpu.memory_space<vmem>>
      %dma_start3A_145 = arith.constant 128 : i32
      %dma_start3A_146 = tpu.memref_slice %arg5[%dma_start3A_141, %dma_start3A_145] : memref<16x200xi32, #tpu.memory_space<vmem>> -> memref<1x72xi32, #tpu.memory_space<vmem>>
      %dma_start3A_147 = tpu.memref_squeeze %dma_start3A_146 : memref<1x72xi32, #tpu.memory_space<vmem>> -> memref<72xi32, #tpu.memory_space<vmem>>
      %dma_start3A_148 = arith.constant 0 : i32
      %dma_start3A_149 = arith.constant 0 : i32
      %dma_start3A_150 = tpu.memref_slice %arg3[%dma_start3A_148, %dma_start3A_149] : memref<32256x128xf32, #tpu.memory_space<hbm>> -> memref<32256x128xf32, #tpu.memory_space<hbm>>
      tpu.enqueue_indirect_dma source(%dma_start3A_150 : memref<32256x128xf32, #tpu.memory_space<hbm>>) target(%dma_start3A_144 : memref<72x128xf32, #tpu.memory_space<vmem>>) offsets(%dma_start3A_147 : memref<72xi32, #tpu.memory_space<vmem>>) semaphore(%arg17 : memref<!tpu.dma_semaphore, #tpu.memory_space<semaphore_mem>>)
      %dma_wait3A_151 = arith.constant 1 : i32
      %dma_wait3A_152 = arith.constant 0 : i32
      %dma_wait3A_153 = arith.constant 0 : i32
      %dma_wait3A_154 = tpu.memref_slice %arg9[%dma_wait3A_152, %dma_wait3A_153] : memref<128x128xf32, #tpu.memory_space<vmem>> -> memref<72x128xf32, #tpu.memory_space<vmem>>
      %dma_wait3A_155 = arith.constant 128 : i32
      %dma_wait3A_156 = tpu.memref_slice %arg5[%dma_wait3A_151, %dma_wait3A_155] : memref<16x200xi32, #tpu.memory_space<vmem>> -> memref<1x72xi32, #tpu.memory_space<vmem>>
      %dma_wait3A_157 = tpu.memref_squeeze %dma_wait3A_156 : memref<1x72xi32, #tpu.memory_space<vmem>> -> memref<72xi32, #tpu.memory_space<vmem>>
      %dma_wait3A_158 = arith.constant 0 : i32
      %dma_wait3A_159 = arith.constant 0 : i32
      %dma_wait3A_160 = tpu.memref_slice %arg3[%dma_wait3A_158, %dma_wait3A_159] : memref<32256x128xf32, #tpu.memory_space<hbm>> -> memref<32256x128xf32, #tpu.memory_space<hbm>>
      tpu.wait_indirect_dma semaphore(%arg15 : memref<!tpu.dma_semaphore, #tpu.memory_space<semaphore_mem>>) src(%dma_wait3A_160 : memref<32256x128xf32, #tpu.memory_space<hbm>>) dst(%dma_wait3A_154 : memref<72x128xf32, #tpu.memory_space<vmem>>)
      %add3A_161 = arith.constant 200 : i32
      %add3A_162 = arith.addi %add3A_20, %add3A_161 : i32
      %add3A_163 = arith.constant 128 : i32
      %add3A_164 = arith.addi %add3A_162, %add3A_163 : i32
      %dma_start3A_165 = arith.constant 0 : i32
      %dma_start3A_166 = arith.constant 0 : i32
      %dma_start3A_167 = tpu.memref_slice %arg9[%dma_start3A_165, %dma_start3A_166] : memref<128x128xf32, #tpu.memory_space<vmem>> -> memref<72x128xf32, #tpu.memory_space<vmem>>
      %dma_start3A_168 = arith.constant 0 : i32
      %dma_start3A_169 = tpu.memref_slice %arg4[%add3A_164, %dma_start3A_168] : memref<819200x128xf32, #tpu.memory_space<hbm>> -> memref<72x128xf32, #tpu.memory_space<hbm>>
      %dma_start3A_170 = arith.constant 0 : i32
      %dma_start3A_171 = tpu.memref_slice %arg4[%add3A_164, %dma_start3A_170] : memref<819200x128xf32, #tpu.memory_space<hbm>> -> memref<72x128xf32, #tpu.memory_space<hbm>>
      %dma_start3A_172 = arith.constant 0 : i32
      %dma_start3A_173 = arith.constant 0 : i32
      %dma_start3A_174 = tpu.memref_slice %arg9[%dma_start3A_172, %dma_start3A_173] : memref<128x128xf32, #tpu.memory_space<vmem>> -> memref<72x128xf32, #tpu.memory_space<vmem>>
      tpu.enqueue_dma source(%dma_start3A_174 : memref<72x128xf32, #tpu.memory_space<vmem>>) target(%dma_start3A_171 : memref<72x128xf32, #tpu.memory_space<hbm>>) target_semaphore(%arg21 : memref<!tpu.dma_semaphore, #tpu.memory_space<semaphore_mem>>)
      %dma_wait3A_175 = arith.constant 0 : i32
      %dma_wait3A_176 = arith.constant 0 : i32
      %dma_wait3A_177 = tpu.memref_slice %arg6[%dma_wait3A_175, %dma_wait3A_176] : memref<128x128xf32, #tpu.memory_space<vmem>> -> memref<128x128xf32, #tpu.memory_space<vmem>>
      %dma_wait3A_178 = arith.constant 0 : i32
      %dma_wait3A_179 = tpu.memref_slice %arg4[%add3A_62, %dma_wait3A_178] : memref<819200x128xf32, #tpu.memory_space<hbm>> -> memref<128x128xf32, #tpu.memory_space<hbm>>
      %dma_wait3A_180 = arith.constant 0 : i32
      %dma_wait3A_181 = tpu.memref_slice %arg4[%add3A_62, %dma_wait3A_180] : memref<819200x128xf32, #tpu.memory_space<hbm>> -> memref<128x128xf32, #tpu.memory_space<hbm>>
      %dma_wait3A_182 = arith.constant 0 : i32
      %dma_wait3A_183 = arith.constant 0 : i32
      %dma_wait3A_184 = tpu.memref_slice %arg6[%dma_wait3A_182, %dma_wait3A_183] : memref<128x128xf32, #tpu.memory_space<vmem>> -> memref<128x128xf32, #tpu.memory_space<vmem>>
      tpu.wait_dma2 semaphore(%arg18 : memref<!tpu.dma_semaphore, #tpu.memory_space<semaphore_mem>>) src(%dma_wait3A_184 : memref<128x128xf32, #tpu.memory_space<vmem>>) dst(%dma_wait3A_181 : memref<128x128xf32, #tpu.memory_space<hbm>>)
      %dma_start3A_185 = arith.constant 3 : i32
      %dma_start3A_186 = arith.constant 0 : i32
      %dma_start3A_187 = arith.constant 0 : i32
      %dma_start3A_188 = tpu.memref_slice %arg6[%dma_start3A_186, %dma_start3A_187] : memref<128x128xf32, #tpu.memory_space<vmem>> -> memref<128x128xf32, #tpu.memory_space<vmem>>
      %dma_start3A_189 = arith.constant 0 : i32
      %dma_start3A_190 = tpu.memref_slice %arg5[%dma_start3A_185, %dma_start3A_189] : memref<16x200xi32, #tpu.memory_space<vmem>> -> memref<1x128xi32, #tpu.memory_space<vmem>>
      %dma_start3A_191 = tpu.memref_squeeze %dma_start3A_190 : memref<1x128xi32, #tpu.memory_space<vmem>> -> memref<128xi32, #tpu.memory_space<vmem>>
      %dma_start3A_192 = arith.constant 0 : i32
      %dma_start3A_193 = arith.constant 0 : i32
      %dma_start3A_194 = tpu.memref_slice %arg3[%dma_start3A_192, %dma_start3A_193] : memref<32256x128xf32, #tpu.memory_space<hbm>> -> memref<32256x128xf32, #tpu.memory_space<hbm>>
      tpu.enqueue_indirect_dma source(%dma_start3A_194 : memref<32256x128xf32, #tpu.memory_space<hbm>>) target(%dma_start3A_188 : memref<128x128xf32, #tpu.memory_space<vmem>>) offsets(%dma_start3A_191 : memref<128xi32, #tpu.memory_space<vmem>>) semaphore(%arg12 : memref<!tpu.dma_semaphore, #tpu.memory_space<semaphore_mem>>)
      %dma_wait3A_195 = arith.constant 2 : i32
      %dma_wait3A_196 = arith.constant 0 : i32
      %dma_wait3A_197 = arith.constant 0 : i32
      %dma_wait3A_198 = tpu.memref_slice %arg10[%dma_wait3A_196, %dma_wait3A_197] : memref<128x128xf32, #tpu.memory_space<vmem>> -> memref<128x128xf32, #tpu.memory_space<vmem>>
      %dma_wait3A_199 = arith.constant 0 : i32
      %dma_wait3A_200 = tpu.memref_slice %arg5[%dma_wait3A_195, %dma_wait3A_199] : memref<16x200xi32, #tpu.memory_space<vmem>> -> memref<1x128xi32, #tpu.memory_space<vmem>>
      %dma_wait3A_201 = tpu.memref_squeeze %dma_wait3A_200 : memref<1x128xi32, #tpu.memory_space<vmem>> -> memref<128xi32, #tpu.memory_space<vmem>>
      %dma_wait3A_202 = arith.constant 0 : i32
      %dma_wait3A_203 = arith.constant 0 : i32
      %dma_wait3A_204 = tpu.memref_slice %arg3[%dma_wait3A_202, %dma_wait3A_203] : memref<32256x128xf32, #tpu.memory_space<hbm>> -> memref<32256x128xf32, #tpu.memory_space<hbm>>
      tpu.wait_indirect_dma semaphore(%arg16 : memref<!tpu.dma_semaphore, #tpu.memory_space<semaphore_mem>>) src(%dma_wait3A_204 : memref<32256x128xf32, #tpu.memory_space<hbm>>) dst(%dma_wait3A_198 : memref<128x128xf32, #tpu.memory_space<vmem>>)
      %add3A_205 = arith.constant 400 : i32
      %add3A_206 = arith.addi %add3A_20, %add3A_205 : i32
      %add3A_207 = arith.constant 0 : i32
      %add3A_208 = arith.addi %add3A_206, %add3A_207 : i32
      %dma_start3A_209 = arith.constant 0 : i32
      %dma_start3A_210 = arith.constant 0 : i32
      %dma_start3A_211 = tpu.memref_slice %arg10[%dma_start3A_209, %dma_start3A_210] : memref<128x128xf32, #tpu.memory_space<vmem>> -> memref<128x128xf32, #tpu.memory_space<vmem>>
      %dma_start3A_212 = arith.constant 0 : i32
      %dma_start3A_213 = tpu.memref_slice %arg4[%add3A_208, %dma_start3A_212] : memref<819200x128xf32, #tpu.memory_space<hbm>> -> memref<128x128xf32, #tpu.memory_space<hbm>>
      %dma_start3A_214 = arith.constant 0 : i32
      %dma_start3A_215 = tpu.memref_slice %arg4[%add3A_208, %dma_start3A_214] : memref<819200x128xf32, #tpu.memory_space<hbm>> -> memref<128x128xf32, #tpu.memory_space<hbm>>
      %dma_start3A_216 = arith.constant 0 : i32
      %dma_start3A_217 = arith.constant 0 : i32
      %dma_start3A_218 = tpu.memref_slice %arg10[%dma_start3A_216, %dma_start3A_217] : memref<128x128xf32, #tpu.memory_space<vmem>> -> memref<128x128xf32, #tpu.memory_space<vmem>>
      tpu.enqueue_dma source(%dma_start3A_218 : memref<128x128xf32, #tpu.memory_space<vmem>>) target(%dma_start3A_215 : memref<128x128xf32, #tpu.memory_space<hbm>>) target_semaphore(%arg22 : memref<!tpu.dma_semaphore, #tpu.memory_space<semaphore_mem>>)
      %dma_wait3A_219 = arith.constant 0 : i32
      %dma_wait3A_220 = arith.constant 0 : i32
      %dma_wait3A_221 = tpu.memref_slice %arg7[%dma_wait3A_219, %dma_wait3A_220] : memref<128x128xf32, #tpu.memory_space<vmem>> -> memref<72x128xf32, #tpu.memory_space<vmem>>
      %dma_wait3A_222 = arith.constant 0 : i32
      %dma_wait3A_223 = tpu.memref_slice %arg4[%add3A_96, %dma_wait3A_222] : memref<819200x128xf32, #tpu.memory_space<hbm>> -> memref<72x128xf32, #tpu.memory_space<hbm>>
      %dma_wait3A_224 = arith.constant 0 : i32
      %dma_wait3A_225 = tpu.memref_slice %arg4[%add3A_96, %dma_wait3A_224] : memref<819200x128xf32, #tpu.memory_space<hbm>> -> memref<72x128xf32, #tpu.memory_space<hbm>>
      %dma_wait3A_226 = arith.constant 0 : i32
      %dma_wait3A_227 = arith.constant 0 : i32
      %dma_wait3A_228 = tpu.memref_slice %arg7[%dma_wait3A_226, %dma_wait3A_227] : memref<128x128xf32, #tpu.memory_space<vmem>> -> memref<72x128xf32, #tpu.memory_space<vmem>>
      tpu.wait_dma2 semaphore(%arg19 : memref<!tpu.dma_semaphore, #tpu.memory_space<semaphore_mem>>) src(%dma_wait3A_228 : memref<72x128xf32, #tpu.memory_space<vmem>>) dst(%dma_wait3A_225 : memref<72x128xf32, #tpu.memory_space<hbm>>)
      %dma_start3A_229 = arith.constant 3 : i32
      %dma_start3A_230 = arith.constant 0 : i32
      %dma_start3A_231 = arith.constant 0 : i32
      %dma_start3A_232 = tpu.memref_slice %arg7[%dma_start3A_230, %dma_start3A_231] : memref<128x128xf32, #tpu.memory_space<vmem>> -> memref<72x128xf32, #tpu.memory_space<vmem>>
      %dma_start3A_233 = arith.constant 128 : i32
      %dma_start3A_234 = tpu.memref_slice %arg5[%dma_start3A_229, %dma_start3A_233] : memref<16x200xi32, #tpu.memory_space<vmem>> -> memref<1x72xi32, #tpu.memory_space<vmem>>
      %dma_start3A_235 = tpu.memref_squeeze %dma_start3A_234 : memref<1x72xi32, #tpu.memory_space<vmem>> -> memref<72xi32, #tpu.memory_space<vmem>>
      %dma_start3A_236 = arith.constant 0 : i32
      %dma_start3A_237 = arith.constant 0 : i32
      %dma_start3A_238 = tpu.memref_slice %arg3[%dma_start3A_236, %dma_start3A_237] : memref<32256x128xf32, #tpu.memory_space<hbm>> -> memref<32256x128xf32, #tpu.memory_space<hbm>>
      tpu.enqueue_indirect_dma source(%dma_start3A_238 : memref<32256x128xf32, #tpu.memory_space<hbm>>) target(%dma_start3A_232 : memref<72x128xf32, #tpu.memory_space<vmem>>) offsets(%dma_start3A_235 : memref<72xi32, #tpu.memory_space<vmem>>) semaphore(%arg13 : memref<!tpu.dma_semaphore, #tpu.memory_space<semaphore_mem>>)
      %dma_wait3A_239 = arith.constant 2 : i32
      %dma_wait3A_240 = arith.constant 0 : i32
      %dma_wait3A_241 = arith.constant 0 : i32
      %dma_wait3A_242 = tpu.memref_slice %arg11[%dma_wait3A_240, %dma_wait3A_241] : memref<128x128xf32, #tpu.memory_space<vmem>> -> memref<72x128xf32, #tpu.memory_space<vmem>>
      %dma_wait3A_243 = arith.constant 128 : i32
      %dma_wait3A_244 = tpu.memref_slice %arg5[%dma_wait3A_239, %dma_wait3A_243] : memref<16x200xi32, #tpu.memory_space<vmem>> -> memref<1x72xi32, #tpu.memory_space<vmem>>
      %dma_wait3A_245 = tpu.memref_squeeze %dma_wait3A_244 : memref<1x72xi32, #tpu.memory_space<vmem>> -> memref<72xi32, #tpu.memory_space<vmem>>
      %dma_wait3A_246 = arith.constant 0 : i32
      %dma_wait3A_247 = arith.constant 0 : i32
      %dma_wait3A_248 = tpu.memref_slice %arg3[%dma_wait3A_246, %dma_wait3A_247] : memref<32256x128xf32, #tpu.memory_space<hbm>> -> memref<32256x128xf32, #tpu.memory_space<hbm>>
      tpu.wait_indirect_dma semaphore(%arg17 : memref<!tpu.dma_semaphore, #tpu.memory_space<semaphore_mem>>) src(%dma_wait3A_248 : memref<32256x128xf32, #tpu.memory_space<hbm>>) dst(%dma_wait3A_242 : memref<72x128xf32, #tpu.memory_space<vmem>>)
      %add3A_249 = arith.constant 400 : i32
      %add3A_250 = arith.addi %add3A_20, %add3A_249 : i32
      %add3A_251 = arith.constant 128 : i32
      %add3A_252 = arith.addi %add3A_250, %add3A_251 : i32
      %dma_start3A_253 = arith.constant 0 : i32
      %dma_start3A_254 = arith.constant 0 : i32
      %dma_start3A_255 = tpu.memref_slice %arg11[%dma_start3A_253, %dma_start3A_254] : memref<128x128xf32, #tpu.memory_space<vmem>> -> memref<72x128xf32, #tpu.memory_space<vmem>>
      %dma_start3A_256 = arith.constant 0 : i32
      %dma_start3A_257 = tpu.memref_slice %arg4[%add3A_252, %dma_start3A_256] : memref<819200x128xf32, #tpu.memory_space<hbm>> -> memref<72x128xf32, #tpu.memory_space<hbm>>
      %dma_start3A_258 = arith.constant 0 : i32
      %dma_start3A_259 = tpu.memref_slice %arg4[%add3A_252, %dma_start3A_258] : memref<819200x128xf32, #tpu.memory_space<hbm>> -> memref<72x128xf32, #tpu.memory_space<hbm>>
      %dma_start3A_260 = arith.constant 0 : i32
      %dma_start3A_261 = arith.constant 0 : i32
      %dma_start3A_262 = tpu.memref_slice %arg11[%dma_start3A_260, %dma_start3A_261] : memref<128x128xf32, #tpu.memory_space<vmem>> -> memref<72x128xf32, #tpu.memory_space<vmem>>
      tpu.enqueue_dma source(%dma_start3A_262 : memref<72x128xf32, #tpu.memory_space<vmem>>) target(%dma_start3A_259 : memref<72x128xf32, #tpu.memory_space<hbm>>) target_semaphore(%arg23 : memref<!tpu.dma_semaphore, #tpu.memory_space<semaphore_mem>>)
      %dma_wait3A_263 = arith.constant 0 : i32
      %dma_wait3A_264 = arith.constant 0 : i32
      %dma_wait3A_265 = tpu.memref_slice %arg8[%dma_wait3A_263, %dma_wait3A_264] : memref<128x128xf32, #tpu.memory_space<vmem>> -> memref<128x128xf32, #tpu.memory_space<vmem>>
      %dma_wait3A_266 = arith.constant 0 : i32
      %dma_wait3A_267 = tpu.memref_slice %arg4[%add3A_130, %dma_wait3A_266] : memref<819200x128xf32, #tpu.memory_space<hbm>> -> memref<128x128xf32, #tpu.memory_space<hbm>>
      %dma_wait3A_268 = arith.constant 0 : i32
      %dma_wait3A_269 = tpu.memref_slice %arg4[%add3A_130, %dma_wait3A_268] : memref<819200x128xf32, #tpu.memory_space<hbm>> -> memref<128x128xf32, #tpu.memory_space<hbm>>
      %dma_wait3A_270 = arith.constant 0 : i32
      %dma_wait3A_271 = arith.constant 0 : i32
      %dma_wait3A_272 = tpu.memref_slice %arg8[%dma_wait3A_270, %dma_wait3A_271] : memref<128x128xf32, #tpu.memory_space<vmem>> -> memref<128x128xf32, #tpu.memory_space<vmem>>
      tpu.wait_dma2 semaphore(%arg20 : memref<!tpu.dma_semaphore, #tpu.memory_space<semaphore_mem>>) src(%dma_wait3A_272 : memref<128x128xf32, #tpu.memory_space<vmem>>) dst(%dma_wait3A_269 : memref<128x128xf32, #tpu.memory_space<hbm>>)
      %dma_start3A_273 = arith.constant 4 : i32
      %dma_start3A_274 = arith.constant 0 : i32
      %dma_start3A_275 = arith.constant 0 : i32
      %dma_start3A_276 = tpu.memref_slice %arg8[%dma_start3A_274, %dma_start3A_275] : memref<128x128xf32, #tpu.memory_space<vmem>> -> memref<128x128xf32, #tpu.memory_space<vmem>>
      %dma_start3A_277 = arith.constant 0 : i32
      %dma_start3A_278 = tpu.memref_slice %arg5[%dma_start3A_273, %dma_start3A_277] : memref<16x200xi32, #tpu.memory_space<vmem>> -> memref<1x128xi32, #tpu.memory_space<vmem>>
      %dma_start3A_279 = tpu.memref_squeeze %dma_start3A_278 : memref<1x128xi32, #tpu.memory_space<vmem>> -> memref<128xi32, #tpu.memory_space<vmem>>
      %dma_start3A_280 = arith.constant 0 : i32
      %dma_start3A_281 = arith.constant 0 : i32
      %dma_start3A_282 = tpu.memref_slice %arg3[%dma_start3A_280, %dma_start3A_281] : memref<32256x128xf32, #tpu.memory_space<hbm>> -> memref<32256x128xf32, #tpu.memory_space<hbm>>
      tpu.enqueue_indirect_dma source(%dma_start3A_282 : memref<32256x128xf32, #tpu.memory_space<hbm>>) target(%dma_start3A_276 : memref<128x128xf32, #tpu.memory_space<vmem>>) offsets(%dma_start3A_279 : memref<128xi32, #tpu.memory_space<vmem>>) semaphore(%arg14 : memref<!tpu.dma_semaphore, #tpu.memory_space<semaphore_mem>>)
      %dma_wait3A_283 = arith.constant 3 : i32
      %dma_wait3A_284 = arith.constant 0 : i32
      %dma_wait3A_285 = arith.constant 0 : i32
      %dma_wait3A_286 = tpu.memref_slice %arg6[%dma_wait3A_284, %dma_wait3A_285] : memref<128x128xf32, #tpu.memory_space<vmem>> -> memref<128x128xf32, #tpu.memory_space<vmem>>
      %dma_wait3A_287 = arith.constant 0 : i32
      %dma_wait3A_288 = tpu.memref_slice %arg5[%dma_wait3A_283, %dma_wait3A_287] : memref<16x200xi32, #tpu.memory_space<vmem>> -> memref<1x128xi32, #tpu.memory_space<vmem>>
      %dma_wait3A_289 = tpu.memref_squeeze %dma_wait3A_288 : memref<1x128xi32, #tpu.memory_space<vmem>> -> memref<128xi32, #tpu.memory_space<vmem>>
      %dma_wait3A_290 = arith.constant 0 : i32
      %dma_wait3A_291 = arith.constant 0 : i32
      %dma_wait3A_292 = tpu.memref_slice %arg3[%dma_wait3A_290, %dma_wait3A_291] : memref<32256x128xf32, #tpu.memory_space<hbm>> -> memref<32256x128xf32, #tpu.memory_space<hbm>>
      tpu.wait_indirect_dma semaphore(%arg12 : memref<!tpu.dma_semaphore, #tpu.memory_space<semaphore_mem>>) src(%dma_wait3A_292 : memref<32256x128xf32, #tpu.memory_space<hbm>>) dst(%dma_wait3A_286 : memref<128x128xf32, #tpu.memory_space<vmem>>)
      %add3A_293 = arith.constant 600 : i32
      %add3A_294 = arith.addi %add3A_20, %add3A_293 : i32
      %add3A_295 = arith.constant 0 : i32
      %add3A_296 = arith.addi %add3A_294, %add3A_295 : i32
      %dma_start3A_297 = arith.constant 0 : i32
      %dma_start3A_298 = arith.constant 0 : i32
      %dma_start3A_299 = tpu.memref_slice %arg6[%dma_start3A_297, %dma_start3A_298] : memref<128x128xf32, #tpu.memory_space<vmem>> -> memref<128x128xf32, #tpu.memory_space<vmem>>
      %dma_start3A_300 = arith.constant 0 : i32
      %dma_start3A_301 = tpu.memref_slice %arg4[%add3A_296, %dma_start3A_300] : memref<819200x128xf32, #tpu.memory_space<hbm>> -> memref<128x128xf32, #tpu.memory_space<hbm>>
      %dma_start3A_302 = arith.constant 0 : i32
      %dma_start3A_303 = tpu.memref_slice %arg4[%add3A_296, %dma_start3A_302] : memref<819200x128xf32, #tpu.memory_space<hbm>> -> memref<128x128xf32, #tpu.memory_space<hbm>>
      %dma_start3A_304 = arith.constant 0 : i32
      %dma_start3A_305 = arith.constant 0 : i32
      %dma_start3A_306 = tpu.memref_slice %arg6[%dma_start3A_304, %dma_start3A_305] : memref<128x128xf32, #tpu.memory_space<vmem>> -> memref<128x128xf32, #tpu.memory_space<vmem>>
      tpu.enqueue_dma source(%dma_start3A_306 : memref<128x128xf32, #tpu.memory_space<vmem>>) target(%dma_start3A_303 : memref<128x128xf32, #tpu.memory_space<hbm>>) target_semaphore(%arg18 : memref<!tpu.dma_semaphore, #tpu.memory_space<semaphore_mem>>)
      %dma_wait3A_307 = arith.constant 0 : i32
      %dma_wait3A_308 = arith.constant 0 : i32
      %dma_wait3A_309 = tpu.memref_slice %arg9[%dma_wait3A_307, %dma_wait3A_308] : memref<128x128xf32, #tpu.memory_space<vmem>> -> memref<72x128xf32, #tpu.memory_space<vmem>>
      %dma_wait3A_310 = arith.constant 0 : i32
      %dma_wait3A_311 = tpu.memref_slice %arg4[%add3A_164, %dma_wait3A_310] : memref<819200x128xf32, #tpu.memory_space<hbm>> -> memref<72x128xf32, #tpu.memory_space<hbm>>
      %dma_wait3A_312 = arith.constant 0 : i32
      %dma_wait3A_313 = tpu.memref_slice %arg4[%add3A_164, %dma_wait3A_312] : memref<819200x128xf32, #tpu.memory_space<hbm>> -> memref<72x128xf32, #tpu.memory_space<hbm>>
      %dma_wait3A_314 = arith.constant 0 : i32
      %dma_wait3A_315 = arith.constant 0 : i32
      %dma_wait3A_316 = tpu.memref_slice %arg9[%dma_wait3A_314, %dma_wait3A_315] : memref<128x128xf32, #tpu.memory_space<vmem>> -> memref<72x128xf32, #tpu.memory_space<vmem>>
      tpu.wait_dma2 semaphore(%arg21 : memref<!tpu.dma_semaphore, #tpu.memory_space<semaphore_mem>>) src(%dma_wait3A_316 : memref<72x128xf32, #tpu.memory_space<vmem>>) dst(%dma_wait3A_313 : memref<72x128xf32, #tpu.memory_space<hbm>>)
      %dma_start3A_317 = arith.constant 4 : i32
      %dma_start3A_318 = arith.constant 0 : i32
      %dma_start3A_319 = arith.constant 0 : i32
      %dma_start3A_320 = tpu.memref_slice %arg9[%dma_start3A_318, %dma_start3A_319] : memref<128x128xf32, #tpu.memory_space<vmem>> -> memref<72x128xf32, #tpu.memory_space<vmem>>
      %dma_start3A_321 = arith.constant 128 : i32
      %dma_start3A_322 = tpu.memref_slice %arg5[%dma_start3A_317, %dma_start3A_321] : memref<16x200xi32, #tpu.memory_space<vmem>> -> memref<1x72xi32, #tpu.memory_space<vmem>>
      %dma_start3A_323 = tpu.memref_squeeze %dma_start3A_322 : memref<1x72xi32, #tpu.memory_space<vmem>> -> memref<72xi32, #tpu.memory_space<vmem>>
      %dma_start3A_324 = arith.constant 0 : i32
      %dma_start3A_325 = arith.constant 0 : i32
      %dma_start3A_326 = tpu.memref_slice %arg3[%dma_start3A_324, %dma_start3A_325] : memref<32256x128xf32, #tpu.memory_space<hbm>> -> memref<32256x128xf32, #tpu.memory_space<hbm>>
      tpu.enqueue_indirect_dma source(%dma_start3A_326 : memref<32256x128xf32, #tpu.memory_space<hbm>>) target(%dma_start3A_320 : memref<72x128xf32, #tpu.memory_space<vmem>>) offsets(%dma_start3A_323 : memref<72xi32, #tpu.memory_space<vmem>>) semaphore(%arg15 : memref<!tpu.dma_semaphore, #tpu.memory_space<semaphore_mem>>)
      %dma_wait3A_327 = arith.constant 3 : i32
      %dma_wait3A_328 = arith.constant 0 : i32
      %dma_wait3A_329 = arith.constant 0 : i32
      %dma_wait3A_330 = tpu.memref_slice %arg7[%dma_wait3A_328, %dma_wait3A_329] : memref<128x128xf32, #tpu.memory_space<vmem>> -> memref<72x128xf32, #tpu.memory_space<vmem>>
      %dma_wait3A_331 = arith.constant 128 : i32
      %dma_wait3A_332 = tpu.memref_slice %arg5[%dma_wait3A_327, %dma_wait3A_331] : memref<16x200xi32, #tpu.memory_space<vmem>> -> memref<1x72xi32, #tpu.memory_space<vmem>>
      %dma_wait3A_333 = tpu.memref_squeeze %dma_wait3A_332 : memref<1x72xi32, #tpu.memory_space<vmem>> -> memref<72xi32, #tpu.memory_space<vmem>>
      %dma_wait3A_334 = arith.constant 0 : i32
      %dma_wait3A_335 = arith.constant 0 : i32
      %dma_wait3A_336 = tpu.memref_slice %arg3[%dma_wait3A_334, %dma_wait3A_335] : memref<32256x128xf32, #tpu.memory_space<hbm>> -> memref<32256x128xf32, #tpu.memory_space<hbm>>
      tpu.wait_indirect_dma semaphore(%arg13 : memref<!tpu.dma_semaphore, #tpu.memory_space<semaphore_mem>>) src(%dma_wait3A_336 : memref<32256x128xf32, #tpu.memory_space<hbm>>) dst(%dma_wait3A_330 : memref<72x128xf32, #tpu.memory_space<vmem>>)
      %add3A_337 = arith.constant 600 : i32
      %add3A_338 = arith.addi %add3A_20, %add3A_337 : i32
      %add3A_339 = arith.constant 128 : i32
      %add3A_340 = arith.addi %add3A_338, %add3A_339 : i32
      %dma_start3A_341 = arith.constant 0 : i32
      %dma_start3A_342 = arith.constant 0 : i32
      %dma_start3A_343 = tpu.memref_slice %arg7[%dma_start3A_341, %dma_start3A_342] : memref<128x128xf32, #tpu.memory_space<vmem>> -> memref<72x128xf32, #tpu.memory_space<vmem>>
      %dma_start3A_344 = arith.constant 0 : i32
      %dma_start3A_345 = tpu.memref_slice %arg4[%add3A_340, %dma_start3A_344] : memref<819200x128xf32, #tpu.memory_space<hbm>> -> memref<72x128xf32, #tpu.memory_space<hbm>>
      %dma_start3A_346 = arith.constant 0 : i32
      %dma_start3A_347 = tpu.memref_slice %arg4[%add3A_340, %dma_start3A_346] : memref<819200x128xf32, #tpu.memory_space<hbm>> -> memref<72x128xf32, #tpu.memory_space<hbm>>
      %dma_start3A_348 = arith.constant 0 : i32
      %dma_start3A_349 = arith.constant 0 : i32
      %dma_start3A_350 = tpu.memref_slice %arg7[%dma_start3A_348, %dma_start3A_349] : memref<128x128xf32, #tpu.memory_space<vmem>> -> memref<72x128xf32, #tpu.memory_space<vmem>>
      tpu.enqueue_dma source(%dma_start3A_350 : memref<72x128xf32, #tpu.memory_space<vmem>>) target(%dma_start3A_347 : memref<72x128xf32, #tpu.memory_space<hbm>>) target_semaphore(%arg19 : memref<!tpu.dma_semaphore, #tpu.memory_space<semaphore_mem>>)
      %dma_wait3A_351 = arith.constant 0 : i32
      %dma_wait3A_352 = arith.constant 0 : i32
      %dma_wait3A_353 = tpu.memref_slice %arg10[%dma_wait3A_351, %dma_wait3A_352] : memref<128x128xf32, #tpu.memory_space<vmem>> -> memref<128x128xf32, #tpu.memory_space<vmem>>
      %dma_wait3A_354 = arith.constant 0 : i32
      %dma_wait3A_355 = tpu.memref_slice %arg4[%add3A_208, %dma_wait3A_354] : memref<819200x128xf32, #tpu.memory_space<hbm>> -> memref<128x128xf32, #tpu.memory_space<hbm>>
      %dma_wait3A_356 = arith.constant 0 : i32
      %dma_wait3A_357 = tpu.memref_slice %arg4[%add3A_208, %dma_wait3A_356] : memref<819200x128xf32, #tpu.memory_space<hbm>> -> memref<128x128xf32, #tpu.memory_space<hbm>>
      %dma_wait3A_358 = arith.constant 0 : i32
      %dma_wait3A_359 = arith.constant 0 : i32
      %dma_wait3A_360 = tpu.memref_slice %arg10[%dma_wait3A_358, %dma_wait3A_359] : memref<128x128xf32, #tpu.memory_space<vmem>> -> memref<128x128xf32, #tpu.memory_space<vmem>>
      tpu.wait_dma2 semaphore(%arg22 : memref<!tpu.dma_semaphore, #tpu.memory_space<semaphore_mem>>) src(%dma_wait3A_360 : memref<128x128xf32, #tpu.memory_space<vmem>>) dst(%dma_wait3A_357 : memref<128x128xf32, #tpu.memory_space<hbm>>)
      %dma_start3A_361 = arith.constant 5 : i32
      %dma_start3A_362 = arith.constant 0 : i32
      %dma_start3A_363 = arith.constant 0 : i32
      %dma_start3A_364 = tpu.memref_slice %arg10[%dma_start3A_362, %dma_start3A_363] : memref<128x128xf32, #tpu.memory_space<vmem>> -> memref<128x128xf32, #tpu.memory_space<vmem>>
      %dma_start3A_365 = arith.constant 0 : i32
      %dma_start3A_366 = tpu.memref_slice %arg5[%dma_start3A_361, %dma_start3A_365] : memref<16x200xi32, #tpu.memory_space<vmem>> -> memref<1x128xi32, #tpu.memory_space<vmem>>
      %dma_start3A_367 = tpu.memref_squeeze %dma_start3A_366 : memref<1x128xi32, #tpu.memory_space<vmem>> -> memref<128xi32, #tpu.memory_space<vmem>>
      %dma_start3A_368 = arith.constant 0 : i32
      %dma_start3A_369 = arith.constant 0 : i32
      %dma_start3A_370 = tpu.memref_slice %arg3[%dma_start3A_368, %dma_start3A_369] : memref<32256x128xf32, #tpu.memory_space<hbm>> -> memref<32256x128xf32, #tpu.memory_space<hbm>>
      tpu.enqueue_indirect_dma source(%dma_start3A_370 : memref<32256x128xf32, #tpu.memory_space<hbm>>) target(%dma_start3A_364 : memref<128x128xf32, #tpu.memory_space<vmem>>) offsets(%dma_start3A_367 : memref<128xi32, #tpu.memory_space<vmem>>) semaphore(%arg16 : memref<!tpu.dma_semaphore, #tpu.memory_space<semaphore_mem>>)
      %dma_wait3A_371 = arith.constant 4 : i32
      %dma_wait3A_372 = arith.constant 0 : i32
      %dma_wait3A_373 = arith.constant 0 : i32
      %dma_wait3A_374 = tpu.memref_slice %arg8[%dma_wait3A_372, %dma_wait3A_373] : memref<128x128xf32, #tpu.memory_space<vmem>> -> memref<128x128xf32, #tpu.memory_space<vmem>>
      %dma_wait3A_375 = arith.constant 0 : i32
      %dma_wait3A_376 = tpu.memref_slice %arg5[%dma_wait3A_371, %dma_wait3A_375] : memref<16x200xi32, #tpu.memory_space<vmem>> -> memref<1x128xi32, #tpu.memory_space<vmem>>
      %dma_wait3A_377 = tpu.memref_squeeze %dma_wait3A_376 : memref<1x128xi32, #tpu.memory_space<vmem>> -> memref<128xi32, #tpu.memory_space<vmem>>
      %dma_wait3A_378 = arith.constant 0 : i32
      %dma_wait3A_379 = arith.constant 0 : i32
      %dma_wait3A_380 = tpu.memref_slice %arg3[%dma_wait3A_378, %dma_wait3A_379] : memref<32256x128xf32, #tpu.memory_space<hbm>> -> memref<32256x128xf32, #tpu.memory_space<hbm>>
      tpu.wait_indirect_dma semaphore(%arg14 : memref<!tpu.dma_semaphore, #tpu.memory_space<semaphore_mem>>) src(%dma_wait3A_380 : memref<32256x128xf32, #tpu.memory_space<hbm>>) dst(%dma_wait3A_374 : memref<128x128xf32, #tpu.memory_space<vmem>>)
      %add3A_381 = arith.constant 800 : i32
      %add3A_382 = arith.addi %add3A_20, %add3A_381 : i32
      %add3A_383 = arith.constant 0 : i32
      %add3A_384 = arith.addi %add3A_382, %add3A_383 : i32
      %dma_start3A_385 = arith.constant 0 : i32
      %dma_start3A_386 = arith.constant 0 : i32
      %dma_start3A_387 = tpu.memref_slice %arg8[%dma_start3A_385, %dma_start3A_386] : memref<128x128xf32, #tpu.memory_space<vmem>> -> memref<128x128xf32, #tpu.memory_space<vmem>>
      %dma_start3A_388 = arith.constant 0 : i32
      %dma_start3A_389 = tpu.memref_slice %arg4[%add3A_384, %dma_start3A_388] : memref<819200x128xf32, #tpu.memory_space<hbm>> -> memref<128x128xf32, #tpu.memory_space<hbm>>
      %dma_start3A_390 = arith.constant 0 : i32
      %dma_start3A_391 = tpu.memref_slice %arg4[%add3A_384, %dma_start3A_390] : memref<819200x128xf32, #tpu.memory_space<hbm>> -> memref<128x128xf32, #tpu.memory_space<hbm>>
      %dma_start3A_392 = arith.constant 0 : i32
      %dma_start3A_393 = arith.constant 0 : i32
      %dma_start3A_394 = tpu.memref_slice %arg8[%dma_start3A_392, %dma_start3A_393] : memref<128x128xf32, #tpu.memory_space<vmem>> -> memref<128x128xf32, #tpu.memory_space<vmem>>
      tpu.enqueue_dma source(%dma_start3A_394 : memref<128x128xf32, #tpu.memory_space<vmem>>) target(%dma_start3A_391 : memref<128x128xf32, #tpu.memory_space<hbm>>) target_semaphore(%arg20 : memref<!tpu.dma_semaphore, #tpu.memory_space<semaphore_mem>>)
      %dma_wait3A_395 = arith.constant 0 : i32
      %dma_wait3A_396 = arith.constant 0 : i32
      %dma_wait3A_397 = tpu.memref_slice %arg11[%dma_wait3A_395, %dma_wait3A_396] : memref<128x128xf32, #tpu.memory_space<vmem>> -> memref<72x128xf32, #tpu.memory_space<vmem>>
      %dma_wait3A_398 = arith.constant 0 : i32
      %dma_wait3A_399 = tpu.memref_slice %arg4[%add3A_252, %dma_wait3A_398] : memref<819200x128xf32, #tpu.memory_space<hbm>> -> memref<72x128xf32, #tpu.memory_space<hbm>>
      %dma_wait3A_400 = arith.constant 0 : i32
      %dma_wait3A_401 = tpu.memref_slice %arg4[%add3A_252, %dma_wait3A_400] : memref<819200x128xf32, #tpu.memory_space<hbm>> -> memref<72x128xf32, #tpu.memory_space<hbm>>
      %dma_wait3A_402 = arith.constant 0 : i32
      %dma_wait3A_403 = arith.constant 0 : i32
      %dma_wait3A_404 = tpu.memref_slice %arg11[%dma_wait3A_402, %dma_wait3A_403] : memref<128x128xf32, #tpu.memory_space<vmem>> -> memref<72x128xf32, #tpu.memory_space<vmem>>
      tpu.wait_dma2 semaphore(%arg23 : memref<!tpu.dma_semaphore, #tpu.memory_space<semaphore_mem>>) src(%dma_wait3A_404 : memref<72x128xf32, #tpu.memory_space<vmem>>) dst(%dma_wait3A_401 : memref<72x128xf32, #tpu.memory_space<hbm>>)
      %dma_start3A_405 = arith.constant 5 : i32
      %dma_start3A_406 = arith.constant 0 : i32
      %dma_start3A_407 = arith.constant 0 : i32
      %dma_start3A_408 = tpu.memref_slice %arg11[%dma_start3A_406, %dma_start3A_407] : memref<128x128xf32, #tpu.memory_space<vmem>> -> memref<72x128xf32, #tpu.memory_space<vmem>>
      %dma_start3A_409 = arith.constant 128 : i32
      %dma_start3A_410 = tpu.memref_slice %arg5[%dma_start3A_405, %dma_start3A_409] : memref<16x200xi32, #tpu.memory_space<vmem>> -> memref<1x72xi32, #tpu.memory_space<vmem>>
      %dma_start3A_411 = tpu.memref_squeeze %dma_start3A_410 : memref<1x72xi32, #tpu.memory_space<vmem>> -> memref<72xi32, #tpu.memory_space<vmem>>
      %dma_start3A_412 = arith.constant 0 : i32
      %dma_start3A_413 = arith.constant 0 : i32
      %dma_start3A_414 = tpu.memref_slice %arg3[%dma_start3A_412, %dma_start3A_413] : memref<32256x128xf32, #tpu.memory_space<hbm>> -> memref<32256x128xf32, #tpu.memory_space<hbm>>
      tpu.enqueue_indirect_dma source(%dma_start3A_414 : memref<32256x128xf32, #tpu.memory_space<hbm>>) target(%dma_start3A_408 : memref<72x128xf32, #tpu.memory_space<vmem>>) offsets(%dma_start3A_411 : memref<72xi32, #tpu.memory_space<vmem>>) semaphore(%arg17 : memref<!tpu.dma_semaphore, #tpu.memory_space<semaphore_mem>>)
      %dma_wait3A_415 = arith.constant 4 : i32
      %dma_wait3A_416 = arith.constant 0 : i32
      %dma_wait3A_417 = arith.constant 0 : i32
      %dma_wait3A_418 = tpu.memref_slice %arg9[%dma_wait3A_416, %dma_wait3A_417] : memref<128x128xf32, #tpu.memory_space<vmem>> -> memref<72x128xf32, #tpu.memory_space<vmem>>
      %dma_wait3A_419 = arith.constant 128 : i32
      %dma_wait3A_420 = tpu.memref_slice %arg5[%dma_wait3A_415, %dma_wait3A_419] : memref<16x200xi32, #tpu.memory_space<vmem>> -> memref<1x72xi32, #tpu.memory_space<vmem>>
      %dma_wait3A_421 = tpu.memref_squeeze %dma_wait3A_420 : memref<1x72xi32, #tpu.memory_space<vmem>> -> memref<72xi32, #tpu.memory_space<vmem>>
      %dma_wait3A_422 = arith.constant 0 : i32
      %dma_wait3A_423 = arith.constant 0 : i32
      %dma_wait3A_424 = tpu.memref_slice %arg3[%dma_wait3A_422, %dma_wait3A_423] : memref<32256x128xf32, #tpu.memory_space<hbm>> -> memref<32256x128xf32, #tpu.memory_space<hbm>>
      tpu.wait_indirect_dma semaphore(%arg15 : memref<!tpu.dma_semaphore, #tpu.memory_space<semaphore_mem>>) src(%dma_wait3A_424 : memref<32256x128xf32, #tpu.memory_space<hbm>>) dst(%dma_wait3A_418 : memref<72x128xf32, #tpu.memory_space<vmem>>)
      %add3A_425 = arith.constant 800 : i32
      %add3A_426 = arith.addi %add3A_20, %add3A_425 : i32
      %add3A_427 = arith.constant 128 : i32
      %add3A_428 = arith.addi %add3A_426, %add3A_427 : i32
      %dma_start3A_429 = arith.constant 0 : i32
      %dma_start3A_430 = arith.constant 0 : i32
      %dma_start3A_431 = tpu.memref_slice %arg9[%dma_start3A_429, %dma_start3A_430] : memref<128x128xf32, #tpu.memory_space<vmem>> -> memref<72x128xf32, #tpu.memory_space<vmem>>
      %dma_start3A_432 = arith.constant 0 : i32
      %dma_start3A_433 = tpu.memref_slice %arg4[%add3A_428, %dma_start3A_432] : memref<819200x128xf32, #tpu.memory_space<hbm>> -> memref<72x128xf32, #tpu.memory_space<hbm>>
      %dma_start3A_434 = arith.constant 0 : i32
      %dma_start3A_435 = tpu.memref_slice %arg4[%add3A_428, %dma_start3A_434] : memref<819200x128xf32, #tpu.memory_space<hbm>> -> memref<72x128xf32, #tpu.memory_space<hbm>>
      %dma_start3A_436 = arith.constant 0 : i32
      %dma_start3A_437 = arith.constant 0 : i32
      %dma_start3A_438 = tpu.memref_slice %arg9[%dma_start3A_436, %dma_start3A_437] : memref<128x128xf32, #tpu.memory_space<vmem>> -> memref<72x128xf32, #tpu.memory_space<vmem>>
      tpu.enqueue_dma source(%dma_start3A_438 : memref<72x128xf32, #tpu.memory_space<vmem>>) target(%dma_start3A_435 : memref<72x128xf32, #tpu.memory_space<hbm>>) target_semaphore(%arg21 : memref<!tpu.dma_semaphore, #tpu.memory_space<semaphore_mem>>)
      %dma_wait3A_439 = arith.constant 0 : i32
      %dma_wait3A_440 = arith.constant 0 : i32
      %dma_wait3A_441 = tpu.memref_slice %arg6[%dma_wait3A_439, %dma_wait3A_440] : memref<128x128xf32, #tpu.memory_space<vmem>> -> memref<128x128xf32, #tpu.memory_space<vmem>>
      %dma_wait3A_442 = arith.constant 0 : i32
      %dma_wait3A_443 = tpu.memref_slice %arg4[%add3A_296, %dma_wait3A_442] : memref<819200x128xf32, #tpu.memory_space<hbm>> -> memref<128x128xf32, #tpu.memory_space<hbm>>
      %dma_wait3A_444 = arith.constant 0 : i32
      %dma_wait3A_445 = tpu.memref_slice %arg4[%add3A_296, %dma_wait3A_444] : memref<819200x128xf32, #tpu.memory_space<hbm>> -> memref<128x128xf32, #tpu.memory_space<hbm>>
      %dma_wait3A_446 = arith.constant 0 : i32
      %dma_wait3A_447 = arith.constant 0 : i32
      %dma_wait3A_448 = tpu.memref_slice %arg6[%dma_wait3A_446, %dma_wait3A_447] : memref<128x128xf32, #tpu.memory_space<vmem>> -> memref<128x128xf32, #tpu.memory_space<vmem>>
      tpu.wait_dma2 semaphore(%arg18 : memref<!tpu.dma_semaphore, #tpu.memory_space<semaphore_mem>>) src(%dma_wait3A_448 : memref<128x128xf32, #tpu.memory_space<vmem>>) dst(%dma_wait3A_445 : memref<128x128xf32, #tpu.memory_space<hbm>>)
      %dma_start3A_449 = arith.constant 6 : i32
      %dma_start3A_450 = arith.constant 0 : i32
      %dma_start3A_451 = arith.constant 0 : i32
      %dma_start3A_452 = tpu.memref_slice %arg6[%dma_start3A_450, %dma_start3A_451] : memref<128x128xf32, #tpu.memory_space<vmem>> -> memref<128x128xf32, #tpu.memory_space<vmem>>
      %dma_start3A_453 = arith.constant 0 : i32
      %dma_start3A_454 = tpu.memref_slice %arg5[%dma_start3A_449, %dma_start3A_453] : memref<16x200xi32, #tpu.memory_space<vmem>> -> memref<1x128xi32, #tpu.memory_space<vmem>>
      %dma_start3A_455 = tpu.memref_squeeze %dma_start3A_454 : memref<1x128xi32, #tpu.memory_space<vmem>> -> memref<128xi32, #tpu.memory_space<vmem>>
      %dma_start3A_456 = arith.constant 0 : i32
      %dma_start3A_457 = arith.constant 0 : i32
      %dma_start3A_458 = tpu.memref_slice %arg3[%dma_start3A_456, %dma_start3A_457] : memref<32256x128xf32, #tpu.memory_space<hbm>> -> memref<32256x128xf32, #tpu.memory_space<hbm>>
      tpu.enqueue_indirect_dma source(%dma_start3A_458 : memref<32256x128xf32, #tpu.memory_space<hbm>>) target(%dma_start3A_452 : memref<128x128xf32, #tpu.memory_space<vmem>>) offsets(%dma_start3A_455 : memref<128xi32, #tpu.memory_space<vmem>>) semaphore(%arg12 : memref<!tpu.dma_semaphore, #tpu.memory_space<semaphore_mem>>)
      %dma_wait3A_459 = arith.constant 5 : i32
      %dma_wait3A_460 = arith.constant 0 : i32
      %dma_wait3A_461 = arith.constant 0 : i32
      %dma_wait3A_462 = tpu.memref_slice %arg10[%dma_wait3A_460, %dma_wait3A_461] : memref<128x128xf32, #tpu.memory_space<vmem>> -> memref<128x128xf32, #tpu.memory_space<vmem>>
      %dma_wait3A_463 = arith.constant 0 : i32
      %dma_wait3A_464 = tpu.memref_slice %arg5[%dma_wait3A_459, %dma_wait3A_463] : memref<16x200xi32, #tpu.memory_space<vmem>> -> memref<1x128xi32, #tpu.memory_space<vmem>>
      %dma_wait3A_465 = tpu.memref_squeeze %dma_wait3A_464 : memref<1x128xi32, #tpu.memory_space<vmem>> -> memref<128xi32, #tpu.memory_space<vmem>>
      %dma_wait3A_466 = arith.constant 0 : i32
      %dma_wait3A_467 = arith.constant 0 : i32
      %dma_wait3A_468 = tpu.memref_slice %arg3[%dma_wait3A_466, %dma_wait3A_467] : memref<32256x128xf32, #tpu.memory_space<hbm>> -> memref<32256x128xf32, #tpu.memory_space<hbm>>
      tpu.wait_indirect_dma semaphore(%arg16 : memref<!tpu.dma_semaphore, #tpu.memory_space<semaphore_mem>>) src(%dma_wait3A_468 : memref<32256x128xf32, #tpu.memory_space<hbm>>) dst(%dma_wait3A_462 : memref<128x128xf32, #tpu.memory_space<vmem>>)
      %add3A_469 = arith.constant 1000 : i32
      %add3A_470 = arith.addi %add3A_20, %add3A_469 : i32
      %add3A_471 = arith.constant 0 : i32
      %add3A_472 = arith.addi %add3A_470, %add3A_471 : i32
      %dma_start3A_473 = arith.constant 0 : i32
      %dma_start3A_474 = arith.constant 0 : i32
      %dma_start3A_475 = tpu.memref_slice %arg10[%dma_start3A_473, %dma_start3A_474] : memref<128x128xf32, #tpu.memory_space<vmem>> -> memref<128x128xf32, #tpu.memory_space<vmem>>
      %dma_start3A_476 = arith.constant 0 : i32
      %dma_start3A_477 = tpu.memref_slice %arg4[%add3A_472, %dma_start3A_476] : memref<819200x128xf32, #tpu.memory_space<hbm>> -> memref<128x128xf32, #tpu.memory_space<hbm>>
      %dma_start3A_478 = arith.constant 0 : i32
      %dma_start3A_479 = tpu.memref_slice %arg4[%add3A_472, %dma_start3A_478] : memref<819200x128xf32, #tpu.memory_space<hbm>> -> memref<128x128xf32, #tpu.memory_space<hbm>>
      %dma_start3A_480 = arith.constant 0 : i32
      %dma_start3A_481 = arith.constant 0 : i32
      %dma_start3A_482 = tpu.memref_slice %arg10[%dma_start3A_480, %dma_start3A_481] : memref<128x128xf32, #tpu.memory_space<vmem>> -> memref<128x128xf32, #tpu.memory_space<vmem>>
      tpu.enqueue_dma source(%dma_start3A_482 : memref<128x128xf32, #tpu.memory_space<vmem>>) target(%dma_start3A_479 : memref<128x128xf32, #tpu.memory_space<hbm>>) target_semaphore(%arg22 : memref<!tpu.dma_semaphore, #tpu.memory_space<semaphore_mem>>)
      %dma_wait3A_483 = arith.constant 0 : i32
      %dma_wait3A_484 = arith.constant 0 : i32
      %dma_wait3A_485 = tpu.memref_slice %arg7[%dma_wait3A_483, %dma_wait3A_484] : memref<128x128xf32, #tpu.memory_space<vmem>> -> memref<72x128xf32, #tpu.memory_space<vmem>>
      %dma_wait3A_486 = arith.constant 0 : i32
      %dma_wait3A_487 = tpu.memref_slice %arg4[%add3A_340, %dma_wait3A_486] : memref<819200x128xf32, #tpu.memory_space<hbm>> -> memref<72x128xf32, #tpu.memory_space<hbm>>
      %dma_wait3A_488 = arith.constant 0 : i32
      %dma_wait3A_489 = tpu.memref_slice %arg4[%add3A_340, %dma_wait3A_488] : memref<819200x128xf32, #tpu.memory_space<hbm>> -> memref<72x128xf32, #tpu.memory_space<hbm>>
      %dma_wait3A_490 = arith.constant 0 : i32
      %dma_wait3A_491 = arith.constant 0 : i32
      %dma_wait3A_492 = tpu.memref_slice %arg7[%dma_wait3A_490, %dma_wait3A_491] : memref<128x128xf32, #tpu.memory_space<vmem>> -> memref<72x128xf32, #tpu.memory_space<vmem>>
      tpu.wait_dma2 semaphore(%arg19 : memref<!tpu.dma_semaphore, #tpu.memory_space<semaphore_mem>>) src(%dma_wait3A_492 : memref<72x128xf32, #tpu.memory_space<vmem>>) dst(%dma_wait3A_489 : memref<72x128xf32, #tpu.memory_space<hbm>>)
      %dma_start3A_493 = arith.constant 6 : i32
      %dma_start3A_494 = arith.constant 0 : i32
      %dma_start3A_495 = arith.constant 0 : i32
      %dma_start3A_496 = tpu.memref_slice %arg7[%dma_start3A_494, %dma_start3A_495] : memref<128x128xf32, #tpu.memory_space<vmem>> -> memref<72x128xf32, #tpu.memory_space<vmem>>
      %dma_start3A_497 = arith.constant 128 : i32
      %dma_start3A_498 = tpu.memref_slice %arg5[%dma_start3A_493, %dma_start3A_497] : memref<16x200xi32, #tpu.memory_space<vmem>> -> memref<1x72xi32, #tpu.memory_space<vmem>>
      %dma_start3A_499 = tpu.memref_squeeze %dma_start3A_498 : memref<1x72xi32, #tpu.memory_space<vmem>> -> memref<72xi32, #tpu.memory_space<vmem>>
      %dma_start3A_500 = arith.constant 0 : i32
      %dma_start3A_501 = arith.constant 0 : i32
      %dma_start3A_502 = tpu.memref_slice %arg3[%dma_start3A_500, %dma_start3A_501] : memref<32256x128xf32, #tpu.memory_space<hbm>> -> memref<32256x128xf32, #tpu.memory_space<hbm>>
      tpu.enqueue_indirect_dma source(%dma_start3A_502 : memref<32256x128xf32, #tpu.memory_space<hbm>>) target(%dma_start3A_496 : memref<72x128xf32, #tpu.memory_space<vmem>>) offsets(%dma_start3A_499 : memref<72xi32, #tpu.memory_space<vmem>>) semaphore(%arg13 : memref<!tpu.dma_semaphore, #tpu.memory_space<semaphore_mem>>)
      %dma_wait3A_503 = arith.constant 5 : i32
      %dma_wait3A_504 = arith.constant 0 : i32
      %dma_wait3A_505 = arith.constant 0 : i32
      %dma_wait3A_506 = tpu.memref_slice %arg11[%dma_wait3A_504, %dma_wait3A_505] : memref<128x128xf32, #tpu.memory_space<vmem>> -> memref<72x128xf32, #tpu.memory_space<vmem>>
      %dma_wait3A_507 = arith.constant 128 : i32
      %dma_wait3A_508 = tpu.memref_slice %arg5[%dma_wait3A_503, %dma_wait3A_507] : memref<16x200xi32, #tpu.memory_space<vmem>> -> memref<1x72xi32, #tpu.memory_space<vmem>>
      %dma_wait3A_509 = tpu.memref_squeeze %dma_wait3A_508 : memref<1x72xi32, #tpu.memory_space<vmem>> -> memref<72xi32, #tpu.memory_space<vmem>>
      %dma_wait3A_510 = arith.constant 0 : i32
      %dma_wait3A_511 = arith.constant 0 : i32
      %dma_wait3A_512 = tpu.memref_slice %arg3[%dma_wait3A_510, %dma_wait3A_511] : memref<32256x128xf32, #tpu.memory_space<hbm>> -> memref<32256x128xf32, #tpu.memory_space<hbm>>
      tpu.wait_indirect_dma semaphore(%arg17 : memref<!tpu.dma_semaphore, #tpu.memory_space<semaphore_mem>>) src(%dma_wait3A_512 : memref<32256x128xf32, #tpu.memory_space<hbm>>) dst(%dma_wait3A_506 : memref<72x128xf32, #tpu.memory_space<vmem>>)
      %add3A_513 = arith.constant 1000 : i32
      %add3A_514 = arith.addi %add3A_20, %add3A_513 : i32
      %add3A_515 = arith.constant 128 : i32
      %add3A_516 = arith.addi %add3A_514, %add3A_515 : i32
      %dma_start3A_517 = arith.constant 0 : i32
      %dma_start3A_518 = arith.constant 0 : i32
      %dma_start3A_519 = tpu.memref_slice %arg11[%dma_start3A_517, %dma_start3A_518] : memref<128x128xf32, #tpu.memory_space<vmem>> -> memref<72x128xf32, #tpu.memory_space<vmem>>
      %dma_start3A_520 = arith.constant 0 : i32
      %dma_start3A_521 = tpu.memref_slice %arg4[%add3A_516, %dma_start3A_520] : memref<819200x128xf32, #tpu.memory_space<hbm>> -> memref<72x128xf32, #tpu.memory_space<hbm>>
      %dma_start3A_522 = arith.constant 0 : i32
      %dma_start3A_523 = tpu.memref_slice %arg4[%add3A_516, %dma_start3A_522] : memref<819200x128xf32, #tpu.memory_space<hbm>> -> memref<72x128xf32, #tpu.memory_space<hbm>>
      %dma_start3A_524 = arith.constant 0 : i32
      %dma_start3A_525 = arith.constant 0 : i32
      %dma_start3A_526 = tpu.memref_slice %arg11[%dma_start3A_524, %dma_start3A_525] : memref<128x128xf32, #tpu.memory_space<vmem>> -> memref<72x128xf32, #tpu.memory_space<vmem>>
      tpu.enqueue_dma source(%dma_start3A_526 : memref<72x128xf32, #tpu.memory_space<vmem>>) target(%dma_start3A_523 : memref<72x128xf32, #tpu.memory_space<hbm>>) target_semaphore(%arg23 : memref<!tpu.dma_semaphore, #tpu.memory_space<semaphore_mem>>)
      %dma_wait3A_527 = arith.constant 0 : i32
      %dma_wait3A_528 = arith.constant 0 : i32
      %dma_wait3A_529 = tpu.memref_slice %arg8[%dma_wait3A_527, %dma_wait3A_528] : memref<128x128xf32, #tpu.memory_space<vmem>> -> memref<128x128xf32, #tpu.memory_space<vmem>>
      %dma_wait3A_530 = arith.constant 0 : i32
      %dma_wait3A_531 = tpu.memref_slice %arg4[%add3A_384, %dma_wait3A_530] : memref<819200x128xf32, #tpu.memory_space<hbm>> -> memref<128x128xf32, #tpu.memory_space<hbm>>
      %dma_wait3A_532 = arith.constant 0 : i32
      %dma_wait3A_533 = tpu.memref_slice %arg4[%add3A_384, %dma_wait3A_532] : memref<819200x128xf32, #tpu.memory_space<hbm>> -> memref<128x128xf32, #tpu.memory_space<hbm>>
      %dma_wait3A_534 = arith.constant 0 : i32
      %dma_wait3A_535 = arith.constant 0 : i32
      %dma_wait3A_536 = tpu.memref_slice %arg8[%dma_wait3A_534, %dma_wait3A_535] : memref<128x128xf32, #tpu.memory_space<vmem>> -> memref<128x128xf32, #tpu.memory_space<vmem>>
      tpu.wait_dma2 semaphore(%arg20 : memref<!tpu.dma_semaphore, #tpu.memory_space<semaphore_mem>>) src(%dma_wait3A_536 : memref<128x128xf32, #tpu.memory_space<vmem>>) dst(%dma_wait3A_533 : memref<128x128xf32, #tpu.memory_space<hbm>>)
      %dma_start3A_537 = arith.constant 7 : i32
      %dma_start3A_538 = arith.constant 0 : i32
      %dma_start3A_539 = arith.constant 0 : i32
      %dma_start3A_540 = tpu.memref_slice %arg8[%dma_start3A_538, %dma_start3A_539] : memref<128x128xf32, #tpu.memory_space<vmem>> -> memref<128x128xf32, #tpu.memory_space<vmem>>
      %dma_start3A_541 = arith.constant 0 : i32
      %dma_start3A_542 = tpu.memref_slice %arg5[%dma_start3A_537, %dma_start3A_541] : memref<16x200xi32, #tpu.memory_space<vmem>> -> memref<1x128xi32, #tpu.memory_space<vmem>>
      %dma_start3A_543 = tpu.memref_squeeze %dma_start3A_542 : memref<1x128xi32, #tpu.memory_space<vmem>> -> memref<128xi32, #tpu.memory_space<vmem>>
      %dma_start3A_544 = arith.constant 0 : i32
      %dma_start3A_545 = arith.constant 0 : i32
      %dma_start3A_546 = tpu.memref_slice %arg3[%dma_start3A_544, %dma_start3A_545] : memref<32256x128xf32, #tpu.memory_space<hbm>> -> memref<32256x128xf32, #tpu.memory_space<hbm>>
      tpu.enqueue_indirect_dma source(%dma_start3A_546 : memref<32256x128xf32, #tpu.memory_space<hbm>>) target(%dma_start3A_540 : memref<128x128xf32, #tpu.memory_space<vmem>>) offsets(%dma_start3A_543 : memref<128xi32, #tpu.memory_space<vmem>>) semaphore(%arg14 : memref<!tpu.dma_semaphore, #tpu.memory_space<semaphore_mem>>)
      %dma_wait3A_547 = arith.constant 6 : i32
      %dma_wait3A_548 = arith.constant 0 : i32
      %dma_wait3A_549 = arith.constant 0 : i32
      %dma_wait3A_550 = tpu.memref_slice %arg6[%dma_wait3A_548, %dma_wait3A_549] : memref<128x128xf32, #tpu.memory_space<vmem>> -> memref<128x128xf32, #tpu.memory_space<vmem>>
      %dma_wait3A_551 = arith.constant 0 : i32
      %dma_wait3A_552 = tpu.memref_slice %arg5[%dma_wait3A_547, %dma_wait3A_551] : memref<16x200xi32, #tpu.memory_space<vmem>> -> memref<1x128xi32, #tpu.memory_space<vmem>>
      %dma_wait3A_553 = tpu.memref_squeeze %dma_wait3A_552 : memref<1x128xi32, #tpu.memory_space<vmem>> -> memref<128xi32, #tpu.memory_space<vmem>>
      %dma_wait3A_554 = arith.constant 0 : i32
      %dma_wait3A_555 = arith.constant 0 : i32
      %dma_wait3A_556 = tpu.memref_slice %arg3[%dma_wait3A_554, %dma_wait3A_555] : memref<32256x128xf32, #tpu.memory_space<hbm>> -> memref<32256x128xf32, #tpu.memory_space<hbm>>
      tpu.wait_indirect_dma semaphore(%arg12 : memref<!tpu.dma_semaphore, #tpu.memory_space<semaphore_mem>>) src(%dma_wait3A_556 : memref<32256x128xf32, #tpu.memory_space<hbm>>) dst(%dma_wait3A_550 : memref<128x128xf32, #tpu.memory_space<vmem>>)
      %add3A_557 = arith.constant 1200 : i32
      %add3A_558 = arith.addi %add3A_20, %add3A_557 : i32
      %add3A_559 = arith.constant 0 : i32
      %add3A_560 = arith.addi %add3A_558, %add3A_559 : i32
      %dma_start3A_561 = arith.constant 0 : i32
      %dma_start3A_562 = arith.constant 0 : i32
      %dma_start3A_563 = tpu.memref_slice %arg6[%dma_start3A_561, %dma_start3A_562] : memref<128x128xf32, #tpu.memory_space<vmem>> -> memref<128x128xf32, #tpu.memory_space<vmem>>
      %dma_start3A_564 = arith.constant 0 : i32
      %dma_start3A_565 = tpu.memref_slice %arg4[%add3A_560, %dma_start3A_564] : memref<819200x128xf32, #tpu.memory_space<hbm>> -> memref<128x128xf32, #tpu.memory_space<hbm>>
      %dma_start3A_566 = arith.constant 0 : i32
      %dma_start3A_567 = tpu.memref_slice %arg4[%add3A_560, %dma_start3A_566] : memref<819200x128xf32, #tpu.memory_space<hbm>> -> memref<128x128xf32, #tpu.memory_space<hbm>>
      %dma_start3A_568 = arith.constant 0 : i32
      %dma_start3A_569 = arith.constant 0 : i32
      %dma_start3A_570 = tpu.memref_slice %arg6[%dma_start3A_568, %dma_start3A_569] : memref<128x128xf32, #tpu.memory_space<vmem>> -> memref<128x128xf32, #tpu.memory_space<vmem>>
      tpu.enqueue_dma source(%dma_start3A_570 : memref<128x128xf32, #tpu.memory_space<vmem>>) target(%dma_start3A_567 : memref<128x128xf32, #tpu.memory_space<hbm>>) target_semaphore(%arg18 : memref<!tpu.dma_semaphore, #tpu.memory_space<semaphore_mem>>)
      %dma_wait3A_571 = arith.constant 0 : i32
      %dma_wait3A_572 = arith.constant 0 : i32
      %dma_wait3A_573 = tpu.memref_slice %arg9[%dma_wait3A_571, %dma_wait3A_572] : memref<128x128xf32, #tpu.memory_space<vmem>> -> memref<72x128xf32, #tpu.memory_space<vmem>>
      %dma_wait3A_574 = arith.constant 0 : i32
      %dma_wait3A_575 = tpu.memref_slice %arg4[%add3A_428, %dma_wait3A_574] : memref<819200x128xf32, #tpu.memory_space<hbm>> -> memref<72x128xf32, #tpu.memory_space<hbm>>
      %dma_wait3A_576 = arith.constant 0 : i32
      %dma_wait3A_577 = tpu.memref_slice %arg4[%add3A_428, %dma_wait3A_576] : memref<819200x128xf32, #tpu.memory_space<hbm>> -> memref<72x128xf32, #tpu.memory_space<hbm>>
      %dma_wait3A_578 = arith.constant 0 : i32
      %dma_wait3A_579 = arith.constant 0 : i32
      %dma_wait3A_580 = tpu.memref_slice %arg9[%dma_wait3A_578, %dma_wait3A_579] : memref<128x128xf32, #tpu.memory_space<vmem>> -> memref<72x128xf32, #tpu.memory_space<vmem>>
      tpu.wait_dma2 semaphore(%arg21 : memref<!tpu.dma_semaphore, #tpu.memory_space<semaphore_mem>>) src(%dma_wait3A_580 : memref<72x128xf32, #tpu.memory_space<vmem>>) dst(%dma_wait3A_577 : memref<72x128xf32, #tpu.memory_space<hbm>>)
      %dma_start3A_581 = arith.constant 7 : i32
      %dma_start3A_582 = arith.constant 0 : i32
      %dma_start3A_583 = arith.constant 0 : i32
      %dma_start3A_584 = tpu.memref_slice %arg9[%dma_start3A_582, %dma_start3A_583] : memref<128x128xf32, #tpu.memory_space<vmem>> -> memref<72x128xf32, #tpu.memory_space<vmem>>
      %dma_start3A_585 = arith.constant 128 : i32
      %dma_start3A_586 = tpu.memref_slice %arg5[%dma_start3A_581, %dma_start3A_585] : memref<16x200xi32, #tpu.memory_space<vmem>> -> memref<1x72xi32, #tpu.memory_space<vmem>>
      %dma_start3A_587 = tpu.memref_squeeze %dma_start3A_586 : memref<1x72xi32, #tpu.memory_space<vmem>> -> memref<72xi32, #tpu.memory_space<vmem>>
      %dma_start3A_588 = arith.constant 0 : i32
      %dma_start3A_589 = arith.constant 0 : i32
      %dma_start3A_590 = tpu.memref_slice %arg3[%dma_start3A_588, %dma_start3A_589] : memref<32256x128xf32, #tpu.memory_space<hbm>> -> memref<32256x128xf32, #tpu.memory_space<hbm>>
      tpu.enqueue_indirect_dma source(%dma_start3A_590 : memref<32256x128xf32, #tpu.memory_space<hbm>>) target(%dma_start3A_584 : memref<72x128xf32, #tpu.memory_space<vmem>>) offsets(%dma_start3A_587 : memref<72xi32, #tpu.memory_space<vmem>>) semaphore(%arg15 : memref<!tpu.dma_semaphore, #tpu.memory_space<semaphore_mem>>)
      %dma_wait3A_591 = arith.constant 6 : i32
      %dma_wait3A_592 = arith.constant 0 : i32
      %dma_wait3A_593 = arith.constant 0 : i32
      %dma_wait3A_594 = tpu.memref_slice %arg7[%dma_wait3A_592, %dma_wait3A_593] : memref<128x128xf32, #tpu.memory_space<vmem>> -> memref<72x128xf32, #tpu.memory_space<vmem>>
      %dma_wait3A_595 = arith.constant 128 : i32
      %dma_wait3A_596 = tpu.memref_slice %arg5[%dma_wait3A_591, %dma_wait3A_595] : memref<16x200xi32, #tpu.memory_space<vmem>> -> memref<1x72xi32, #tpu.memory_space<vmem>>
      %dma_wait3A_597 = tpu.memref_squeeze %dma_wait3A_596 : memref<1x72xi32, #tpu.memory_space<vmem>> -> memref<72xi32, #tpu.memory_space<vmem>>
      %dma_wait3A_598 = arith.constant 0 : i32
      %dma_wait3A_599 = arith.constant 0 : i32
      %dma_wait3A_600 = tpu.memref_slice %arg3[%dma_wait3A_598, %dma_wait3A_599] : memref<32256x128xf32, #tpu.memory_space<hbm>> -> memref<32256x128xf32, #tpu.memory_space<hbm>>
      tpu.wait_indirect_dma semaphore(%arg13 : memref<!tpu.dma_semaphore, #tpu.memory_space<semaphore_mem>>) src(%dma_wait3A_600 : memref<32256x128xf32, #tpu.memory_space<hbm>>) dst(%dma_wait3A_594 : memref<72x128xf32, #tpu.memory_space<vmem>>)
      %add3A_601 = arith.constant 1200 : i32
      %add3A_602 = arith.addi %add3A_20, %add3A_601 : i32
      %add3A_603 = arith.constant 128 : i32
      %add3A_604 = arith.addi %add3A_602, %add3A_603 : i32
      %dma_start3A_605 = arith.constant 0 : i32
      %dma_start3A_606 = arith.constant 0 : i32
      %dma_start3A_607 = tpu.memref_slice %arg7[%dma_start3A_605, %dma_start3A_606] : memref<128x128xf32, #tpu.memory_space<vmem>> -> memref<72x128xf32, #tpu.memory_space<vmem>>
      %dma_start3A_608 = arith.constant 0 : i32
      %dma_start3A_609 = tpu.memref_slice %arg4[%add3A_604, %dma_start3A_608] : memref<819200x128xf32, #tpu.memory_space<hbm>> -> memref<72x128xf32, #tpu.memory_space<hbm>>
      %dma_start3A_610 = arith.constant 0 : i32
      %dma_start3A_611 = tpu.memref_slice %arg4[%add3A_604, %dma_start3A_610] : memref<819200x128xf32, #tpu.memory_space<hbm>> -> memref<72x128xf32, #tpu.memory_space<hbm>>
      %dma_start3A_612 = arith.constant 0 : i32
      %dma_start3A_613 = arith.constant 0 : i32
      %dma_start3A_614 = tpu.memref_slice %arg7[%dma_start3A_612, %dma_start3A_613] : memref<128x128xf32, #tpu.memory_space<vmem>> -> memref<72x128xf32, #tpu.memory_space<vmem>>
      tpu.enqueue_dma source(%dma_start3A_614 : memref<72x128xf32, #tpu.memory_space<vmem>>) target(%dma_start3A_611 : memref<72x128xf32, #tpu.memory_space<hbm>>) target_semaphore(%arg19 : memref<!tpu.dma_semaphore, #tpu.memory_space<semaphore_mem>>)
      %dma_wait3A_615 = arith.constant 0 : i32
      %dma_wait3A_616 = arith.constant 0 : i32
      %dma_wait3A_617 = tpu.memref_slice %arg10[%dma_wait3A_615, %dma_wait3A_616] : memref<128x128xf32, #tpu.memory_space<vmem>> -> memref<128x128xf32, #tpu.memory_space<vmem>>
      %dma_wait3A_618 = arith.constant 0 : i32
      %dma_wait3A_619 = tpu.memref_slice %arg4[%add3A_472, %dma_wait3A_618] : memref<819200x128xf32, #tpu.memory_space<hbm>> -> memref<128x128xf32, #tpu.memory_space<hbm>>
      %dma_wait3A_620 = arith.constant 0 : i32
      %dma_wait3A_621 = tpu.memref_slice %arg4[%add3A_472, %dma_wait3A_620] : memref<819200x128xf32, #tpu.memory_space<hbm>> -> memref<128x128xf32, #tpu.memory_space<hbm>>
      %dma_wait3A_622 = arith.constant 0 : i32
      %dma_wait3A_623 = arith.constant 0 : i32
      %dma_wait3A_624 = tpu.memref_slice %arg10[%dma_wait3A_622, %dma_wait3A_623] : memref<128x128xf32, #tpu.memory_space<vmem>> -> memref<128x128xf32, #tpu.memory_space<vmem>>
      tpu.wait_dma2 semaphore(%arg22 : memref<!tpu.dma_semaphore, #tpu.memory_space<semaphore_mem>>) src(%dma_wait3A_624 : memref<128x128xf32, #tpu.memory_space<vmem>>) dst(%dma_wait3A_621 : memref<128x128xf32, #tpu.memory_space<hbm>>)
      %dma_start3A_625 = arith.constant 8 : i32
      %dma_start3A_626 = arith.constant 0 : i32
      %dma_start3A_627 = arith.constant 0 : i32
      %dma_start3A_628 = tpu.memref_slice %arg10[%dma_start3A_626, %dma_start3A_627] : memref<128x128xf32, #tpu.memory_space<vmem>> -> memref<128x128xf32, #tpu.memory_space<vmem>>
      %dma_start3A_629 = arith.constant 0 : i32
      %dma_start3A_630 = tpu.memref_slice %arg5[%dma_start3A_625, %dma_start3A_629] : memref<16x200xi32, #tpu.memory_space<vmem>> -> memref<1x128xi32, #tpu.memory_space<vmem>>
      %dma_start3A_631 = tpu.memref_squeeze %dma_start3A_630 : memref<1x128xi32, #tpu.memory_space<vmem>> -> memref<128xi32, #tpu.memory_space<vmem>>
      %dma_start3A_632 = arith.constant 0 : i32
      %dma_start3A_633 = arith.constant 0 : i32
      %dma_start3A_634 = tpu.memref_slice %arg3[%dma_start3A_632, %dma_start3A_633] : memref<32256x128xf32, #tpu.memory_space<hbm>> -> memref<32256x128xf32, #tpu.memory_space<hbm>>
      tpu.enqueue_indirect_dma source(%dma_start3A_634 : memref<32256x128xf32, #tpu.memory_space<hbm>>) target(%dma_start3A_628 : memref<128x128xf32, #tpu.memory_space<vmem>>) offsets(%dma_start3A_631 : memref<128xi32, #tpu.memory_space<vmem>>) semaphore(%arg16 : memref<!tpu.dma_semaphore, #tpu.memory_space<semaphore_mem>>)
      %dma_wait3A_635 = arith.constant 7 : i32
      %dma_wait3A_636 = arith.constant 0 : i32
      %dma_wait3A_637 = arith.constant 0 : i32
      %dma_wait3A_638 = tpu.memref_slice %arg8[%dma_wait3A_636, %dma_wait3A_637] : memref<128x128xf32, #tpu.memory_space<vmem>> -> memref<128x128xf32, #tpu.memory_space<vmem>>
      %dma_wait3A_639 = arith.constant 0 : i32
      %dma_wait3A_640 = tpu.memref_slice %arg5[%dma_wait3A_635, %dma_wait3A_639] : memref<16x200xi32, #tpu.memory_space<vmem>> -> memref<1x128xi32, #tpu.memory_space<vmem>>
      %dma_wait3A_641 = tpu.memref_squeeze %dma_wait3A_640 : memref<1x128xi32, #tpu.memory_space<vmem>> -> memref<128xi32, #tpu.memory_space<vmem>>
      %dma_wait3A_642 = arith.constant 0 : i32
      %dma_wait3A_643 = arith.constant 0 : i32
      %dma_wait3A_644 = tpu.memref_slice %arg3[%dma_wait3A_642, %dma_wait3A_643] : memref<32256x128xf32, #tpu.memory_space<hbm>> -> memref<32256x128xf32, #tpu.memory_space<hbm>>
      tpu.wait_indirect_dma semaphore(%arg14 : memref<!tpu.dma_semaphore, #tpu.memory_space<semaphore_mem>>) src(%dma_wait3A_644 : memref<32256x128xf32, #tpu.memory_space<hbm>>) dst(%dma_wait3A_638 : memref<128x128xf32, #tpu.memory_space<vmem>>)
      %add3A_645 = arith.constant 1400 : i32
      %add3A_646 = arith.addi %add3A_20, %add3A_645 : i32
      %add3A_647 = arith.constant 0 : i32
      %add3A_648 = arith.addi %add3A_646, %add3A_647 : i32
      %dma_start3A_649 = arith.constant 0 : i32
      %dma_start3A_650 = arith.constant 0 : i32
      %dma_start3A_651 = tpu.memref_slice %arg8[%dma_start3A_649, %dma_start3A_650] : memref<128x128xf32, #tpu.memory_space<vmem>> -> memref<128x128xf32, #tpu.memory_space<vmem>>
      %dma_start3A_652 = arith.constant 0 : i32
      %dma_start3A_653 = tpu.memref_slice %arg4[%add3A_648, %dma_start3A_652] : memref<819200x128xf32, #tpu.memory_space<hbm>> -> memref<128x128xf32, #tpu.memory_space<hbm>>
      %dma_start3A_654 = arith.constant 0 : i32
      %dma_start3A_655 = tpu.memref_slice %arg4[%add3A_648, %dma_start3A_654] : memref<819200x128xf32, #tpu.memory_space<hbm>> -> memref<128x128xf32, #tpu.memory_space<hbm>>
      %dma_start3A_656 = arith.constant 0 : i32
      %dma_start3A_657 = arith.constant 0 : i32
      %dma_start3A_658 = tpu.memref_slice %arg8[%dma_start3A_656, %dma_start3A_657] : memref<128x128xf32, #tpu.memory_space<vmem>> -> memref<128x128xf32, #tpu.memory_space<vmem>>
      tpu.enqueue_dma source(%dma_start3A_658 : memref<128x128xf32, #tpu.memory_space<vmem>>) target(%dma_start3A_655 : memref<128x128xf32, #tpu.memory_space<hbm>>) target_semaphore(%arg20 : memref<!tpu.dma_semaphore, #tpu.memory_space<semaphore_mem>>)
      %dma_wait3A_659 = arith.constant 0 : i32
      %dma_wait3A_660 = arith.constant 0 : i32
      %dma_wait3A_661 = tpu.memref_slice %arg11[%dma_wait3A_659, %dma_wait3A_660] : memref<128x128xf32, #tpu.memory_space<vmem>> -> memref<72x128xf32, #tpu.memory_space<vmem>>
      %dma_wait3A_662 = arith.constant 0 : i32
      %dma_wait3A_663 = tpu.memref_slice %arg4[%add3A_516, %dma_wait3A_662] : memref<819200x128xf32, #tpu.memory_space<hbm>> -> memref<72x128xf32, #tpu.memory_space<hbm>>
      %dma_wait3A_664 = arith.constant 0 : i32
      %dma_wait3A_665 = tpu.memref_slice %arg4[%add3A_516, %dma_wait3A_664] : memref<819200x128xf32, #tpu.memory_space<hbm>> -> memref<72x128xf32, #tpu.memory_space<hbm>>
      %dma_wait3A_666 = arith.constant 0 : i32
      %dma_wait3A_667 = arith.constant 0 : i32
      %dma_wait3A_668 = tpu.memref_slice %arg11[%dma_wait3A_666, %dma_wait3A_667] : memref<128x128xf32, #tpu.memory_space<vmem>> -> memref<72x128xf32, #tpu.memory_space<vmem>>
      tpu.wait_dma2 semaphore(%arg23 : memref<!tpu.dma_semaphore, #tpu.memory_space<semaphore_mem>>) src(%dma_wait3A_668 : memref<72x128xf32, #tpu.memory_space<vmem>>) dst(%dma_wait3A_665 : memref<72x128xf32, #tpu.memory_space<hbm>>)
      %dma_start3A_669 = arith.constant 8 : i32
      %dma_start3A_670 = arith.constant 0 : i32
      %dma_start3A_671 = arith.constant 0 : i32
      %dma_start3A_672 = tpu.memref_slice %arg11[%dma_start3A_670, %dma_start3A_671] : memref<128x128xf32, #tpu.memory_space<vmem>> -> memref<72x128xf32, #tpu.memory_space<vmem>>
      %dma_start3A_673 = arith.constant 128 : i32
      %dma_start3A_674 = tpu.memref_slice %arg5[%dma_start3A_669, %dma_start3A_673] : memref<16x200xi32, #tpu.memory_space<vmem>> -> memref<1x72xi32, #tpu.memory_space<vmem>>
      %dma_start3A_675 = tpu.memref_squeeze %dma_start3A_674 : memref<1x72xi32, #tpu.memory_space<vmem>> -> memref<72xi32, #tpu.memory_space<vmem>>
      %dma_start3A_676 = arith.constant 0 : i32
      %dma_start3A_677 = arith.constant 0 : i32
      %dma_start3A_678 = tpu.memref_slice %arg3[%dma_start3A_676, %dma_start3A_677] : memref<32256x128xf32, #tpu.memory_space<hbm>> -> memref<32256x128xf32, #tpu.memory_space<hbm>>
      tpu.enqueue_indirect_dma source(%dma_start3A_678 : memref<32256x128xf32, #tpu.memory_space<hbm>>) target(%dma_start3A_672 : memref<72x128xf32, #tpu.memory_space<vmem>>) offsets(%dma_start3A_675 : memref<72xi32, #tpu.memory_space<vmem>>) semaphore(%arg17 : memref<!tpu.dma_semaphore, #tpu.memory_space<semaphore_mem>>)
      %dma_wait3A_679 = arith.constant 7 : i32
      %dma_wait3A_680 = arith.constant 0 : i32
      %dma_wait3A_681 = arith.constant 0 : i32
      %dma_wait3A_682 = tpu.memref_slice %arg9[%dma_wait3A_680, %dma_wait3A_681] : memref<128x128xf32, #tpu.memory_space<vmem>> -> memref<72x128xf32, #tpu.memory_space<vmem>>
      %dma_wait3A_683 = arith.constant 128 : i32
      %dma_wait3A_684 = tpu.memref_slice %arg5[%dma_wait3A_679, %dma_wait3A_683] : memref<16x200xi32, #tpu.memory_space<vmem>> -> memref<1x72xi32, #tpu.memory_space<vmem>>
      %dma_wait3A_685 = tpu.memref_squeeze %dma_wait3A_684 : memref<1x72xi32, #tpu.memory_space<vmem>> -> memref<72xi32, #tpu.memory_space<vmem>>
      %dma_wait3A_686 = arith.constant 0 : i32
      %dma_wait3A_687 = arith.constant 0 : i32
      %dma_wait3A_688 = tpu.memref_slice %arg3[%dma_wait3A_686, %dma_wait3A_687] : memref<32256x128xf32, #tpu.memory_space<hbm>> -> memref<32256x128xf32, #tpu.memory_space<hbm>>
      tpu.wait_indirect_dma semaphore(%arg15 : memref<!tpu.dma_semaphore, #tpu.memory_space<semaphore_mem>>) src(%dma_wait3A_688 : memref<32256x128xf32, #tpu.memory_space<hbm>>) dst(%dma_wait3A_682 : memref<72x128xf32, #tpu.memory_space<vmem>>)
      %add3A_689 = arith.constant 1400 : i32
      %add3A_690 = arith.addi %add3A_20, %add3A_689 : i32
      %add3A_691 = arith.constant 128 : i32
      %add3A_692 = arith.addi %add3A_690, %add3A_691 : i32
      %dma_start3A_693 = arith.constant 0 : i32
      %dma_start3A_694 = arith.constant 0 : i32
      %dma_start3A_695 = tpu.memref_slice %arg9[%dma_start3A_693, %dma_start3A_694] : memref<128x128xf32, #tpu.memory_space<vmem>> -> memref<72x128xf32, #tpu.memory_space<vmem>>
      %dma_start3A_696 = arith.constant 0 : i32
      %dma_start3A_697 = tpu.memref_slice %arg4[%add3A_692, %dma_start3A_696] : memref<819200x128xf32, #tpu.memory_space<hbm>> -> memref<72x128xf32, #tpu.memory_space<hbm>>
      %dma_start3A_698 = arith.constant 0 : i32
      %dma_start3A_699 = tpu.memref_slice %arg4[%add3A_692, %dma_start3A_698] : memref<819200x128xf32, #tpu.memory_space<hbm>> -> memref<72x128xf32, #tpu.memory_space<hbm>>
      %dma_start3A_700 = arith.constant 0 : i32
      %dma_start3A_701 = arith.constant 0 : i32
      %dma_start3A_702 = tpu.memref_slice %arg9[%dma_start3A_700, %dma_start3A_701] : memref<128x128xf32, #tpu.memory_space<vmem>> -> memref<72x128xf32, #tpu.memory_space<vmem>>
      tpu.enqueue_dma source(%dma_start3A_702 : memref<72x128xf32, #tpu.memory_space<vmem>>) target(%dma_start3A_699 : memref<72x128xf32, #tpu.memory_space<hbm>>) target_semaphore(%arg21 : memref<!tpu.dma_semaphore, #tpu.memory_space<semaphore_mem>>)
      %dma_wait3A_703 = arith.constant 0 : i32
      %dma_wait3A_704 = arith.constant 0 : i32
      %dma_wait3A_705 = tpu.memref_slice %arg6[%dma_wait3A_703, %dma_wait3A_704] : memref<128x128xf32, #tpu.memory_space<vmem>> -> memref<128x128xf32, #tpu.memory_space<vmem>>
      %dma_wait3A_706 = arith.constant 0 : i32
      %dma_wait3A_707 = tpu.memref_slice %arg4[%add3A_560, %dma_wait3A_706] : memref<819200x128xf32, #tpu.memory_space<hbm>> -> memref<128x128xf32, #tpu.memory_space<hbm>>
      %dma_wait3A_708 = arith.constant 0 : i32
      %dma_wait3A_709 = tpu.memref_slice %arg4[%add3A_560, %dma_wait3A_708] : memref<819200x128xf32, #tpu.memory_space<hbm>> -> memref<128x128xf32, #tpu.memory_space<hbm>>
      %dma_wait3A_710 = arith.constant 0 : i32
      %dma_wait3A_711 = arith.constant 0 : i32
      %dma_wait3A_712 = tpu.memref_slice %arg6[%dma_wait3A_710, %dma_wait3A_711] : memref<128x128xf32, #tpu.memory_space<vmem>> -> memref<128x128xf32, #tpu.memory_space<vmem>>
      tpu.wait_dma2 semaphore(%arg18 : memref<!tpu.dma_semaphore, #tpu.memory_space<semaphore_mem>>) src(%dma_wait3A_712 : memref<128x128xf32, #tpu.memory_space<vmem>>) dst(%dma_wait3A_709 : memref<128x128xf32, #tpu.memory_space<hbm>>)
      %dma_start3A_713 = arith.constant 9 : i32
      %dma_start3A_714 = arith.constant 0 : i32
      %dma_start3A_715 = arith.constant 0 : i32
      %dma_start3A_716 = tpu.memref_slice %arg6[%dma_start3A_714, %dma_start3A_715] : memref<128x128xf32, #tpu.memory_space<vmem>> -> memref<128x128xf32, #tpu.memory_space<vmem>>
      %dma_start3A_717 = arith.constant 0 : i32
      %dma_start3A_718 = tpu.memref_slice %arg5[%dma_start3A_713, %dma_start3A_717] : memref<16x200xi32, #tpu.memory_space<vmem>> -> memref<1x128xi32, #tpu.memory_space<vmem>>
      %dma_start3A_719 = tpu.memref_squeeze %dma_start3A_718 : memref<1x128xi32, #tpu.memory_space<vmem>> -> memref<128xi32, #tpu.memory_space<vmem>>
      %dma_start3A_720 = arith.constant 0 : i32
      %dma_start3A_721 = arith.constant 0 : i32
      %dma_start3A_722 = tpu.memref_slice %arg3[%dma_start3A_720, %dma_start3A_721] : memref<32256x128xf32, #tpu.memory_space<hbm>> -> memref<32256x128xf32, #tpu.memory_space<hbm>>
      tpu.enqueue_indirect_dma source(%dma_start3A_722 : memref<32256x128xf32, #tpu.memory_space<hbm>>) target(%dma_start3A_716 : memref<128x128xf32, #tpu.memory_space<vmem>>) offsets(%dma_start3A_719 : memref<128xi32, #tpu.memory_space<vmem>>) semaphore(%arg12 : memref<!tpu.dma_semaphore, #tpu.memory_space<semaphore_mem>>)
      %dma_wait3A_723 = arith.constant 8 : i32
      %dma_wait3A_724 = arith.constant 0 : i32
      %dma_wait3A_725 = arith.constant 0 : i32
      %dma_wait3A_726 = tpu.memref_slice %arg10[%dma_wait3A_724, %dma_wait3A_725] : memref<128x128xf32, #tpu.memory_space<vmem>> -> memref<128x128xf32, #tpu.memory_space<vmem>>
      %dma_wait3A_727 = arith.constant 0 : i32
      %dma_wait3A_728 = tpu.memref_slice %arg5[%dma_wait3A_723, %dma_wait3A_727] : memref<16x200xi32, #tpu.memory_space<vmem>> -> memref<1x128xi32, #tpu.memory_space<vmem>>
      %dma_wait3A_729 = tpu.memref_squeeze %dma_wait3A_728 : memref<1x128xi32, #tpu.memory_space<vmem>> -> memref<128xi32, #tpu.memory_space<vmem>>
      %dma_wait3A_730 = arith.constant 0 : i32
      %dma_wait3A_731 = arith.constant 0 : i32
      %dma_wait3A_732 = tpu.memref_slice %arg3[%dma_wait3A_730, %dma_wait3A_731] : memref<32256x128xf32, #tpu.memory_space<hbm>> -> memref<32256x128xf32, #tpu.memory_space<hbm>>
      tpu.wait_indirect_dma semaphore(%arg16 : memref<!tpu.dma_semaphore, #tpu.memory_space<semaphore_mem>>) src(%dma_wait3A_732 : memref<32256x128xf32, #tpu.memory_space<hbm>>) dst(%dma_wait3A_726 : memref<128x128xf32, #tpu.memory_space<vmem>>)
      %add3A_733 = arith.constant 1600 : i32
      %add3A_734 = arith.addi %add3A_20, %add3A_733 : i32
      %add3A_735 = arith.constant 0 : i32
      %add3A_736 = arith.addi %add3A_734, %add3A_735 : i32
      %dma_start3A_737 = arith.constant 0 : i32
      %dma_start3A_738 = arith.constant 0 : i32
      %dma_start3A_739 = tpu.memref_slice %arg10[%dma_start3A_737, %dma_start3A_738] : memref<128x128xf32, #tpu.memory_space<vmem>> -> memref<128x128xf32, #tpu.memory_space<vmem>>
      %dma_start3A_740 = arith.constant 0 : i32
      %dma_start3A_741 = tpu.memref_slice %arg4[%add3A_736, %dma_start3A_740] : memref<819200x128xf32, #tpu.memory_space<hbm>> -> memref<128x128xf32, #tpu.memory_space<hbm>>
      %dma_start3A_742 = arith.constant 0 : i32
      %dma_start3A_743 = tpu.memref_slice %arg4[%add3A_736, %dma_start3A_742] : memref<819200x128xf32, #tpu.memory_space<hbm>> -> memref<128x128xf32, #tpu.memory_space<hbm>>
      %dma_start3A_744 = arith.constant 0 : i32
      %dma_start3A_745 = arith.constant 0 : i32
      %dma_start3A_746 = tpu.memref_slice %arg10[%dma_start3A_744, %dma_start3A_745] : memref<128x128xf32, #tpu.memory_space<vmem>> -> memref<128x128xf32, #tpu.memory_space<vmem>>
      tpu.enqueue_dma source(%dma_start3A_746 : memref<128x128xf32, #tpu.memory_space<vmem>>) target(%dma_start3A_743 : memref<128x128xf32, #tpu.memory_space<hbm>>) target_semaphore(%arg22 : memref<!tpu.dma_semaphore, #tpu.memory_space<semaphore_mem>>)
      %dma_wait3A_747 = arith.constant 0 : i32
      %dma_wait3A_748 = arith.constant 0 : i32
      %dma_wait3A_749 = tpu.memref_slice %arg7[%dma_wait3A_747, %dma_wait3A_748] : memref<128x128xf32, #tpu.memory_space<vmem>> -> memref<72x128xf32, #tpu.memory_space<vmem>>
      %dma_wait3A_750 = arith.constant 0 : i32
      %dma_wait3A_751 = tpu.memref_slice %arg4[%add3A_604, %dma_wait3A_750] : memref<819200x128xf32, #tpu.memory_space<hbm>> -> memref<72x128xf32, #tpu.memory_space<hbm>>
      %dma_wait3A_752 = arith.constant 0 : i32
      %dma_wait3A_753 = tpu.memref_slice %arg4[%add3A_604, %dma_wait3A_752] : memref<819200x128xf32, #tpu.memory_space<hbm>> -> memref<72x128xf32, #tpu.memory_space<hbm>>
      %dma_wait3A_754 = arith.constant 0 : i32
      %dma_wait3A_755 = arith.constant 0 : i32
      %dma_wait3A_756 = tpu.memref_slice %arg7[%dma_wait3A_754, %dma_wait3A_755] : memref<128x128xf32, #tpu.memory_space<vmem>> -> memref<72x128xf32, #tpu.memory_space<vmem>>
      tpu.wait_dma2 semaphore(%arg19 : memref<!tpu.dma_semaphore, #tpu.memory_space<semaphore_mem>>) src(%dma_wait3A_756 : memref<72x128xf32, #tpu.memory_space<vmem>>) dst(%dma_wait3A_753 : memref<72x128xf32, #tpu.memory_space<hbm>>)
      %dma_start3A_757 = arith.constant 9 : i32
      %dma_start3A_758 = arith.constant 0 : i32
      %dma_start3A_759 = arith.constant 0 : i32
      %dma_start3A_760 = tpu.memref_slice %arg7[%dma_start3A_758, %dma_start3A_759] : memref<128x128xf32, #tpu.memory_space<vmem>> -> memref<72x128xf32, #tpu.memory_space<vmem>>
      %dma_start3A_761 = arith.constant 128 : i32
      %dma_start3A_762 = tpu.memref_slice %arg5[%dma_start3A_757, %dma_start3A_761] : memref<16x200xi32, #tpu.memory_space<vmem>> -> memref<1x72xi32, #tpu.memory_space<vmem>>
      %dma_start3A_763 = tpu.memref_squeeze %dma_start3A_762 : memref<1x72xi32, #tpu.memory_space<vmem>> -> memref<72xi32, #tpu.memory_space<vmem>>
      %dma_start3A_764 = arith.constant 0 : i32
      %dma_start3A_765 = arith.constant 0 : i32
      %dma_start3A_766 = tpu.memref_slice %arg3[%dma_start3A_764, %dma_start3A_765] : memref<32256x128xf32, #tpu.memory_space<hbm>> -> memref<32256x128xf32, #tpu.memory_space<hbm>>
      tpu.enqueue_indirect_dma source(%dma_start3A_766 : memref<32256x128xf32, #tpu.memory_space<hbm>>) target(%dma_start3A_760 : memref<72x128xf32, #tpu.memory_space<vmem>>) offsets(%dma_start3A_763 : memref<72xi32, #tpu.memory_space<vmem>>) semaphore(%arg13 : memref<!tpu.dma_semaphore, #tpu.memory_space<semaphore_mem>>)
      %dma_wait3A_767 = arith.constant 8 : i32
      %dma_wait3A_768 = arith.constant 0 : i32
      %dma_wait3A_769 = arith.constant 0 : i32
      %dma_wait3A_770 = tpu.memref_slice %arg11[%dma_wait3A_768, %dma_wait3A_769] : memref<128x128xf32, #tpu.memory_space<vmem>> -> memref<72x128xf32, #tpu.memory_space<vmem>>
      %dma_wait3A_771 = arith.constant 128 : i32
      %dma_wait3A_772 = tpu.memref_slice %arg5[%dma_wait3A_767, %dma_wait3A_771] : memref<16x200xi32, #tpu.memory_space<vmem>> -> memref<1x72xi32, #tpu.memory_space<vmem>>
      %dma_wait3A_773 = tpu.memref_squeeze %dma_wait3A_772 : memref<1x72xi32, #tpu.memory_space<vmem>> -> memref<72xi32, #tpu.memory_space<vmem>>
      %dma_wait3A_774 = arith.constant 0 : i32
      %dma_wait3A_775 = arith.constant 0 : i32
      %dma_wait3A_776 = tpu.memref_slice %arg3[%dma_wait3A_774, %dma_wait3A_775] : memref<32256x128xf32, #tpu.memory_space<hbm>> -> memref<32256x128xf32, #tpu.memory_space<hbm>>
      tpu.wait_indirect_dma semaphore(%arg17 : memref<!tpu.dma_semaphore, #tpu.memory_space<semaphore_mem>>) src(%dma_wait3A_776 : memref<32256x128xf32, #tpu.memory_space<hbm>>) dst(%dma_wait3A_770 : memref<72x128xf32, #tpu.memory_space<vmem>>)
      %add3A_777 = arith.constant 1600 : i32
      %add3A_778 = arith.addi %add3A_20, %add3A_777 : i32
      %add3A_779 = arith.constant 128 : i32
      %add3A_780 = arith.addi %add3A_778, %add3A_779 : i32
      %dma_start3A_781 = arith.constant 0 : i32
      %dma_start3A_782 = arith.constant 0 : i32
      %dma_start3A_783 = tpu.memref_slice %arg11[%dma_start3A_781, %dma_start3A_782] : memref<128x128xf32, #tpu.memory_space<vmem>> -> memref<72x128xf32, #tpu.memory_space<vmem>>
      %dma_start3A_784 = arith.constant 0 : i32
      %dma_start3A_785 = tpu.memref_slice %arg4[%add3A_780, %dma_start3A_784] : memref<819200x128xf32, #tpu.memory_space<hbm>> -> memref<72x128xf32, #tpu.memory_space<hbm>>
      %dma_start3A_786 = arith.constant 0 : i32
      %dma_start3A_787 = tpu.memref_slice %arg4[%add3A_780, %dma_start3A_786] : memref<819200x128xf32, #tpu.memory_space<hbm>> -> memref<72x128xf32, #tpu.memory_space<hbm>>
      %dma_start3A_788 = arith.constant 0 : i32
      %dma_start3A_789 = arith.constant 0 : i32
      %dma_start3A_790 = tpu.memref_slice %arg11[%dma_start3A_788, %dma_start3A_789] : memref<128x128xf32, #tpu.memory_space<vmem>> -> memref<72x128xf32, #tpu.memory_space<vmem>>
      tpu.enqueue_dma source(%dma_start3A_790 : memref<72x128xf32, #tpu.memory_space<vmem>>) target(%dma_start3A_787 : memref<72x128xf32, #tpu.memory_space<hbm>>) target_semaphore(%arg23 : memref<!tpu.dma_semaphore, #tpu.memory_space<semaphore_mem>>)
      %dma_wait3A_791 = arith.constant 0 : i32
      %dma_wait3A_792 = arith.constant 0 : i32
      %dma_wait3A_793 = tpu.memref_slice %arg8[%dma_wait3A_791, %dma_wait3A_792] : memref<128x128xf32, #tpu.memory_space<vmem>> -> memref<128x128xf32, #tpu.memory_space<vmem>>
      %dma_wait3A_794 = arith.constant 0 : i32
      %dma_wait3A_795 = tpu.memref_slice %arg4[%add3A_648, %dma_wait3A_794] : memref<819200x128xf32, #tpu.memory_space<hbm>> -> memref<128x128xf32, #tpu.memory_space<hbm>>
      %dma_wait3A_796 = arith.constant 0 : i32
      %dma_wait3A_797 = tpu.memref_slice %arg4[%add3A_648, %dma_wait3A_796] : memref<819200x128xf32, #tpu.memory_space<hbm>> -> memref<128x128xf32, #tpu.memory_space<hbm>>
      %dma_wait3A_798 = arith.constant 0 : i32
      %dma_wait3A_799 = arith.constant 0 : i32
      %dma_wait3A_800 = tpu.memref_slice %arg8[%dma_wait3A_798, %dma_wait3A_799] : memref<128x128xf32, #tpu.memory_space<vmem>> -> memref<128x128xf32, #tpu.memory_space<vmem>>
      tpu.wait_dma2 semaphore(%arg20 : memref<!tpu.dma_semaphore, #tpu.memory_space<semaphore_mem>>) src(%dma_wait3A_800 : memref<128x128xf32, #tpu.memory_space<vmem>>) dst(%dma_wait3A_797 : memref<128x128xf32, #tpu.memory_space<hbm>>)
      %dma_start3A_801 = arith.constant 10 : i32
      %dma_start3A_802 = arith.constant 0 : i32
      %dma_start3A_803 = arith.constant 0 : i32
      %dma_start3A_804 = tpu.memref_slice %arg8[%dma_start3A_802, %dma_start3A_803] : memref<128x128xf32, #tpu.memory_space<vmem>> -> memref<128x128xf32, #tpu.memory_space<vmem>>
      %dma_start3A_805 = arith.constant 0 : i32
      %dma_start3A_806 = tpu.memref_slice %arg5[%dma_start3A_801, %dma_start3A_805] : memref<16x200xi32, #tpu.memory_space<vmem>> -> memref<1x128xi32, #tpu.memory_space<vmem>>
      %dma_start3A_807 = tpu.memref_squeeze %dma_start3A_806 : memref<1x128xi32, #tpu.memory_space<vmem>> -> memref<128xi32, #tpu.memory_space<vmem>>
      %dma_start3A_808 = arith.constant 0 : i32
      %dma_start3A_809 = arith.constant 0 : i32
      %dma_start3A_810 = tpu.memref_slice %arg3[%dma_start3A_808, %dma_start3A_809] : memref<32256x128xf32, #tpu.memory_space<hbm>> -> memref<32256x128xf32, #tpu.memory_space<hbm>>
      tpu.enqueue_indirect_dma source(%dma_start3A_810 : memref<32256x128xf32, #tpu.memory_space<hbm>>) target(%dma_start3A_804 : memref<128x128xf32, #tpu.memory_space<vmem>>) offsets(%dma_start3A_807 : memref<128xi32, #tpu.memory_space<vmem>>) semaphore(%arg14 : memref<!tpu.dma_semaphore, #tpu.memory_space<semaphore_mem>>)
      %dma_wait3A_811 = arith.constant 9 : i32
      %dma_wait3A_812 = arith.constant 0 : i32
      %dma_wait3A_813 = arith.constant 0 : i32
      %dma_wait3A_814 = tpu.memref_slice %arg6[%dma_wait3A_812, %dma_wait3A_813] : memref<128x128xf32, #tpu.memory_space<vmem>> -> memref<128x128xf32, #tpu.memory_space<vmem>>
      %dma_wait3A_815 = arith.constant 0 : i32
      %dma_wait3A_816 = tpu.memref_slice %arg5[%dma_wait3A_811, %dma_wait3A_815] : memref<16x200xi32, #tpu.memory_space<vmem>> -> memref<1x128xi32, #tpu.memory_space<vmem>>
      %dma_wait3A_817 = tpu.memref_squeeze %dma_wait3A_816 : memref<1x128xi32, #tpu.memory_space<vmem>> -> memref<128xi32, #tpu.memory_space<vmem>>
      %dma_wait3A_818 = arith.constant 0 : i32
      %dma_wait3A_819 = arith.constant 0 : i32
      %dma_wait3A_820 = tpu.memref_slice %arg3[%dma_wait3A_818, %dma_wait3A_819] : memref<32256x128xf32, #tpu.memory_space<hbm>> -> memref<32256x128xf32, #tpu.memory_space<hbm>>
      tpu.wait_indirect_dma semaphore(%arg12 : memref<!tpu.dma_semaphore, #tpu.memory_space<semaphore_mem>>) src(%dma_wait3A_820 : memref<32256x128xf32, #tpu.memory_space<hbm>>) dst(%dma_wait3A_814 : memref<128x128xf32, #tpu.memory_space<vmem>>)
      %add3A_821 = arith.constant 1800 : i32
      %add3A_822 = arith.addi %add3A_20, %add3A_821 : i32
      %add3A_823 = arith.constant 0 : i32
      %add3A_824 = arith.addi %add3A_822, %add3A_823 : i32
      %dma_start3A_825 = arith.constant 0 : i32
      %dma_start3A_826 = arith.constant 0 : i32
      %dma_start3A_827 = tpu.memref_slice %arg6[%dma_start3A_825, %dma_start3A_826] : memref<128x128xf32, #tpu.memory_space<vmem>> -> memref<128x128xf32, #tpu.memory_space<vmem>>
      %dma_start3A_828 = arith.constant 0 : i32
      %dma_start3A_829 = tpu.memref_slice %arg4[%add3A_824, %dma_start3A_828] : memref<819200x128xf32, #tpu.memory_space<hbm>> -> memref<128x128xf32, #tpu.memory_space<hbm>>
      %dma_start3A_830 = arith.constant 0 : i32
      %dma_start3A_831 = tpu.memref_slice %arg4[%add3A_824, %dma_start3A_830] : memref<819200x128xf32, #tpu.memory_space<hbm>> -> memref<128x128xf32, #tpu.memory_space<hbm>>
      %dma_start3A_832 = arith.constant 0 : i32
      %dma_start3A_833 = arith.constant 0 : i32
      %dma_start3A_834 = tpu.memref_slice %arg6[%dma_start3A_832, %dma_start3A_833] : memref<128x128xf32, #tpu.memory_space<vmem>> -> memref<128x128xf32, #tpu.memory_space<vmem>>
      tpu.enqueue_dma source(%dma_start3A_834 : memref<128x128xf32, #tpu.memory_space<vmem>>) target(%dma_start3A_831 : memref<128x128xf32, #tpu.memory_space<hbm>>) target_semaphore(%arg18 : memref<!tpu.dma_semaphore, #tpu.memory_space<semaphore_mem>>)
      %dma_wait3A_835 = arith.constant 0 : i32
      %dma_wait3A_836 = arith.constant 0 : i32
      %dma_wait3A_837 = tpu.memref_slice %arg9[%dma_wait3A_835, %dma_wait3A_836] : memref<128x128xf32, #tpu.memory_space<vmem>> -> memref<72x128xf32, #tpu.memory_space<vmem>>
      %dma_wait3A_838 = arith.constant 0 : i32
      %dma_wait3A_839 = tpu.memref_slice %arg4[%add3A_692, %dma_wait3A_838] : memref<819200x128xf32, #tpu.memory_space<hbm>> -> memref<72x128xf32, #tpu.memory_space<hbm>>
      %dma_wait3A_840 = arith.constant 0 : i32
      %dma_wait3A_841 = tpu.memref_slice %arg4[%add3A_692, %dma_wait3A_840] : memref<819200x128xf32, #tpu.memory_space<hbm>> -> memref<72x128xf32, #tpu.memory_space<hbm>>
      %dma_wait3A_842 = arith.constant 0 : i32
      %dma_wait3A_843 = arith.constant 0 : i32
      %dma_wait3A_844 = tpu.memref_slice %arg9[%dma_wait3A_842, %dma_wait3A_843] : memref<128x128xf32, #tpu.memory_space<vmem>> -> memref<72x128xf32, #tpu.memory_space<vmem>>
      tpu.wait_dma2 semaphore(%arg21 : memref<!tpu.dma_semaphore, #tpu.memory_space<semaphore_mem>>) src(%dma_wait3A_844 : memref<72x128xf32, #tpu.memory_space<vmem>>) dst(%dma_wait3A_841 : memref<72x128xf32, #tpu.memory_space<hbm>>)
      %dma_start3A_845 = arith.constant 10 : i32
      %dma_start3A_846 = arith.constant 0 : i32
      %dma_start3A_847 = arith.constant 0 : i32
      %dma_start3A_848 = tpu.memref_slice %arg9[%dma_start3A_846, %dma_start3A_847] : memref<128x128xf32, #tpu.memory_space<vmem>> -> memref<72x128xf32, #tpu.memory_space<vmem>>
      %dma_start3A_849 = arith.constant 128 : i32
      %dma_start3A_850 = tpu.memref_slice %arg5[%dma_start3A_845, %dma_start3A_849] : memref<16x200xi32, #tpu.memory_space<vmem>> -> memref<1x72xi32, #tpu.memory_space<vmem>>
      %dma_start3A_851 = tpu.memref_squeeze %dma_start3A_850 : memref<1x72xi32, #tpu.memory_space<vmem>> -> memref<72xi32, #tpu.memory_space<vmem>>
      %dma_start3A_852 = arith.constant 0 : i32
      %dma_start3A_853 = arith.constant 0 : i32
      %dma_start3A_854 = tpu.memref_slice %arg3[%dma_start3A_852, %dma_start3A_853] : memref<32256x128xf32, #tpu.memory_space<hbm>> -> memref<32256x128xf32, #tpu.memory_space<hbm>>
      tpu.enqueue_indirect_dma source(%dma_start3A_854 : memref<32256x128xf32, #tpu.memory_space<hbm>>) target(%dma_start3A_848 : memref<72x128xf32, #tpu.memory_space<vmem>>) offsets(%dma_start3A_851 : memref<72xi32, #tpu.memory_space<vmem>>) semaphore(%arg15 : memref<!tpu.dma_semaphore, #tpu.memory_space<semaphore_mem>>)
      %dma_wait3A_855 = arith.constant 9 : i32
      %dma_wait3A_856 = arith.constant 0 : i32
      %dma_wait3A_857 = arith.constant 0 : i32
      %dma_wait3A_858 = tpu.memref_slice %arg7[%dma_wait3A_856, %dma_wait3A_857] : memref<128x128xf32, #tpu.memory_space<vmem>> -> memref<72x128xf32, #tpu.memory_space<vmem>>
      %dma_wait3A_859 = arith.constant 128 : i32
      %dma_wait3A_860 = tpu.memref_slice %arg5[%dma_wait3A_855, %dma_wait3A_859] : memref<16x200xi32, #tpu.memory_space<vmem>> -> memref<1x72xi32, #tpu.memory_space<vmem>>
      %dma_wait3A_861 = tpu.memref_squeeze %dma_wait3A_860 : memref<1x72xi32, #tpu.memory_space<vmem>> -> memref<72xi32, #tpu.memory_space<vmem>>
      %dma_wait3A_862 = arith.constant 0 : i32
      %dma_wait3A_863 = arith.constant 0 : i32
      %dma_wait3A_864 = tpu.memref_slice %arg3[%dma_wait3A_862, %dma_wait3A_863] : memref<32256x128xf32, #tpu.memory_space<hbm>> -> memref<32256x128xf32, #tpu.memory_space<hbm>>
      tpu.wait_indirect_dma semaphore(%arg13 : memref<!tpu.dma_semaphore, #tpu.memory_space<semaphore_mem>>) src(%dma_wait3A_864 : memref<32256x128xf32, #tpu.memory_space<hbm>>) dst(%dma_wait3A_858 : memref<72x128xf32, #tpu.memory_space<vmem>>)
      %add3A_865 = arith.constant 1800 : i32
      %add3A_866 = arith.addi %add3A_20, %add3A_865 : i32
      %add3A_867 = arith.constant 128 : i32
      %add3A_868 = arith.addi %add3A_866, %add3A_867 : i32
      %dma_start3A_869 = arith.constant 0 : i32
      %dma_start3A_870 = arith.constant 0 : i32
      %dma_start3A_871 = tpu.memref_slice %arg7[%dma_start3A_869, %dma_start3A_870] : memref<128x128xf32, #tpu.memory_space<vmem>> -> memref<72x128xf32, #tpu.memory_space<vmem>>
      %dma_start3A_872 = arith.constant 0 : i32
      %dma_start3A_873 = tpu.memref_slice %arg4[%add3A_868, %dma_start3A_872] : memref<819200x128xf32, #tpu.memory_space<hbm>> -> memref<72x128xf32, #tpu.memory_space<hbm>>
      %dma_start3A_874 = arith.constant 0 : i32
      %dma_start3A_875 = tpu.memref_slice %arg4[%add3A_868, %dma_start3A_874] : memref<819200x128xf32, #tpu.memory_space<hbm>> -> memref<72x128xf32, #tpu.memory_space<hbm>>
      %dma_start3A_876 = arith.constant 0 : i32
      %dma_start3A_877 = arith.constant 0 : i32
      %dma_start3A_878 = tpu.memref_slice %arg7[%dma_start3A_876, %dma_start3A_877] : memref<128x128xf32, #tpu.memory_space<vmem>> -> memref<72x128xf32, #tpu.memory_space<vmem>>
      tpu.enqueue_dma source(%dma_start3A_878 : memref<72x128xf32, #tpu.memory_space<vmem>>) target(%dma_start3A_875 : memref<72x128xf32, #tpu.memory_space<hbm>>) target_semaphore(%arg19 : memref<!tpu.dma_semaphore, #tpu.memory_space<semaphore_mem>>)
      %dma_wait3A_879 = arith.constant 0 : i32
      %dma_wait3A_880 = arith.constant 0 : i32
      %dma_wait3A_881 = tpu.memref_slice %arg10[%dma_wait3A_879, %dma_wait3A_880] : memref<128x128xf32, #tpu.memory_space<vmem>> -> memref<128x128xf32, #tpu.memory_space<vmem>>
      %dma_wait3A_882 = arith.constant 0 : i32
      %dma_wait3A_883 = tpu.memref_slice %arg4[%add3A_736, %dma_wait3A_882] : memref<819200x128xf32, #tpu.memory_space<hbm>> -> memref<128x128xf32, #tpu.memory_space<hbm>>
      %dma_wait3A_884 = arith.constant 0 : i32
      %dma_wait3A_885 = tpu.memref_slice %arg4[%add3A_736, %dma_wait3A_884] : memref<819200x128xf32, #tpu.memory_space<hbm>> -> memref<128x128xf32, #tpu.memory_space<hbm>>
      %dma_wait3A_886 = arith.constant 0 : i32
      %dma_wait3A_887 = arith.constant 0 : i32
      %dma_wait3A_888 = tpu.memref_slice %arg10[%dma_wait3A_886, %dma_wait3A_887] : memref<128x128xf32, #tpu.memory_space<vmem>> -> memref<128x128xf32, #tpu.memory_space<vmem>>
      tpu.wait_dma2 semaphore(%arg22 : memref<!tpu.dma_semaphore, #tpu.memory_space<semaphore_mem>>) src(%dma_wait3A_888 : memref<128x128xf32, #tpu.memory_space<vmem>>) dst(%dma_wait3A_885 : memref<128x128xf32, #tpu.memory_space<hbm>>)
      %dma_start3A_889 = arith.constant 11 : i32
      %dma_start3A_890 = arith.constant 0 : i32
      %dma_start3A_891 = arith.constant 0 : i32
      %dma_start3A_892 = tpu.memref_slice %arg10[%dma_start3A_890, %dma_start3A_891] : memref<128x128xf32, #tpu.memory_space<vmem>> -> memref<128x128xf32, #tpu.memory_space<vmem>>
      %dma_start3A_893 = arith.constant 0 : i32
      %dma_start3A_894 = tpu.memref_slice %arg5[%dma_start3A_889, %dma_start3A_893] : memref<16x200xi32, #tpu.memory_space<vmem>> -> memref<1x128xi32, #tpu.memory_space<vmem>>
      %dma_start3A_895 = tpu.memref_squeeze %dma_start3A_894 : memref<1x128xi32, #tpu.memory_space<vmem>> -> memref<128xi32, #tpu.memory_space<vmem>>
      %dma_start3A_896 = arith.constant 0 : i32
      %dma_start3A_897 = arith.constant 0 : i32
      %dma_start3A_898 = tpu.memref_slice %arg3[%dma_start3A_896, %dma_start3A_897] : memref<32256x128xf32, #tpu.memory_space<hbm>> -> memref<32256x128xf32, #tpu.memory_space<hbm>>
      tpu.enqueue_indirect_dma source(%dma_start3A_898 : memref<32256x128xf32, #tpu.memory_space<hbm>>) target(%dma_start3A_892 : memref<128x128xf32, #tpu.memory_space<vmem>>) offsets(%dma_start3A_895 : memref<128xi32, #tpu.memory_space<vmem>>) semaphore(%arg16 : memref<!tpu.dma_semaphore, #tpu.memory_space<semaphore_mem>>)
      %dma_wait3A_899 = arith.constant 10 : i32
      %dma_wait3A_900 = arith.constant 0 : i32
      %dma_wait3A_901 = arith.constant 0 : i32
      %dma_wait3A_902 = tpu.memref_slice %arg8[%dma_wait3A_900, %dma_wait3A_901] : memref<128x128xf32, #tpu.memory_space<vmem>> -> memref<128x128xf32, #tpu.memory_space<vmem>>
      %dma_wait3A_903 = arith.constant 0 : i32
      %dma_wait3A_904 = tpu.memref_slice %arg5[%dma_wait3A_899, %dma_wait3A_903] : memref<16x200xi32, #tpu.memory_space<vmem>> -> memref<1x128xi32, #tpu.memory_space<vmem>>
      %dma_wait3A_905 = tpu.memref_squeeze %dma_wait3A_904 : memref<1x128xi32, #tpu.memory_space<vmem>> -> memref<128xi32, #tpu.memory_space<vmem>>
      %dma_wait3A_906 = arith.constant 0 : i32
      %dma_wait3A_907 = arith.constant 0 : i32
      %dma_wait3A_908 = tpu.memref_slice %arg3[%dma_wait3A_906, %dma_wait3A_907] : memref<32256x128xf32, #tpu.memory_space<hbm>> -> memref<32256x128xf32, #tpu.memory_space<hbm>>
      tpu.wait_indirect_dma semaphore(%arg14 : memref<!tpu.dma_semaphore, #tpu.memory_space<semaphore_mem>>) src(%dma_wait3A_908 : memref<32256x128xf32, #tpu.memory_space<hbm>>) dst(%dma_wait3A_902 : memref<128x128xf32, #tpu.memory_space<vmem>>)
      %add3A_909 = arith.constant 2000 : i32
      %add3A_910 = arith.addi %add3A_20, %add3A_909 : i32
      %add3A_911 = arith.constant 0 : i32
      %add3A_912 = arith.addi %add3A_910, %add3A_911 : i32
      %dma_start3A_913 = arith.constant 0 : i32
      %dma_start3A_914 = arith.constant 0 : i32
      %dma_start3A_915 = tpu.memref_slice %arg8[%dma_start3A_913, %dma_start3A_914] : memref<128x128xf32, #tpu.memory_space<vmem>> -> memref<128x128xf32, #tpu.memory_space<vmem>>
      %dma_start3A_916 = arith.constant 0 : i32
      %dma_start3A_917 = tpu.memref_slice %arg4[%add3A_912, %dma_start3A_916] : memref<819200x128xf32, #tpu.memory_space<hbm>> -> memref<128x128xf32, #tpu.memory_space<hbm>>
      %dma_start3A_918 = arith.constant 0 : i32
      %dma_start3A_919 = tpu.memref_slice %arg4[%add3A_912, %dma_start3A_918] : memref<819200x128xf32, #tpu.memory_space<hbm>> -> memref<128x128xf32, #tpu.memory_space<hbm>>
      %dma_start3A_920 = arith.constant 0 : i32
      %dma_start3A_921 = arith.constant 0 : i32
      %dma_start3A_922 = tpu.memref_slice %arg8[%dma_start3A_920, %dma_start3A_921] : memref<128x128xf32, #tpu.memory_space<vmem>> -> memref<128x128xf32, #tpu.memory_space<vmem>>
      tpu.enqueue_dma source(%dma_start3A_922 : memref<128x128xf32, #tpu.memory_space<vmem>>) target(%dma_start3A_919 : memref<128x128xf32, #tpu.memory_space<hbm>>) target_semaphore(%arg20 : memref<!tpu.dma_semaphore, #tpu.memory_space<semaphore_mem>>)
      %dma_wait3A_923 = arith.constant 0 : i32
      %dma_wait3A_924 = arith.constant 0 : i32
      %dma_wait3A_925 = tpu.memref_slice %arg11[%dma_wait3A_923, %dma_wait3A_924] : memref<128x128xf32, #tpu.memory_space<vmem>> -> memref<72x128xf32, #tpu.memory_space<vmem>>
      %dma_wait3A_926 = arith.constant 0 : i32
      %dma_wait3A_927 = tpu.memref_slice %arg4[%add3A_780, %dma_wait3A_926] : memref<819200x128xf32, #tpu.memory_space<hbm>> -> memref<72x128xf32, #tpu.memory_space<hbm>>
      %dma_wait3A_928 = arith.constant 0 : i32
      %dma_wait3A_929 = tpu.memref_slice %arg4[%add3A_780, %dma_wait3A_928] : memref<819200x128xf32, #tpu.memory_space<hbm>> -> memref<72x128xf32, #tpu.memory_space<hbm>>
      %dma_wait3A_930 = arith.constant 0 : i32
      %dma_wait3A_931 = arith.constant 0 : i32
      %dma_wait3A_932 = tpu.memref_slice %arg11[%dma_wait3A_930, %dma_wait3A_931] : memref<128x128xf32, #tpu.memory_space<vmem>> -> memref<72x128xf32, #tpu.memory_space<vmem>>
      tpu.wait_dma2 semaphore(%arg23 : memref<!tpu.dma_semaphore, #tpu.memory_space<semaphore_mem>>) src(%dma_wait3A_932 : memref<72x128xf32, #tpu.memory_space<vmem>>) dst(%dma_wait3A_929 : memref<72x128xf32, #tpu.memory_space<hbm>>)
      %dma_start3A_933 = arith.constant 11 : i32
      %dma_start3A_934 = arith.constant 0 : i32
      %dma_start3A_935 = arith.constant 0 : i32
      %dma_start3A_936 = tpu.memref_slice %arg11[%dma_start3A_934, %dma_start3A_935] : memref<128x128xf32, #tpu.memory_space<vmem>> -> memref<72x128xf32, #tpu.memory_space<vmem>>
      %dma_start3A_937 = arith.constant 128 : i32
      %dma_start3A_938 = tpu.memref_slice %arg5[%dma_start3A_933, %dma_start3A_937] : memref<16x200xi32, #tpu.memory_space<vmem>> -> memref<1x72xi32, #tpu.memory_space<vmem>>
      %dma_start3A_939 = tpu.memref_squeeze %dma_start3A_938 : memref<1x72xi32, #tpu.memory_space<vmem>> -> memref<72xi32, #tpu.memory_space<vmem>>
      %dma_start3A_940 = arith.constant 0 : i32
      %dma_start3A_941 = arith.constant 0 : i32
      %dma_start3A_942 = tpu.memref_slice %arg3[%dma_start3A_940, %dma_start3A_941] : memref<32256x128xf32, #tpu.memory_space<hbm>> -> memref<32256x128xf32, #tpu.memory_space<hbm>>
      tpu.enqueue_indirect_dma source(%dma_start3A_942 : memref<32256x128xf32, #tpu.memory_space<hbm>>) target(%dma_start3A_936 : memref<72x128xf32, #tpu.memory_space<vmem>>) offsets(%dma_start3A_939 : memref<72xi32, #tpu.memory_space<vmem>>) semaphore(%arg17 : memref<!tpu.dma_semaphore, #tpu.memory_space<semaphore_mem>>)
      %dma_wait3A_943 = arith.constant 10 : i32
      %dma_wait3A_944 = arith.constant 0 : i32
      %dma_wait3A_945 = arith.constant 0 : i32
      %dma_wait3A_946 = tpu.memref_slice %arg9[%dma_wait3A_944, %dma_wait3A_945] : memref<128x128xf32, #tpu.memory_space<vmem>> -> memref<72x128xf32, #tpu.memory_space<vmem>>
      %dma_wait3A_947 = arith.constant 128 : i32
      %dma_wait3A_948 = tpu.memref_slice %arg5[%dma_wait3A_943, %dma_wait3A_947] : memref<16x200xi32, #tpu.memory_space<vmem>> -> memref<1x72xi32, #tpu.memory_space<vmem>>
      %dma_wait3A_949 = tpu.memref_squeeze %dma_wait3A_948 : memref<1x72xi32, #tpu.memory_space<vmem>> -> memref<72xi32, #tpu.memory_space<vmem>>
      %dma_wait3A_950 = arith.constant 0 : i32
      %dma_wait3A_951 = arith.constant 0 : i32
      %dma_wait3A_952 = tpu.memref_slice %arg3[%dma_wait3A_950, %dma_wait3A_951] : memref<32256x128xf32, #tpu.memory_space<hbm>> -> memref<32256x128xf32, #tpu.memory_space<hbm>>
      tpu.wait_indirect_dma semaphore(%arg15 : memref<!tpu.dma_semaphore, #tpu.memory_space<semaphore_mem>>) src(%dma_wait3A_952 : memref<32256x128xf32, #tpu.memory_space<hbm>>) dst(%dma_wait3A_946 : memref<72x128xf32, #tpu.memory_space<vmem>>)
      %add3A_953 = arith.constant 2000 : i32
      %add3A_954 = arith.addi %add3A_20, %add3A_953 : i32
      %add3A_955 = arith.constant 128 : i32
      %add3A_956 = arith.addi %add3A_954, %add3A_955 : i32
      %dma_start3A_957 = arith.constant 0 : i32
      %dma_start3A_958 = arith.constant 0 : i32
      %dma_start3A_959 = tpu.memref_slice %arg9[%dma_start3A_957, %dma_start3A_958] : memref<128x128xf32, #tpu.memory_space<vmem>> -> memref<72x128xf32, #tpu.memory_space<vmem>>
      %dma_start3A_960 = arith.constant 0 : i32
      %dma_start3A_961 = tpu.memref_slice %arg4[%add3A_956, %dma_start3A_960] : memref<819200x128xf32, #tpu.memory_space<hbm>> -> memref<72x128xf32, #tpu.memory_space<hbm>>
      %dma_start3A_962 = arith.constant 0 : i32
      %dma_start3A_963 = tpu.memref_slice %arg4[%add3A_956, %dma_start3A_962] : memref<819200x128xf32, #tpu.memory_space<hbm>> -> memref<72x128xf32, #tpu.memory_space<hbm>>
      %dma_start3A_964 = arith.constant 0 : i32
      %dma_start3A_965 = arith.constant 0 : i32
      %dma_start3A_966 = tpu.memref_slice %arg9[%dma_start3A_964, %dma_start3A_965] : memref<128x128xf32, #tpu.memory_space<vmem>> -> memref<72x128xf32, #tpu.memory_space<vmem>>
      tpu.enqueue_dma source(%dma_start3A_966 : memref<72x128xf32, #tpu.memory_space<vmem>>) target(%dma_start3A_963 : memref<72x128xf32, #tpu.memory_space<hbm>>) target_semaphore(%arg21 : memref<!tpu.dma_semaphore, #tpu.memory_space<semaphore_mem>>)
      %dma_wait3A_967 = arith.constant 0 : i32
      %dma_wait3A_968 = arith.constant 0 : i32
      %dma_wait3A_969 = tpu.memref_slice %arg6[%dma_wait3A_967, %dma_wait3A_968] : memref<128x128xf32, #tpu.memory_space<vmem>> -> memref<128x128xf32, #tpu.memory_space<vmem>>
      %dma_wait3A_970 = arith.constant 0 : i32
      %dma_wait3A_971 = tpu.memref_slice %arg4[%add3A_824, %dma_wait3A_970] : memref<819200x128xf32, #tpu.memory_space<hbm>> -> memref<128x128xf32, #tpu.memory_space<hbm>>
      %dma_wait3A_972 = arith.constant 0 : i32
      %dma_wait3A_973 = tpu.memref_slice %arg4[%add3A_824, %dma_wait3A_972] : memref<819200x128xf32, #tpu.memory_space<hbm>> -> memref<128x128xf32, #tpu.memory_space<hbm>>
      %dma_wait3A_974 = arith.constant 0 : i32
      %dma_wait3A_975 = arith.constant 0 : i32
      %dma_wait3A_976 = tpu.memref_slice %arg6[%dma_wait3A_974, %dma_wait3A_975] : memref<128x128xf32, #tpu.memory_space<vmem>> -> memref<128x128xf32, #tpu.memory_space<vmem>>
      tpu.wait_dma2 semaphore(%arg18 : memref<!tpu.dma_semaphore, #tpu.memory_space<semaphore_mem>>) src(%dma_wait3A_976 : memref<128x128xf32, #tpu.memory_space<vmem>>) dst(%dma_wait3A_973 : memref<128x128xf32, #tpu.memory_space<hbm>>)
      %dma_start3A_977 = arith.constant 12 : i32
      %dma_start3A_978 = arith.constant 0 : i32
      %dma_start3A_979 = arith.constant 0 : i32
      %dma_start3A_980 = tpu.memref_slice %arg6[%dma_start3A_978, %dma_start3A_979] : memref<128x128xf32, #tpu.memory_space<vmem>> -> memref<128x128xf32, #tpu.memory_space<vmem>>
      %dma_start3A_981 = arith.constant 0 : i32
      %dma_start3A_982 = tpu.memref_slice %arg5[%dma_start3A_977, %dma_start3A_981] : memref<16x200xi32, #tpu.memory_space<vmem>> -> memref<1x128xi32, #tpu.memory_space<vmem>>
      %dma_start3A_983 = tpu.memref_squeeze %dma_start3A_982 : memref<1x128xi32, #tpu.memory_space<vmem>> -> memref<128xi32, #tpu.memory_space<vmem>>
      %dma_start3A_984 = arith.constant 0 : i32
      %dma_start3A_985 = arith.constant 0 : i32
      %dma_start3A_986 = tpu.memref_slice %arg3[%dma_start3A_984, %dma_start3A_985] : memref<32256x128xf32, #tpu.memory_space<hbm>> -> memref<32256x128xf32, #tpu.memory_space<hbm>>
      tpu.enqueue_indirect_dma source(%dma_start3A_986 : memref<32256x128xf32, #tpu.memory_space<hbm>>) target(%dma_start3A_980 : memref<128x128xf32, #tpu.memory_space<vmem>>) offsets(%dma_start3A_983 : memref<128xi32, #tpu.memory_space<vmem>>) semaphore(%arg12 : memref<!tpu.dma_semaphore, #tpu.memory_space<semaphore_mem>>)
      %dma_wait3A_987 = arith.constant 11 : i32
      %dma_wait3A_988 = arith.constant 0 : i32
      %dma_wait3A_989 = arith.constant 0 : i32
      %dma_wait3A_990 = tpu.memref_slice %arg10[%dma_wait3A_988, %dma_wait3A_989] : memref<128x128xf32, #tpu.memory_space<vmem>> -> memref<128x128xf32, #tpu.memory_space<vmem>>
      %dma_wait3A_991 = arith.constant 0 : i32
      %dma_wait3A_992 = tpu.memref_slice %arg5[%dma_wait3A_987, %dma_wait3A_991] : memref<16x200xi32, #tpu.memory_space<vmem>> -> memref<1x128xi32, #tpu.memory_space<vmem>>
      %dma_wait3A_993 = tpu.memref_squeeze %dma_wait3A_992 : memref<1x128xi32, #tpu.memory_space<vmem>> -> memref<128xi32, #tpu.memory_space<vmem>>
      %dma_wait3A_994 = arith.constant 0 : i32
      %dma_wait3A_995 = arith.constant 0 : i32
      %dma_wait3A_996 = tpu.memref_slice %arg3[%dma_wait3A_994, %dma_wait3A_995] : memref<32256x128xf32, #tpu.memory_space<hbm>> -> memref<32256x128xf32, #tpu.memory_space<hbm>>
      tpu.wait_indirect_dma semaphore(%arg16 : memref<!tpu.dma_semaphore, #tpu.memory_space<semaphore_mem>>) src(%dma_wait3A_996 : memref<32256x128xf32, #tpu.memory_space<hbm>>) dst(%dma_wait3A_990 : memref<128x128xf32, #tpu.memory_space<vmem>>)
      %add3A_997 = arith.constant 2200 : i32
      %add3A_998 = arith.addi %add3A_20, %add3A_997 : i32
      %add3A_999 = arith.constant 0 : i32
      %add3A_1000 = arith.addi %add3A_998, %add3A_999 : i32
      %dma_start3A_1001 = arith.constant 0 : i32
      %dma_start3A_1002 = arith.constant 0 : i32
      %dma_start3A_1003 = tpu.memref_slice %arg10[%dma_start3A_1001, %dma_start3A_1002] : memref<128x128xf32, #tpu.memory_space<vmem>> -> memref<128x128xf32, #tpu.memory_space<vmem>>
      %dma_start3A_1004 = arith.constant 0 : i32
      %dma_start3A_1005 = tpu.memref_slice %arg4[%add3A_1000, %dma_start3A_1004] : memref<819200x128xf32, #tpu.memory_space<hbm>> -> memref<128x128xf32, #tpu.memory_space<hbm>>
      %dma_start3A_1006 = arith.constant 0 : i32
      %dma_start3A_1007 = tpu.memref_slice %arg4[%add3A_1000, %dma_start3A_1006] : memref<819200x128xf32, #tpu.memory_space<hbm>> -> memref<128x128xf32, #tpu.memory_space<hbm>>
      %dma_start3A_1008 = arith.constant 0 : i32
      %dma_start3A_1009 = arith.constant 0 : i32
      %dma_start3A_1010 = tpu.memref_slice %arg10[%dma_start3A_1008, %dma_start3A_1009] : memref<128x128xf32, #tpu.memory_space<vmem>> -> memref<128x128xf32, #tpu.memory_space<vmem>>
      tpu.enqueue_dma source(%dma_start3A_1010 : memref<128x128xf32, #tpu.memory_space<vmem>>) target(%dma_start3A_1007 : memref<128x128xf32, #tpu.memory_space<hbm>>) target_semaphore(%arg22 : memref<!tpu.dma_semaphore, #tpu.memory_space<semaphore_mem>>)
      %dma_wait3A_1011 = arith.constant 0 : i32
      %dma_wait3A_1012 = arith.constant 0 : i32
      %dma_wait3A_1013 = tpu.memref_slice %arg7[%dma_wait3A_1011, %dma_wait3A_1012] : memref<128x128xf32, #tpu.memory_space<vmem>> -> memref<72x128xf32, #tpu.memory_space<vmem>>
      %dma_wait3A_1014 = arith.constant 0 : i32
      %dma_wait3A_1015 = tpu.memref_slice %arg4[%add3A_868, %dma_wait3A_1014] : memref<819200x128xf32, #tpu.memory_space<hbm>> -> memref<72x128xf32, #tpu.memory_space<hbm>>
      %dma_wait3A_1016 = arith.constant 0 : i32
      %dma_wait3A_1017 = tpu.memref_slice %arg4[%add3A_868, %dma_wait3A_1016] : memref<819200x128xf32, #tpu.memory_space<hbm>> -> memref<72x128xf32, #tpu.memory_space<hbm>>
      %dma_wait3A_1018 = arith.constant 0 : i32
      %dma_wait3A_1019 = arith.constant 0 : i32
      %dma_wait3A_1020 = tpu.memref_slice %arg7[%dma_wait3A_1018, %dma_wait3A_1019] : memref<128x128xf32, #tpu.memory_space<vmem>> -> memref<72x128xf32, #tpu.memory_space<vmem>>
      tpu.wait_dma2 semaphore(%arg19 : memref<!tpu.dma_semaphore, #tpu.memory_space<semaphore_mem>>) src(%dma_wait3A_1020 : memref<72x128xf32, #tpu.memory_space<vmem>>) dst(%dma_wait3A_1017 : memref<72x128xf32, #tpu.memory_space<hbm>>)
      %dma_start3A_1021 = arith.constant 12 : i32
      %dma_start3A_1022 = arith.constant 0 : i32
      %dma_start3A_1023 = arith.constant 0 : i32
      %dma_start3A_1024 = tpu.memref_slice %arg7[%dma_start3A_1022, %dma_start3A_1023] : memref<128x128xf32, #tpu.memory_space<vmem>> -> memref<72x128xf32, #tpu.memory_space<vmem>>
      %dma_start3A_1025 = arith.constant 128 : i32
      %dma_start3A_1026 = tpu.memref_slice %arg5[%dma_start3A_1021, %dma_start3A_1025] : memref<16x200xi32, #tpu.memory_space<vmem>> -> memref<1x72xi32, #tpu.memory_space<vmem>>
      %dma_start3A_1027 = tpu.memref_squeeze %dma_start3A_1026 : memref<1x72xi32, #tpu.memory_space<vmem>> -> memref<72xi32, #tpu.memory_space<vmem>>
      %dma_start3A_1028 = arith.constant 0 : i32
      %dma_start3A_1029 = arith.constant 0 : i32
      %dma_start3A_1030 = tpu.memref_slice %arg3[%dma_start3A_1028, %dma_start3A_1029] : memref<32256x128xf32, #tpu.memory_space<hbm>> -> memref<32256x128xf32, #tpu.memory_space<hbm>>
      tpu.enqueue_indirect_dma source(%dma_start3A_1030 : memref<32256x128xf32, #tpu.memory_space<hbm>>) target(%dma_start3A_1024 : memref<72x128xf32, #tpu.memory_space<vmem>>) offsets(%dma_start3A_1027 : memref<72xi32, #tpu.memory_space<vmem>>) semaphore(%arg13 : memref<!tpu.dma_semaphore, #tpu.memory_space<semaphore_mem>>)
      %dma_wait3A_1031 = arith.constant 11 : i32
      %dma_wait3A_1032 = arith.constant 0 : i32
      %dma_wait3A_1033 = arith.constant 0 : i32
      %dma_wait3A_1034 = tpu.memref_slice %arg11[%dma_wait3A_1032, %dma_wait3A_1033] : memref<128x128xf32, #tpu.memory_space<vmem>> -> memref<72x128xf32, #tpu.memory_space<vmem>>
      %dma_wait3A_1035 = arith.constant 128 : i32
      %dma_wait3A_1036 = tpu.memref_slice %arg5[%dma_wait3A_1031, %dma_wait3A_1035] : memref<16x200xi32, #tpu.memory_space<vmem>> -> memref<1x72xi32, #tpu.memory_space<vmem>>
      %dma_wait3A_1037 = tpu.memref_squeeze %dma_wait3A_1036 : memref<1x72xi32, #tpu.memory_space<vmem>> -> memref<72xi32, #tpu.memory_space<vmem>>
      %dma_wait3A_1038 = arith.constant 0 : i32
      %dma_wait3A_1039 = arith.constant 0 : i32
      %dma_wait3A_1040 = tpu.memref_slice %arg3[%dma_wait3A_1038, %dma_wait3A_1039] : memref<32256x128xf32, #tpu.memory_space<hbm>> -> memref<32256x128xf32, #tpu.memory_space<hbm>>
      tpu.wait_indirect_dma semaphore(%arg17 : memref<!tpu.dma_semaphore, #tpu.memory_space<semaphore_mem>>) src(%dma_wait3A_1040 : memref<32256x128xf32, #tpu.memory_space<hbm>>) dst(%dma_wait3A_1034 : memref<72x128xf32, #tpu.memory_space<vmem>>)
      %add3A_1041 = arith.constant 2200 : i32
      %add3A_1042 = arith.addi %add3A_20, %add3A_1041 : i32
      %add3A_1043 = arith.constant 128 : i32
      %add3A_1044 = arith.addi %add3A_1042, %add3A_1043 : i32
      %dma_start3A_1045 = arith.constant 0 : i32
      %dma_start3A_1046 = arith.constant 0 : i32
      %dma_start3A_1047 = tpu.memref_slice %arg11[%dma_start3A_1045, %dma_start3A_1046] : memref<128x128xf32, #tpu.memory_space<vmem>> -> memref<72x128xf32, #tpu.memory_space<vmem>>
      %dma_start3A_1048 = arith.constant 0 : i32
      %dma_start3A_1049 = tpu.memref_slice %arg4[%add3A_1044, %dma_start3A_1048] : memref<819200x128xf32, #tpu.memory_space<hbm>> -> memref<72x128xf32, #tpu.memory_space<hbm>>
      %dma_start3A_1050 = arith.constant 0 : i32
      %dma_start3A_1051 = tpu.memref_slice %arg4[%add3A_1044, %dma_start3A_1050] : memref<819200x128xf32, #tpu.memory_space<hbm>> -> memref<72x128xf32, #tpu.memory_space<hbm>>
      %dma_start3A_1052 = arith.constant 0 : i32
      %dma_start3A_1053 = arith.constant 0 : i32
      %dma_start3A_1054 = tpu.memref_slice %arg11[%dma_start3A_1052, %dma_start3A_1053] : memref<128x128xf32, #tpu.memory_space<vmem>> -> memref<72x128xf32, #tpu.memory_space<vmem>>
      tpu.enqueue_dma source(%dma_start3A_1054 : memref<72x128xf32, #tpu.memory_space<vmem>>) target(%dma_start3A_1051 : memref<72x128xf32, #tpu.memory_space<hbm>>) target_semaphore(%arg23 : memref<!tpu.dma_semaphore, #tpu.memory_space<semaphore_mem>>)
      %dma_wait3A_1055 = arith.constant 0 : i32
      %dma_wait3A_1056 = arith.constant 0 : i32
      %dma_wait3A_1057 = tpu.memref_slice %arg8[%dma_wait3A_1055, %dma_wait3A_1056] : memref<128x128xf32, #tpu.memory_space<vmem>> -> memref<128x128xf32, #tpu.memory_space<vmem>>
      %dma_wait3A_1058 = arith.constant 0 : i32
      %dma_wait3A_1059 = tpu.memref_slice %arg4[%add3A_912, %dma_wait3A_1058] : memref<819200x128xf32, #tpu.memory_space<hbm>> -> memref<128x128xf32, #tpu.memory_space<hbm>>
      %dma_wait3A_1060 = arith.constant 0 : i32
      %dma_wait3A_1061 = tpu.memref_slice %arg4[%add3A_912, %dma_wait3A_1060] : memref<819200x128xf32, #tpu.memory_space<hbm>> -> memref<128x128xf32, #tpu.memory_space<hbm>>
      %dma_wait3A_1062 = arith.constant 0 : i32
      %dma_wait3A_1063 = arith.constant 0 : i32
      %dma_wait3A_1064 = tpu.memref_slice %arg8[%dma_wait3A_1062, %dma_wait3A_1063] : memref<128x128xf32, #tpu.memory_space<vmem>> -> memref<128x128xf32, #tpu.memory_space<vmem>>
      tpu.wait_dma2 semaphore(%arg20 : memref<!tpu.dma_semaphore, #tpu.memory_space<semaphore_mem>>) src(%dma_wait3A_1064 : memref<128x128xf32, #tpu.memory_space<vmem>>) dst(%dma_wait3A_1061 : memref<128x128xf32, #tpu.memory_space<hbm>>)
      %dma_start3A_1065 = arith.constant 13 : i32
      %dma_start3A_1066 = arith.constant 0 : i32
      %dma_start3A_1067 = arith.constant 0 : i32
      %dma_start3A_1068 = tpu.memref_slice %arg8[%dma_start3A_1066, %dma_start3A_1067] : memref<128x128xf32, #tpu.memory_space<vmem>> -> memref<128x128xf32, #tpu.memory_space<vmem>>
      %dma_start3A_1069 = arith.constant 0 : i32
      %dma_start3A_1070 = tpu.memref_slice %arg5[%dma_start3A_1065, %dma_start3A_1069] : memref<16x200xi32, #tpu.memory_space<vmem>> -> memref<1x128xi32, #tpu.memory_space<vmem>>
      %dma_start3A_1071 = tpu.memref_squeeze %dma_start3A_1070 : memref<1x128xi32, #tpu.memory_space<vmem>> -> memref<128xi32, #tpu.memory_space<vmem>>
      %dma_start3A_1072 = arith.constant 0 : i32
      %dma_start3A_1073 = arith.constant 0 : i32
      %dma_start3A_1074 = tpu.memref_slice %arg3[%dma_start3A_1072, %dma_start3A_1073] : memref<32256x128xf32, #tpu.memory_space<hbm>> -> memref<32256x128xf32, #tpu.memory_space<hbm>>
      tpu.enqueue_indirect_dma source(%dma_start3A_1074 : memref<32256x128xf32, #tpu.memory_space<hbm>>) target(%dma_start3A_1068 : memref<128x128xf32, #tpu.memory_space<vmem>>) offsets(%dma_start3A_1071 : memref<128xi32, #tpu.memory_space<vmem>>) semaphore(%arg14 : memref<!tpu.dma_semaphore, #tpu.memory_space<semaphore_mem>>)
      %dma_wait3A_1075 = arith.constant 12 : i32
      %dma_wait3A_1076 = arith.constant 0 : i32
      %dma_wait3A_1077 = arith.constant 0 : i32
      %dma_wait3A_1078 = tpu.memref_slice %arg6[%dma_wait3A_1076, %dma_wait3A_1077] : memref<128x128xf32, #tpu.memory_space<vmem>> -> memref<128x128xf32, #tpu.memory_space<vmem>>
      %dma_wait3A_1079 = arith.constant 0 : i32
      %dma_wait3A_1080 = tpu.memref_slice %arg5[%dma_wait3A_1075, %dma_wait3A_1079] : memref<16x200xi32, #tpu.memory_space<vmem>> -> memref<1x128xi32, #tpu.memory_space<vmem>>
      %dma_wait3A_1081 = tpu.memref_squeeze %dma_wait3A_1080 : memref<1x128xi32, #tpu.memory_space<vmem>> -> memref<128xi32, #tpu.memory_space<vmem>>
      %dma_wait3A_1082 = arith.constant 0 : i32
      %dma_wait3A_1083 = arith.constant 0 : i32
      %dma_wait3A_1084 = tpu.memref_slice %arg3[%dma_wait3A_1082, %dma_wait3A_1083] : memref<32256x128xf32, #tpu.memory_space<hbm>> -> memref<32256x128xf32, #tpu.memory_space<hbm>>
      tpu.wait_indirect_dma semaphore(%arg12 : memref<!tpu.dma_semaphore, #tpu.memory_space<semaphore_mem>>) src(%dma_wait3A_1084 : memref<32256x128xf32, #tpu.memory_space<hbm>>) dst(%dma_wait3A_1078 : memref<128x128xf32, #tpu.memory_space<vmem>>)
      %add3A_1085 = arith.constant 2400 : i32
      %add3A_1086 = arith.addi %add3A_20, %add3A_1085 : i32
      %add3A_1087 = arith.constant 0 : i32
      %add3A_1088 = arith.addi %add3A_1086, %add3A_1087 : i32
      %dma_start3A_1089 = arith.constant 0 : i32
      %dma_start3A_1090 = arith.constant 0 : i32
      %dma_start3A_1091 = tpu.memref_slice %arg6[%dma_start3A_1089, %dma_start3A_1090] : memref<128x128xf32, #tpu.memory_space<vmem>> -> memref<128x128xf32, #tpu.memory_space<vmem>>
      %dma_start3A_1092 = arith.constant 0 : i32
      %dma_start3A_1093 = tpu.memref_slice %arg4[%add3A_1088, %dma_start3A_1092] : memref<819200x128xf32, #tpu.memory_space<hbm>> -> memref<128x128xf32, #tpu.memory_space<hbm>>
      %dma_start3A_1094 = arith.constant 0 : i32
      %dma_start3A_1095 = tpu.memref_slice %arg4[%add3A_1088, %dma_start3A_1094] : memref<819200x128xf32, #tpu.memory_space<hbm>> -> memref<128x128xf32, #tpu.memory_space<hbm>>
      %dma_start3A_1096 = arith.constant 0 : i32
      %dma_start3A_1097 = arith.constant 0 : i32
      %dma_start3A_1098 = tpu.memref_slice %arg6[%dma_start3A_1096, %dma_start3A_1097] : memref<128x128xf32, #tpu.memory_space<vmem>> -> memref<128x128xf32, #tpu.memory_space<vmem>>
      tpu.enqueue_dma source(%dma_start3A_1098 : memref<128x128xf32, #tpu.memory_space<vmem>>) target(%dma_start3A_1095 : memref<128x128xf32, #tpu.memory_space<hbm>>) target_semaphore(%arg18 : memref<!tpu.dma_semaphore, #tpu.memory_space<semaphore_mem>>)
      %dma_wait3A_1099 = arith.constant 0 : i32
      %dma_wait3A_1100 = arith.constant 0 : i32
      %dma_wait3A_1101 = tpu.memref_slice %arg9[%dma_wait3A_1099, %dma_wait3A_1100] : memref<128x128xf32, #tpu.memory_space<vmem>> -> memref<72x128xf32, #tpu.memory_space<vmem>>
      %dma_wait3A_1102 = arith.constant 0 : i32
      %dma_wait3A_1103 = tpu.memref_slice %arg4[%add3A_956, %dma_wait3A_1102] : memref<819200x128xf32, #tpu.memory_space<hbm>> -> memref<72x128xf32, #tpu.memory_space<hbm>>
      %dma_wait3A_1104 = arith.constant 0 : i32
      %dma_wait3A_1105 = tpu.memref_slice %arg4[%add3A_956, %dma_wait3A_1104] : memref<819200x128xf32, #tpu.memory_space<hbm>> -> memref<72x128xf32, #tpu.memory_space<hbm>>
      %dma_wait3A_1106 = arith.constant 0 : i32
      %dma_wait3A_1107 = arith.constant 0 : i32
      %dma_wait3A_1108 = tpu.memref_slice %arg9[%dma_wait3A_1106, %dma_wait3A_1107] : memref<128x128xf32, #tpu.memory_space<vmem>> -> memref<72x128xf32, #tpu.memory_space<vmem>>
      tpu.wait_dma2 semaphore(%arg21 : memref<!tpu.dma_semaphore, #tpu.memory_space<semaphore_mem>>) src(%dma_wait3A_1108 : memref<72x128xf32, #tpu.memory_space<vmem>>) dst(%dma_wait3A_1105 : memref<72x128xf32, #tpu.memory_space<hbm>>)
      %dma_start3A_1109 = arith.constant 13 : i32
      %dma_start3A_1110 = arith.constant 0 : i32
      %dma_start3A_1111 = arith.constant 0 : i32
      %dma_start3A_1112 = tpu.memref_slice %arg9[%dma_start3A_1110, %dma_start3A_1111] : memref<128x128xf32, #tpu.memory_space<vmem>> -> memref<72x128xf32, #tpu.memory_space<vmem>>
      %dma_start3A_1113 = arith.constant 128 : i32
      %dma_start3A_1114 = tpu.memref_slice %arg5[%dma_start3A_1109, %dma_start3A_1113] : memref<16x200xi32, #tpu.memory_space<vmem>> -> memref<1x72xi32, #tpu.memory_space<vmem>>
      %dma_start3A_1115 = tpu.memref_squeeze %dma_start3A_1114 : memref<1x72xi32, #tpu.memory_space<vmem>> -> memref<72xi32, #tpu.memory_space<vmem>>
      %dma_start3A_1116 = arith.constant 0 : i32
      %dma_start3A_1117 = arith.constant 0 : i32
      %dma_start3A_1118 = tpu.memref_slice %arg3[%dma_start3A_1116, %dma_start3A_1117] : memref<32256x128xf32, #tpu.memory_space<hbm>> -> memref<32256x128xf32, #tpu.memory_space<hbm>>
      tpu.enqueue_indirect_dma source(%dma_start3A_1118 : memref<32256x128xf32, #tpu.memory_space<hbm>>) target(%dma_start3A_1112 : memref<72x128xf32, #tpu.memory_space<vmem>>) offsets(%dma_start3A_1115 : memref<72xi32, #tpu.memory_space<vmem>>) semaphore(%arg15 : memref<!tpu.dma_semaphore, #tpu.memory_space<semaphore_mem>>)
      %dma_wait3A_1119 = arith.constant 12 : i32
      %dma_wait3A_1120 = arith.constant 0 : i32
      %dma_wait3A_1121 = arith.constant 0 : i32
      %dma_wait3A_1122 = tpu.memref_slice %arg7[%dma_wait3A_1120, %dma_wait3A_1121] : memref<128x128xf32, #tpu.memory_space<vmem>> -> memref<72x128xf32, #tpu.memory_space<vmem>>
      %dma_wait3A_1123 = arith.constant 128 : i32
      %dma_wait3A_1124 = tpu.memref_slice %arg5[%dma_wait3A_1119, %dma_wait3A_1123] : memref<16x200xi32, #tpu.memory_space<vmem>> -> memref<1x72xi32, #tpu.memory_space<vmem>>
      %dma_wait3A_1125 = tpu.memref_squeeze %dma_wait3A_1124 : memref<1x72xi32, #tpu.memory_space<vmem>> -> memref<72xi32, #tpu.memory_space<vmem>>
      %dma_wait3A_1126 = arith.constant 0 : i32
      %dma_wait3A_1127 = arith.constant 0 : i32
      %dma_wait3A_1128 = tpu.memref_slice %arg3[%dma_wait3A_1126, %dma_wait3A_1127] : memref<32256x128xf32, #tpu.memory_space<hbm>> -> memref<32256x128xf32, #tpu.memory_space<hbm>>
      tpu.wait_indirect_dma semaphore(%arg13 : memref<!tpu.dma_semaphore, #tpu.memory_space<semaphore_mem>>) src(%dma_wait3A_1128 : memref<32256x128xf32, #tpu.memory_space<hbm>>) dst(%dma_wait3A_1122 : memref<72x128xf32, #tpu.memory_space<vmem>>)
      %add3A_1129 = arith.constant 2400 : i32
      %add3A_1130 = arith.addi %add3A_20, %add3A_1129 : i32
      %add3A_1131 = arith.constant 128 : i32
      %add3A_1132 = arith.addi %add3A_1130, %add3A_1131 : i32
      %dma_start3A_1133 = arith.constant 0 : i32
      %dma_start3A_1134 = arith.constant 0 : i32
      %dma_start3A_1135 = tpu.memref_slice %arg7[%dma_start3A_1133, %dma_start3A_1134] : memref<128x128xf32, #tpu.memory_space<vmem>> -> memref<72x128xf32, #tpu.memory_space<vmem>>
      %dma_start3A_1136 = arith.constant 0 : i32
      %dma_start3A_1137 = tpu.memref_slice %arg4[%add3A_1132, %dma_start3A_1136] : memref<819200x128xf32, #tpu.memory_space<hbm>> -> memref<72x128xf32, #tpu.memory_space<hbm>>
      %dma_start3A_1138 = arith.constant 0 : i32
      %dma_start3A_1139 = tpu.memref_slice %arg4[%add3A_1132, %dma_start3A_1138] : memref<819200x128xf32, #tpu.memory_space<hbm>> -> memref<72x128xf32, #tpu.memory_space<hbm>>
      %dma_start3A_1140 = arith.constant 0 : i32
      %dma_start3A_1141 = arith.constant 0 : i32
      %dma_start3A_1142 = tpu.memref_slice %arg7[%dma_start3A_1140, %dma_start3A_1141] : memref<128x128xf32, #tpu.memory_space<vmem>> -> memref<72x128xf32, #tpu.memory_space<vmem>>
      tpu.enqueue_dma source(%dma_start3A_1142 : memref<72x128xf32, #tpu.memory_space<vmem>>) target(%dma_start3A_1139 : memref<72x128xf32, #tpu.memory_space<hbm>>) target_semaphore(%arg19 : memref<!tpu.dma_semaphore, #tpu.memory_space<semaphore_mem>>)
      %dma_wait3A_1143 = arith.constant 0 : i32
      %dma_wait3A_1144 = arith.constant 0 : i32
      %dma_wait3A_1145 = tpu.memref_slice %arg10[%dma_wait3A_1143, %dma_wait3A_1144] : memref<128x128xf32, #tpu.memory_space<vmem>> -> memref<128x128xf32, #tpu.memory_space<vmem>>
      %dma_wait3A_1146 = arith.constant 0 : i32
      %dma_wait3A_1147 = tpu.memref_slice %arg4[%add3A_1000, %dma_wait3A_1146] : memref<819200x128xf32, #tpu.memory_space<hbm>> -> memref<128x128xf32, #tpu.memory_space<hbm>>
      %dma_wait3A_1148 = arith.constant 0 : i32
      %dma_wait3A_1149 = tpu.memref_slice %arg4[%add3A_1000, %dma_wait3A_1148] : memref<819200x128xf32, #tpu.memory_space<hbm>> -> memref<128x128xf32, #tpu.memory_space<hbm>>
      %dma_wait3A_1150 = arith.constant 0 : i32
      %dma_wait3A_1151 = arith.constant 0 : i32
      %dma_wait3A_1152 = tpu.memref_slice %arg10[%dma_wait3A_1150, %dma_wait3A_1151] : memref<128x128xf32, #tpu.memory_space<vmem>> -> memref<128x128xf32, #tpu.memory_space<vmem>>
      tpu.wait_dma2 semaphore(%arg22 : memref<!tpu.dma_semaphore, #tpu.memory_space<semaphore_mem>>) src(%dma_wait3A_1152 : memref<128x128xf32, #tpu.memory_space<vmem>>) dst(%dma_wait3A_1149 : memref<128x128xf32, #tpu.memory_space<hbm>>)
      %dma_start3A_1153 = arith.constant 14 : i32
      %dma_start3A_1154 = arith.constant 0 : i32
      %dma_start3A_1155 = arith.constant 0 : i32
      %dma_start3A_1156 = tpu.memref_slice %arg10[%dma_start3A_1154, %dma_start3A_1155] : memref<128x128xf32, #tpu.memory_space<vmem>> -> memref<128x128xf32, #tpu.memory_space<vmem>>
      %dma_start3A_1157 = arith.constant 0 : i32
      %dma_start3A_1158 = tpu.memref_slice %arg5[%dma_start3A_1153, %dma_start3A_1157] : memref<16x200xi32, #tpu.memory_space<vmem>> -> memref<1x128xi32, #tpu.memory_space<vmem>>
      %dma_start3A_1159 = tpu.memref_squeeze %dma_start3A_1158 : memref<1x128xi32, #tpu.memory_space<vmem>> -> memref<128xi32, #tpu.memory_space<vmem>>
      %dma_start3A_1160 = arith.constant 0 : i32
      %dma_start3A_1161 = arith.constant 0 : i32
      %dma_start3A_1162 = tpu.memref_slice %arg3[%dma_start3A_1160, %dma_start3A_1161] : memref<32256x128xf32, #tpu.memory_space<hbm>> -> memref<32256x128xf32, #tpu.memory_space<hbm>>
      tpu.enqueue_indirect_dma source(%dma_start3A_1162 : memref<32256x128xf32, #tpu.memory_space<hbm>>) target(%dma_start3A_1156 : memref<128x128xf32, #tpu.memory_space<vmem>>) offsets(%dma_start3A_1159 : memref<128xi32, #tpu.memory_space<vmem>>) semaphore(%arg16 : memref<!tpu.dma_semaphore, #tpu.memory_space<semaphore_mem>>)
      %dma_wait3A_1163 = arith.constant 13 : i32
      %dma_wait3A_1164 = arith.constant 0 : i32
      %dma_wait3A_1165 = arith.constant 0 : i32
      %dma_wait3A_1166 = tpu.memref_slice %arg8[%dma_wait3A_1164, %dma_wait3A_1165] : memref<128x128xf32, #tpu.memory_space<vmem>> -> memref<128x128xf32, #tpu.memory_space<vmem>>
      %dma_wait3A_1167 = arith.constant 0 : i32
      %dma_wait3A_1168 = tpu.memref_slice %arg5[%dma_wait3A_1163, %dma_wait3A_1167] : memref<16x200xi32, #tpu.memory_space<vmem>> -> memref<1x128xi32, #tpu.memory_space<vmem>>
      %dma_wait3A_1169 = tpu.memref_squeeze %dma_wait3A_1168 : memref<1x128xi32, #tpu.memory_space<vmem>> -> memref<128xi32, #tpu.memory_space<vmem>>
      %dma_wait3A_1170 = arith.constant 0 : i32
      %dma_wait3A_1171 = arith.constant 0 : i32
      %dma_wait3A_1172 = tpu.memref_slice %arg3[%dma_wait3A_1170, %dma_wait3A_1171] : memref<32256x128xf32, #tpu.memory_space<hbm>> -> memref<32256x128xf32, #tpu.memory_space<hbm>>
      tpu.wait_indirect_dma semaphore(%arg14 : memref<!tpu.dma_semaphore, #tpu.memory_space<semaphore_mem>>) src(%dma_wait3A_1172 : memref<32256x128xf32, #tpu.memory_space<hbm>>) dst(%dma_wait3A_1166 : memref<128x128xf32, #tpu.memory_space<vmem>>)
      %add3A_1173 = arith.constant 2600 : i32
      %add3A_1174 = arith.addi %add3A_20, %add3A_1173 : i32
      %add3A_1175 = arith.constant 0 : i32
      %add3A_1176 = arith.addi %add3A_1174, %add3A_1175 : i32
      %dma_start3A_1177 = arith.constant 0 : i32
      %dma_start3A_1178 = arith.constant 0 : i32
      %dma_start3A_1179 = tpu.memref_slice %arg8[%dma_start3A_1177, %dma_start3A_1178] : memref<128x128xf32, #tpu.memory_space<vmem>> -> memref<128x128xf32, #tpu.memory_space<vmem>>
      %dma_start3A_1180 = arith.constant 0 : i32
      %dma_start3A_1181 = tpu.memref_slice %arg4[%add3A_1176, %dma_start3A_1180] : memref<819200x128xf32, #tpu.memory_space<hbm>> -> memref<128x128xf32, #tpu.memory_space<hbm>>
      %dma_start3A_1182 = arith.constant 0 : i32
      %dma_start3A_1183 = tpu.memref_slice %arg4[%add3A_1176, %dma_start3A_1182] : memref<819200x128xf32, #tpu.memory_space<hbm>> -> memref<128x128xf32, #tpu.memory_space<hbm>>
      %dma_start3A_1184 = arith.constant 0 : i32
      %dma_start3A_1185 = arith.constant 0 : i32
      %dma_start3A_1186 = tpu.memref_slice %arg8[%dma_start3A_1184, %dma_start3A_1185] : memref<128x128xf32, #tpu.memory_space<vmem>> -> memref<128x128xf32, #tpu.memory_space<vmem>>
      tpu.enqueue_dma source(%dma_start3A_1186 : memref<128x128xf32, #tpu.memory_space<vmem>>) target(%dma_start3A_1183 : memref<128x128xf32, #tpu.memory_space<hbm>>) target_semaphore(%arg20 : memref<!tpu.dma_semaphore, #tpu.memory_space<semaphore_mem>>)
      %dma_wait3A_1187 = arith.constant 0 : i32
      %dma_wait3A_1188 = arith.constant 0 : i32
      %dma_wait3A_1189 = tpu.memref_slice %arg11[%dma_wait3A_1187, %dma_wait3A_1188] : memref<128x128xf32, #tpu.memory_space<vmem>> -> memref<72x128xf32, #tpu.memory_space<vmem>>
      %dma_wait3A_1190 = arith.constant 0 : i32
      %dma_wait3A_1191 = tpu.memref_slice %arg4[%add3A_1044, %dma_wait3A_1190] : memref<819200x128xf32, #tpu.memory_space<hbm>> -> memref<72x128xf32, #tpu.memory_space<hbm>>
      %dma_wait3A_1192 = arith.constant 0 : i32
      %dma_wait3A_1193 = tpu.memref_slice %arg4[%add3A_1044, %dma_wait3A_1192] : memref<819200x128xf32, #tpu.memory_space<hbm>> -> memref<72x128xf32, #tpu.memory_space<hbm>>
      %dma_wait3A_1194 = arith.constant 0 : i32
      %dma_wait3A_1195 = arith.constant 0 : i32
      %dma_wait3A_1196 = tpu.memref_slice %arg11[%dma_wait3A_1194, %dma_wait3A_1195] : memref<128x128xf32, #tpu.memory_space<vmem>> -> memref<72x128xf32, #tpu.memory_space<vmem>>
      tpu.wait_dma2 semaphore(%arg23 : memref<!tpu.dma_semaphore, #tpu.memory_space<semaphore_mem>>) src(%dma_wait3A_1196 : memref<72x128xf32, #tpu.memory_space<vmem>>) dst(%dma_wait3A_1193 : memref<72x128xf32, #tpu.memory_space<hbm>>)
      %dma_start3A_1197 = arith.constant 14 : i32
      %dma_start3A_1198 = arith.constant 0 : i32
      %dma_start3A_1199 = arith.constant 0 : i32
      %dma_start3A_1200 = tpu.memref_slice %arg11[%dma_start3A_1198, %dma_start3A_1199] : memref<128x128xf32, #tpu.memory_space<vmem>> -> memref<72x128xf32, #tpu.memory_space<vmem>>
      %dma_start3A_1201 = arith.constant 128 : i32
      %dma_start3A_1202 = tpu.memref_slice %arg5[%dma_start3A_1197, %dma_start3A_1201] : memref<16x200xi32, #tpu.memory_space<vmem>> -> memref<1x72xi32, #tpu.memory_space<vmem>>
      %dma_start3A_1203 = tpu.memref_squeeze %dma_start3A_1202 : memref<1x72xi32, #tpu.memory_space<vmem>> -> memref<72xi32, #tpu.memory_space<vmem>>
      %dma_start3A_1204 = arith.constant 0 : i32
      %dma_start3A_1205 = arith.constant 0 : i32
      %dma_start3A_1206 = tpu.memref_slice %arg3[%dma_start3A_1204, %dma_start3A_1205] : memref<32256x128xf32, #tpu.memory_space<hbm>> -> memref<32256x128xf32, #tpu.memory_space<hbm>>
      tpu.enqueue_indirect_dma source(%dma_start3A_1206 : memref<32256x128xf32, #tpu.memory_space<hbm>>) target(%dma_start3A_1200 : memref<72x128xf32, #tpu.memory_space<vmem>>) offsets(%dma_start3A_1203 : memref<72xi32, #tpu.memory_space<vmem>>) semaphore(%arg17 : memref<!tpu.dma_semaphore, #tpu.memory_space<semaphore_mem>>)
      %dma_wait3A_1207 = arith.constant 13 : i32
      %dma_wait3A_1208 = arith.constant 0 : i32
      %dma_wait3A_1209 = arith.constant 0 : i32
      %dma_wait3A_1210 = tpu.memref_slice %arg9[%dma_wait3A_1208, %dma_wait3A_1209] : memref<128x128xf32, #tpu.memory_space<vmem>> -> memref<72x128xf32, #tpu.memory_space<vmem>>
      %dma_wait3A_1211 = arith.constant 128 : i32
      %dma_wait3A_1212 = tpu.memref_slice %arg5[%dma_wait3A_1207, %dma_wait3A_1211] : memref<16x200xi32, #tpu.memory_space<vmem>> -> memref<1x72xi32, #tpu.memory_space<vmem>>
      %dma_wait3A_1213 = tpu.memref_squeeze %dma_wait3A_1212 : memref<1x72xi32, #tpu.memory_space<vmem>> -> memref<72xi32, #tpu.memory_space<vmem>>
      %dma_wait3A_1214 = arith.constant 0 : i32
      %dma_wait3A_1215 = arith.constant 0 : i32
      %dma_wait3A_1216 = tpu.memref_slice %arg3[%dma_wait3A_1214, %dma_wait3A_1215] : memref<32256x128xf32, #tpu.memory_space<hbm>> -> memref<32256x128xf32, #tpu.memory_space<hbm>>
      tpu.wait_indirect_dma semaphore(%arg15 : memref<!tpu.dma_semaphore, #tpu.memory_space<semaphore_mem>>) src(%dma_wait3A_1216 : memref<32256x128xf32, #tpu.memory_space<hbm>>) dst(%dma_wait3A_1210 : memref<72x128xf32, #tpu.memory_space<vmem>>)
      %add3A_1217 = arith.constant 2600 : i32
      %add3A_1218 = arith.addi %add3A_20, %add3A_1217 : i32
      %add3A_1219 = arith.constant 128 : i32
      %add3A_1220 = arith.addi %add3A_1218, %add3A_1219 : i32
      %dma_start3A_1221 = arith.constant 0 : i32
      %dma_start3A_1222 = arith.constant 0 : i32
      %dma_start3A_1223 = tpu.memref_slice %arg9[%dma_start3A_1221, %dma_start3A_1222] : memref<128x128xf32, #tpu.memory_space<vmem>> -> memref<72x128xf32, #tpu.memory_space<vmem>>
      %dma_start3A_1224 = arith.constant 0 : i32
      %dma_start3A_1225 = tpu.memref_slice %arg4[%add3A_1220, %dma_start3A_1224] : memref<819200x128xf32, #tpu.memory_space<hbm>> -> memref<72x128xf32, #tpu.memory_space<hbm>>
      %dma_start3A_1226 = arith.constant 0 : i32
      %dma_start3A_1227 = tpu.memref_slice %arg4[%add3A_1220, %dma_start3A_1226] : memref<819200x128xf32, #tpu.memory_space<hbm>> -> memref<72x128xf32, #tpu.memory_space<hbm>>
      %dma_start3A_1228 = arith.constant 0 : i32
      %dma_start3A_1229 = arith.constant 0 : i32
      %dma_start3A_1230 = tpu.memref_slice %arg9[%dma_start3A_1228, %dma_start3A_1229] : memref<128x128xf32, #tpu.memory_space<vmem>> -> memref<72x128xf32, #tpu.memory_space<vmem>>
      tpu.enqueue_dma source(%dma_start3A_1230 : memref<72x128xf32, #tpu.memory_space<vmem>>) target(%dma_start3A_1227 : memref<72x128xf32, #tpu.memory_space<hbm>>) target_semaphore(%arg21 : memref<!tpu.dma_semaphore, #tpu.memory_space<semaphore_mem>>)
      %dma_wait3A_1231 = arith.constant 0 : i32
      %dma_wait3A_1232 = arith.constant 0 : i32
      %dma_wait3A_1233 = tpu.memref_slice %arg6[%dma_wait3A_1231, %dma_wait3A_1232] : memref<128x128xf32, #tpu.memory_space<vmem>> -> memref<128x128xf32, #tpu.memory_space<vmem>>
      %dma_wait3A_1234 = arith.constant 0 : i32
      %dma_wait3A_1235 = tpu.memref_slice %arg4[%add3A_1088, %dma_wait3A_1234] : memref<819200x128xf32, #tpu.memory_space<hbm>> -> memref<128x128xf32, #tpu.memory_space<hbm>>
      %dma_wait3A_1236 = arith.constant 0 : i32
      %dma_wait3A_1237 = tpu.memref_slice %arg4[%add3A_1088, %dma_wait3A_1236] : memref<819200x128xf32, #tpu.memory_space<hbm>> -> memref<128x128xf32, #tpu.memory_space<hbm>>
      %dma_wait3A_1238 = arith.constant 0 : i32
      %dma_wait3A_1239 = arith.constant 0 : i32
      %dma_wait3A_1240 = tpu.memref_slice %arg6[%dma_wait3A_1238, %dma_wait3A_1239] : memref<128x128xf32, #tpu.memory_space<vmem>> -> memref<128x128xf32, #tpu.memory_space<vmem>>
      tpu.wait_dma2 semaphore(%arg18 : memref<!tpu.dma_semaphore, #tpu.memory_space<semaphore_mem>>) src(%dma_wait3A_1240 : memref<128x128xf32, #tpu.memory_space<vmem>>) dst(%dma_wait3A_1237 : memref<128x128xf32, #tpu.memory_space<hbm>>)
      %dma_start3A_1241 = arith.constant 15 : i32
      %dma_start3A_1242 = arith.constant 0 : i32
      %dma_start3A_1243 = arith.constant 0 : i32
      %dma_start3A_1244 = tpu.memref_slice %arg6[%dma_start3A_1242, %dma_start3A_1243] : memref<128x128xf32, #tpu.memory_space<vmem>> -> memref<128x128xf32, #tpu.memory_space<vmem>>
      %dma_start3A_1245 = arith.constant 0 : i32
      %dma_start3A_1246 = tpu.memref_slice %arg5[%dma_start3A_1241, %dma_start3A_1245] : memref<16x200xi32, #tpu.memory_space<vmem>> -> memref<1x128xi32, #tpu.memory_space<vmem>>
      %dma_start3A_1247 = tpu.memref_squeeze %dma_start3A_1246 : memref<1x128xi32, #tpu.memory_space<vmem>> -> memref<128xi32, #tpu.memory_space<vmem>>
      %dma_start3A_1248 = arith.constant 0 : i32
      %dma_start3A_1249 = arith.constant 0 : i32
      %dma_start3A_1250 = tpu.memref_slice %arg3[%dma_start3A_1248, %dma_start3A_1249] : memref<32256x128xf32, #tpu.memory_space<hbm>> -> memref<32256x128xf32, #tpu.memory_space<hbm>>
      tpu.enqueue_indirect_dma source(%dma_start3A_1250 : memref<32256x128xf32, #tpu.memory_space<hbm>>) target(%dma_start3A_1244 : memref<128x128xf32, #tpu.memory_space<vmem>>) offsets(%dma_start3A_1247 : memref<128xi32, #tpu.memory_space<vmem>>) semaphore(%arg12 : memref<!tpu.dma_semaphore, #tpu.memory_space<semaphore_mem>>)
      %dma_wait3A_1251 = arith.constant 14 : i32
      %dma_wait3A_1252 = arith.constant 0 : i32
      %dma_wait3A_1253 = arith.constant 0 : i32
      %dma_wait3A_1254 = tpu.memref_slice %arg10[%dma_wait3A_1252, %dma_wait3A_1253] : memref<128x128xf32, #tpu.memory_space<vmem>> -> memref<128x128xf32, #tpu.memory_space<vmem>>
      %dma_wait3A_1255 = arith.constant 0 : i32
      %dma_wait3A_1256 = tpu.memref_slice %arg5[%dma_wait3A_1251, %dma_wait3A_1255] : memref<16x200xi32, #tpu.memory_space<vmem>> -> memref<1x128xi32, #tpu.memory_space<vmem>>
      %dma_wait3A_1257 = tpu.memref_squeeze %dma_wait3A_1256 : memref<1x128xi32, #tpu.memory_space<vmem>> -> memref<128xi32, #tpu.memory_space<vmem>>
      %dma_wait3A_1258 = arith.constant 0 : i32
      %dma_wait3A_1259 = arith.constant 0 : i32
      %dma_wait3A_1260 = tpu.memref_slice %arg3[%dma_wait3A_1258, %dma_wait3A_1259] : memref<32256x128xf32, #tpu.memory_space<hbm>> -> memref<32256x128xf32, #tpu.memory_space<hbm>>
      tpu.wait_indirect_dma semaphore(%arg16 : memref<!tpu.dma_semaphore, #tpu.memory_space<semaphore_mem>>) src(%dma_wait3A_1260 : memref<32256x128xf32, #tpu.memory_space<hbm>>) dst(%dma_wait3A_1254 : memref<128x128xf32, #tpu.memory_space<vmem>>)
      %add3A_1261 = arith.constant 2800 : i32
      %add3A_1262 = arith.addi %add3A_20, %add3A_1261 : i32
      %add3A_1263 = arith.constant 0 : i32
      %add3A_1264 = arith.addi %add3A_1262, %add3A_1263 : i32
      %dma_start3A_1265 = arith.constant 0 : i32
      %dma_start3A_1266 = arith.constant 0 : i32
      %dma_start3A_1267 = tpu.memref_slice %arg10[%dma_start3A_1265, %dma_start3A_1266] : memref<128x128xf32, #tpu.memory_space<vmem>> -> memref<128x128xf32, #tpu.memory_space<vmem>>
      %dma_start3A_1268 = arith.constant 0 : i32
      %dma_start3A_1269 = tpu.memref_slice %arg4[%add3A_1264, %dma_start3A_1268] : memref<819200x128xf32, #tpu.memory_space<hbm>> -> memref<128x128xf32, #tpu.memory_space<hbm>>
      %dma_start3A_1270 = arith.constant 0 : i32
      %dma_start3A_1271 = tpu.memref_slice %arg4[%add3A_1264, %dma_start3A_1270] : memref<819200x128xf32, #tpu.memory_space<hbm>> -> memref<128x128xf32, #tpu.memory_space<hbm>>
      %dma_start3A_1272 = arith.constant 0 : i32
      %dma_start3A_1273 = arith.constant 0 : i32
      %dma_start3A_1274 = tpu.memref_slice %arg10[%dma_start3A_1272, %dma_start3A_1273] : memref<128x128xf32, #tpu.memory_space<vmem>> -> memref<128x128xf32, #tpu.memory_space<vmem>>
      tpu.enqueue_dma source(%dma_start3A_1274 : memref<128x128xf32, #tpu.memory_space<vmem>>) target(%dma_start3A_1271 : memref<128x128xf32, #tpu.memory_space<hbm>>) target_semaphore(%arg22 : memref<!tpu.dma_semaphore, #tpu.memory_space<semaphore_mem>>)
      %dma_wait3A_1275 = arith.constant 0 : i32
      %dma_wait3A_1276 = arith.constant 0 : i32
      %dma_wait3A_1277 = tpu.memref_slice %arg7[%dma_wait3A_1275, %dma_wait3A_1276] : memref<128x128xf32, #tpu.memory_space<vmem>> -> memref<72x128xf32, #tpu.memory_space<vmem>>
      %dma_wait3A_1278 = arith.constant 0 : i32
      %dma_wait3A_1279 = tpu.memref_slice %arg4[%add3A_1132, %dma_wait3A_1278] : memref<819200x128xf32, #tpu.memory_space<hbm>> -> memref<72x128xf32, #tpu.memory_space<hbm>>
      %dma_wait3A_1280 = arith.constant 0 : i32
      %dma_wait3A_1281 = tpu.memref_slice %arg4[%add3A_1132, %dma_wait3A_1280] : memref<819200x128xf32, #tpu.memory_space<hbm>> -> memref<72x128xf32, #tpu.memory_space<hbm>>
      %dma_wait3A_1282 = arith.constant 0 : i32
      %dma_wait3A_1283 = arith.constant 0 : i32
      %dma_wait3A_1284 = tpu.memref_slice %arg7[%dma_wait3A_1282, %dma_wait3A_1283] : memref<128x128xf32, #tpu.memory_space<vmem>> -> memref<72x128xf32, #tpu.memory_space<vmem>>
      tpu.wait_dma2 semaphore(%arg19 : memref<!tpu.dma_semaphore, #tpu.memory_space<semaphore_mem>>) src(%dma_wait3A_1284 : memref<72x128xf32, #tpu.memory_space<vmem>>) dst(%dma_wait3A_1281 : memref<72x128xf32, #tpu.memory_space<hbm>>)
      %dma_start3A_1285 = arith.constant 15 : i32
      %dma_start3A_1286 = arith.constant 0 : i32
      %dma_start3A_1287 = arith.constant 0 : i32
      %dma_start3A_1288 = tpu.memref_slice %arg7[%dma_start3A_1286, %dma_start3A_1287] : memref<128x128xf32, #tpu.memory_space<vmem>> -> memref<72x128xf32, #tpu.memory_space<vmem>>
      %dma_start3A_1289 = arith.constant 128 : i32
      %dma_start3A_1290 = tpu.memref_slice %arg5[%dma_start3A_1285, %dma_start3A_1289] : memref<16x200xi32, #tpu.memory_space<vmem>> -> memref<1x72xi32, #tpu.memory_space<vmem>>
      %dma_start3A_1291 = tpu.memref_squeeze %dma_start3A_1290 : memref<1x72xi32, #tpu.memory_space<vmem>> -> memref<72xi32, #tpu.memory_space<vmem>>
      %dma_start3A_1292 = arith.constant 0 : i32
      %dma_start3A_1293 = arith.constant 0 : i32
      %dma_start3A_1294 = tpu.memref_slice %arg3[%dma_start3A_1292, %dma_start3A_1293] : memref<32256x128xf32, #tpu.memory_space<hbm>> -> memref<32256x128xf32, #tpu.memory_space<hbm>>
      tpu.enqueue_indirect_dma source(%dma_start3A_1294 : memref<32256x128xf32, #tpu.memory_space<hbm>>) target(%dma_start3A_1288 : memref<72x128xf32, #tpu.memory_space<vmem>>) offsets(%dma_start3A_1291 : memref<72xi32, #tpu.memory_space<vmem>>) semaphore(%arg13 : memref<!tpu.dma_semaphore, #tpu.memory_space<semaphore_mem>>)
      %dma_wait3A_1295 = arith.constant 14 : i32
      %dma_wait3A_1296 = arith.constant 0 : i32
      %dma_wait3A_1297 = arith.constant 0 : i32
      %dma_wait3A_1298 = tpu.memref_slice %arg11[%dma_wait3A_1296, %dma_wait3A_1297] : memref<128x128xf32, #tpu.memory_space<vmem>> -> memref<72x128xf32, #tpu.memory_space<vmem>>
      %dma_wait3A_1299 = arith.constant 128 : i32
      %dma_wait3A_1300 = tpu.memref_slice %arg5[%dma_wait3A_1295, %dma_wait3A_1299] : memref<16x200xi32, #tpu.memory_space<vmem>> -> memref<1x72xi32, #tpu.memory_space<vmem>>
      %dma_wait3A_1301 = tpu.memref_squeeze %dma_wait3A_1300 : memref<1x72xi32, #tpu.memory_space<vmem>> -> memref<72xi32, #tpu.memory_space<vmem>>
      %dma_wait3A_1302 = arith.constant 0 : i32
      %dma_wait3A_1303 = arith.constant 0 : i32
      %dma_wait3A_1304 = tpu.memref_slice %arg3[%dma_wait3A_1302, %dma_wait3A_1303] : memref<32256x128xf32, #tpu.memory_space<hbm>> -> memref<32256x128xf32, #tpu.memory_space<hbm>>
      tpu.wait_indirect_dma semaphore(%arg17 : memref<!tpu.dma_semaphore, #tpu.memory_space<semaphore_mem>>) src(%dma_wait3A_1304 : memref<32256x128xf32, #tpu.memory_space<hbm>>) dst(%dma_wait3A_1298 : memref<72x128xf32, #tpu.memory_space<vmem>>)
      %add3A_1305 = arith.constant 2800 : i32
      %add3A_1306 = arith.addi %add3A_20, %add3A_1305 : i32
      %add3A_1307 = arith.constant 128 : i32
      %add3A_1308 = arith.addi %add3A_1306, %add3A_1307 : i32
      %dma_start3A_1309 = arith.constant 0 : i32
      %dma_start3A_1310 = arith.constant 0 : i32
      %dma_start3A_1311 = tpu.memref_slice %arg11[%dma_start3A_1309, %dma_start3A_1310] : memref<128x128xf32, #tpu.memory_space<vmem>> -> memref<72x128xf32, #tpu.memory_space<vmem>>
      %dma_start3A_1312 = arith.constant 0 : i32
      %dma_start3A_1313 = tpu.memref_slice %arg4[%add3A_1308, %dma_start3A_1312] : memref<819200x128xf32, #tpu.memory_space<hbm>> -> memref<72x128xf32, #tpu.memory_space<hbm>>
      %dma_start3A_1314 = arith.constant 0 : i32
      %dma_start3A_1315 = tpu.memref_slice %arg4[%add3A_1308, %dma_start3A_1314] : memref<819200x128xf32, #tpu.memory_space<hbm>> -> memref<72x128xf32, #tpu.memory_space<hbm>>
      %dma_start3A_1316 = arith.constant 0 : i32
      %dma_start3A_1317 = arith.constant 0 : i32
      %dma_start3A_1318 = tpu.memref_slice %arg11[%dma_start3A_1316, %dma_start3A_1317] : memref<128x128xf32, #tpu.memory_space<vmem>> -> memref<72x128xf32, #tpu.memory_space<vmem>>
      tpu.enqueue_dma source(%dma_start3A_1318 : memref<72x128xf32, #tpu.memory_space<vmem>>) target(%dma_start3A_1315 : memref<72x128xf32, #tpu.memory_space<hbm>>) target_semaphore(%arg23 : memref<!tpu.dma_semaphore, #tpu.memory_space<semaphore_mem>>)
      %dma_wait3A_1319 = arith.constant 15 : i32
      %dma_wait3A_1320 = arith.constant 0 : i32
      %dma_wait3A_1321 = arith.constant 0 : i32
      %dma_wait3A_1322 = tpu.memref_slice %arg6[%dma_wait3A_1320, %dma_wait3A_1321] : memref<128x128xf32, #tpu.memory_space<vmem>> -> memref<128x128xf32, #tpu.memory_space<vmem>>
      %dma_wait3A_1323 = arith.constant 0 : i32
      %dma_wait3A_1324 = tpu.memref_slice %arg5[%dma_wait3A_1319, %dma_wait3A_1323] : memref<16x200xi32, #tpu.memory_space<vmem>> -> memref<1x128xi32, #tpu.memory_space<vmem>>
      %dma_wait3A_1325 = tpu.memref_squeeze %dma_wait3A_1324 : memref<1x128xi32, #tpu.memory_space<vmem>> -> memref<128xi32, #tpu.memory_space<vmem>>
      %dma_wait3A_1326 = arith.constant 0 : i32
      %dma_wait3A_1327 = arith.constant 0 : i32
      %dma_wait3A_1328 = tpu.memref_slice %arg3[%dma_wait3A_1326, %dma_wait3A_1327] : memref<32256x128xf32, #tpu.memory_space<hbm>> -> memref<32256x128xf32, #tpu.memory_space<hbm>>
      tpu.wait_indirect_dma semaphore(%arg12 : memref<!tpu.dma_semaphore, #tpu.memory_space<semaphore_mem>>) src(%dma_wait3A_1328 : memref<32256x128xf32, #tpu.memory_space<hbm>>) dst(%dma_wait3A_1322 : memref<128x128xf32, #tpu.memory_space<vmem>>)
      %add3A_1329 = arith.constant 3000 : i32
      %add3A_1330 = arith.addi %add3A_20, %add3A_1329 : i32
      %add3A_1331 = arith.constant 0 : i32
      %add3A_1332 = arith.addi %add3A_1330, %add3A_1331 : i32
      %dma_start3A_1333 = arith.constant 0 : i32
      %dma_start3A_1334 = arith.constant 0 : i32
      %dma_start3A_1335 = tpu.memref_slice %arg6[%dma_start3A_1333, %dma_start3A_1334] : memref<128x128xf32, #tpu.memory_space<vmem>> -> memref<128x128xf32, #tpu.memory_space<vmem>>
      %dma_start3A_1336 = arith.constant 0 : i32
      %dma_start3A_1337 = tpu.memref_slice %arg4[%add3A_1332, %dma_start3A_1336] : memref<819200x128xf32, #tpu.memory_space<hbm>> -> memref<128x128xf32, #tpu.memory_space<hbm>>
      %dma_start3A_1338 = arith.constant 0 : i32
      %dma_start3A_1339 = tpu.memref_slice %arg4[%add3A_1332, %dma_start3A_1338] : memref<819200x128xf32, #tpu.memory_space<hbm>> -> memref<128x128xf32, #tpu.memory_space<hbm>>
      %dma_start3A_1340 = arith.constant 0 : i32
      %dma_start3A_1341 = arith.constant 0 : i32
      %dma_start3A_1342 = tpu.memref_slice %arg6[%dma_start3A_1340, %dma_start3A_1341] : memref<128x128xf32, #tpu.memory_space<vmem>> -> memref<128x128xf32, #tpu.memory_space<vmem>>
      tpu.enqueue_dma source(%dma_start3A_1342 : memref<128x128xf32, #tpu.memory_space<vmem>>) target(%dma_start3A_1339 : memref<128x128xf32, #tpu.memory_space<hbm>>) target_semaphore(%arg18 : memref<!tpu.dma_semaphore, #tpu.memory_space<semaphore_mem>>)
      %dma_wait3A_1343 = arith.constant 15 : i32
      %dma_wait3A_1344 = arith.constant 0 : i32
      %dma_wait3A_1345 = arith.constant 0 : i32
      %dma_wait3A_1346 = tpu.memref_slice %arg7[%dma_wait3A_1344, %dma_wait3A_1345] : memref<128x128xf32, #tpu.memory_space<vmem>> -> memref<72x128xf32, #tpu.memory_space<vmem>>
      %dma_wait3A_1347 = arith.constant 128 : i32
      %dma_wait3A_1348 = tpu.memref_slice %arg5[%dma_wait3A_1343, %dma_wait3A_1347] : memref<16x200xi32, #tpu.memory_space<vmem>> -> memref<1x72xi32, #tpu.memory_space<vmem>>
      %dma_wait3A_1349 = tpu.memref_squeeze %dma_wait3A_1348 : memref<1x72xi32, #tpu.memory_space<vmem>> -> memref<72xi32, #tpu.memory_space<vmem>>
      %dma_wait3A_1350 = arith.constant 0 : i32
      %dma_wait3A_1351 = arith.constant 0 : i32
      %dma_wait3A_1352 = tpu.memref_slice %arg3[%dma_wait3A_1350, %dma_wait3A_1351] : memref<32256x128xf32, #tpu.memory_space<hbm>> -> memref<32256x128xf32, #tpu.memory_space<hbm>>
      tpu.wait_indirect_dma semaphore(%arg13 : memref<!tpu.dma_semaphore, #tpu.memory_space<semaphore_mem>>) src(%dma_wait3A_1352 : memref<32256x128xf32, #tpu.memory_space<hbm>>) dst(%dma_wait3A_1346 : memref<72x128xf32, #tpu.memory_space<vmem>>)
      %add3A_1353 = arith.constant 3000 : i32
      %add3A_1354 = arith.addi %add3A_20, %add3A_1353 : i32
      %add3A_1355 = arith.constant 128 : i32
      %add3A_1356 = arith.addi %add3A_1354, %add3A_1355 : i32
      %dma_start3A_1357 = arith.constant 0 : i32
      %dma_start3A_1358 = arith.constant 0 : i32
      %dma_start3A_1359 = tpu.memref_slice %arg7[%dma_start3A_1357, %dma_start3A_1358] : memref<128x128xf32, #tpu.memory_space<vmem>> -> memref<72x128xf32, #tpu.memory_space<vmem>>
      %dma_start3A_1360 = arith.constant 0 : i32
      %dma_start3A_1361 = tpu.memref_slice %arg4[%add3A_1356, %dma_start3A_1360] : memref<819200x128xf32, #tpu.memory_space<hbm>> -> memref<72x128xf32, #tpu.memory_space<hbm>>
      %dma_start3A_1362 = arith.constant 0 : i32
      %dma_start3A_1363 = tpu.memref_slice %arg4[%add3A_1356, %dma_start3A_1362] : memref<819200x128xf32, #tpu.memory_space<hbm>> -> memref<72x128xf32, #tpu.memory_space<hbm>>
      %dma_start3A_1364 = arith.constant 0 : i32
      %dma_start3A_1365 = arith.constant 0 : i32
      %dma_start3A_1366 = tpu.memref_slice %arg7[%dma_start3A_1364, %dma_start3A_1365] : memref<128x128xf32, #tpu.memory_space<vmem>> -> memref<72x128xf32, #tpu.memory_space<vmem>>
      tpu.enqueue_dma source(%dma_start3A_1366 : memref<72x128xf32, #tpu.memory_space<vmem>>) target(%dma_start3A_1363 : memref<72x128xf32, #tpu.memory_space<hbm>>) target_semaphore(%arg19 : memref<!tpu.dma_semaphore, #tpu.memory_space<semaphore_mem>>)
      %dma_wait3A_1367 = arith.constant 0 : i32
      %dma_wait3A_1368 = arith.constant 0 : i32
      %dma_wait3A_1369 = tpu.memref_slice %arg8[%dma_wait3A_1367, %dma_wait3A_1368] : memref<128x128xf32, #tpu.memory_space<vmem>> -> memref<128x128xf32, #tpu.memory_space<vmem>>
      %dma_wait3A_1370 = arith.constant 0 : i32
      %dma_wait3A_1371 = tpu.memref_slice %arg4[%add3A_1176, %dma_wait3A_1370] : memref<819200x128xf32, #tpu.memory_space<hbm>> -> memref<128x128xf32, #tpu.memory_space<hbm>>
      %dma_wait3A_1372 = arith.constant 0 : i32
      %dma_wait3A_1373 = tpu.memref_slice %arg4[%add3A_1176, %dma_wait3A_1372] : memref<819200x128xf32, #tpu.memory_space<hbm>> -> memref<128x128xf32, #tpu.memory_space<hbm>>
      %dma_wait3A_1374 = arith.constant 0 : i32
      %dma_wait3A_1375 = arith.constant 0 : i32
      %dma_wait3A_1376 = tpu.memref_slice %arg8[%dma_wait3A_1374, %dma_wait3A_1375] : memref<128x128xf32, #tpu.memory_space<vmem>> -> memref<128x128xf32, #tpu.memory_space<vmem>>
      tpu.wait_dma2 semaphore(%arg20 : memref<!tpu.dma_semaphore, #tpu.memory_space<semaphore_mem>>) src(%dma_wait3A_1376 : memref<128x128xf32, #tpu.memory_space<vmem>>) dst(%dma_wait3A_1373 : memref<128x128xf32, #tpu.memory_space<hbm>>)
      %dma_wait3A_1377 = arith.constant 0 : i32
      %dma_wait3A_1378 = arith.constant 0 : i32
      %dma_wait3A_1379 = tpu.memref_slice %arg9[%dma_wait3A_1377, %dma_wait3A_1378] : memref<128x128xf32, #tpu.memory_space<vmem>> -> memref<72x128xf32, #tpu.memory_space<vmem>>
      %dma_wait3A_1380 = arith.constant 0 : i32
      %dma_wait3A_1381 = tpu.memref_slice %arg4[%add3A_1220, %dma_wait3A_1380] : memref<819200x128xf32, #tpu.memory_space<hbm>> -> memref<72x128xf32, #tpu.memory_space<hbm>>
      %dma_wait3A_1382 = arith.constant 0 : i32
      %dma_wait3A_1383 = tpu.memref_slice %arg4[%add3A_1220, %dma_wait3A_1382] : memref<819200x128xf32, #tpu.memory_space<hbm>> -> memref<72x128xf32, #tpu.memory_space<hbm>>
      %dma_wait3A_1384 = arith.constant 0 : i32
      %dma_wait3A_1385 = arith.constant 0 : i32
      %dma_wait3A_1386 = tpu.memref_slice %arg9[%dma_wait3A_1384, %dma_wait3A_1385] : memref<128x128xf32, #tpu.memory_space<vmem>> -> memref<72x128xf32, #tpu.memory_space<vmem>>
      tpu.wait_dma2 semaphore(%arg21 : memref<!tpu.dma_semaphore, #tpu.memory_space<semaphore_mem>>) src(%dma_wait3A_1386 : memref<72x128xf32, #tpu.memory_space<vmem>>) dst(%dma_wait3A_1383 : memref<72x128xf32, #tpu.memory_space<hbm>>)
      %dma_wait3A_1387 = arith.constant 0 : i32
      %dma_wait3A_1388 = arith.constant 0 : i32
      %dma_wait3A_1389 = tpu.memref_slice %arg10[%dma_wait3A_1387, %dma_wait3A_1388] : memref<128x128xf32, #tpu.memory_space<vmem>> -> memref<128x128xf32, #tpu.memory_space<vmem>>
      %dma_wait3A_1390 = arith.constant 0 : i32
      %dma_wait3A_1391 = tpu.memref_slice %arg4[%add3A_1264, %dma_wait3A_1390] : memref<819200x128xf32, #tpu.memory_space<hbm>> -> memref<128x128xf32, #tpu.memory_space<hbm>>
      %dma_wait3A_1392 = arith.constant 0 : i32
      %dma_wait3A_1393 = tpu.memref_slice %arg4[%add3A_1264, %dma_wait3A_1392] : memref<819200x128xf32, #tpu.memory_space<hbm>> -> memref<128x128xf32, #tpu.memory_space<hbm>>
      %dma_wait3A_1394 = arith.constant 0 : i32
      %dma_wait3A_1395 = arith.constant 0 : i32
      %dma_wait3A_1396 = tpu.memref_slice %arg10[%dma_wait3A_1394, %dma_wait3A_1395] : memref<128x128xf32, #tpu.memory_space<vmem>> -> memref<128x128xf32, #tpu.memory_space<vmem>>
      tpu.wait_dma2 semaphore(%arg22 : memref<!tpu.dma_semaphore, #tpu.memory_space<semaphore_mem>>) src(%dma_wait3A_1396 : memref<128x128xf32, #tpu.memory_space<vmem>>) dst(%dma_wait3A_1393 : memref<128x128xf32, #tpu.memory_space<hbm>>)
      %dma_wait3A_1397 = arith.constant 0 : i32
      %dma_wait3A_1398 = arith.constant 0 : i32
      %dma_wait3A_1399 = tpu.memref_slice %arg11[%dma_wait3A_1397, %dma_wait3A_1398] : memref<128x128xf32, #tpu.memory_space<vmem>> -> memref<72x128xf32, #tpu.memory_space<vmem>>
      %dma_wait3A_1400 = arith.constant 0 : i32
      %dma_wait3A_1401 = tpu.memref_slice %arg4[%add3A_1308, %dma_wait3A_1400] : memref<819200x128xf32, #tpu.memory_space<hbm>> -> memref<72x128xf32, #tpu.memory_space<hbm>>
      %dma_wait3A_1402 = arith.constant 0 : i32
      %dma_wait3A_1403 = tpu.memref_slice %arg4[%add3A_1308, %dma_wait3A_1402] : memref<819200x128xf32, #tpu.memory_space<hbm>> -> memref<72x128xf32, #tpu.memory_space<hbm>>
      %dma_wait3A_1404 = arith.constant 0 : i32
      %dma_wait3A_1405 = arith.constant 0 : i32
      %dma_wait3A_1406 = tpu.memref_slice %arg11[%dma_wait3A_1404, %dma_wait3A_1405] : memref<128x128xf32, #tpu.memory_space<vmem>> -> memref<72x128xf32, #tpu.memory_space<vmem>>
      tpu.wait_dma2 semaphore(%arg23 : memref<!tpu.dma_semaphore, #tpu.memory_space<semaphore_mem>>) src(%dma_wait3A_1406 : memref<72x128xf32, #tpu.memory_space<vmem>>) dst(%dma_wait3A_1403 : memref<72x128xf32, #tpu.memory_space<hbm>>)
      %dma_wait3A_1407 = arith.constant 0 : i32
      %dma_wait3A_1408 = arith.constant 0 : i32
      %dma_wait3A_1409 = tpu.memref_slice %arg6[%dma_wait3A_1407, %dma_wait3A_1408] : memref<128x128xf32, #tpu.memory_space<vmem>> -> memref<128x128xf32, #tpu.memory_space<vmem>>
      %dma_wait3A_1410 = arith.constant 0 : i32
      %dma_wait3A_1411 = tpu.memref_slice %arg4[%add3A_1332, %dma_wait3A_1410] : memref<819200x128xf32, #tpu.memory_space<hbm>> -> memref<128x128xf32, #tpu.memory_space<hbm>>
      %dma_wait3A_1412 = arith.constant 0 : i32
      %dma_wait3A_1413 = tpu.memref_slice %arg4[%add3A_1332, %dma_wait3A_1412] : memref<819200x128xf32, #tpu.memory_space<hbm>> -> memref<128x128xf32, #tpu.memory_space<hbm>>
      %dma_wait3A_1414 = arith.constant 0 : i32
      %dma_wait3A_1415 = arith.constant 0 : i32
      %dma_wait3A_1416 = tpu.memref_slice %arg6[%dma_wait3A_1414, %dma_wait3A_1415] : memref<128x128xf32, #tpu.memory_space<vmem>> -> memref<128x128xf32, #tpu.memory_space<vmem>>
      tpu.wait_dma2 semaphore(%arg18 : memref<!tpu.dma_semaphore, #tpu.memory_space<semaphore_mem>>) src(%dma_wait3A_1416 : memref<128x128xf32, #tpu.memory_space<vmem>>) dst(%dma_wait3A_1413 : memref<128x128xf32, #tpu.memory_space<hbm>>)
      %dma_wait3A_1417 = arith.constant 0 : i32
      %dma_wait3A_1418 = arith.constant 0 : i32
      %dma_wait3A_1419 = tpu.memref_slice %arg7[%dma_wait3A_1417, %dma_wait3A_1418] : memref<128x128xf32, #tpu.memory_space<vmem>> -> memref<72x128xf32, #tpu.memory_space<vmem>>
      %dma_wait3A_1420 = arith.constant 0 : i32
      %dma_wait3A_1421 = tpu.memref_slice %arg4[%add3A_1356, %dma_wait3A_1420] : memref<819200x128xf32, #tpu.memory_space<hbm>> -> memref<72x128xf32, #tpu.memory_space<hbm>>
      %dma_wait3A_1422 = arith.constant 0 : i32
      %dma_wait3A_1423 = tpu.memref_slice %arg4[%add3A_1356, %dma_wait3A_1422] : memref<819200x128xf32, #tpu.memory_space<hbm>> -> memref<72x128xf32, #tpu.memory_space<hbm>>
      %dma_wait3A_1424 = arith.constant 0 : i32
      %dma_wait3A_1425 = arith.constant 0 : i32
      %dma_wait3A_1426 = tpu.memref_slice %arg7[%dma_wait3A_1424, %dma_wait3A_1425] : memref<128x128xf32, #tpu.memory_space<vmem>> -> memref<72x128xf32, #tpu.memory_space<vmem>>
      tpu.wait_dma2 semaphore(%arg19 : memref<!tpu.dma_semaphore, #tpu.memory_space<semaphore_mem>>) src(%dma_wait3A_1426 : memref<72x128xf32, #tpu.memory_space<vmem>>) dst(%dma_wait3A_1423 : memref<72x128xf32, #tpu.memory_space<hbm>>)
    }
    %scan3A_11 = arith.constant 8 : i32
    return
  }
}

module attributes {stable_mosaic.version = 14 : i64} {
  func.func @_fuse_body(%arg0: i32, %arg1: memref<512x200xi32, #tpu.memory_space<vmem>>, %arg2: memref<512x200xi32, #tpu.memory_space<vmem>>, %arg3: memref<512x200xi32, #tpu.memory_space<vmem>>, %arg4: memref<512x200xi32, #tpu.memory_space<vmem>>, %arg5: memref<512x200xi32, #tpu.memory_space<vmem>>, %arg6: memref<512x200xi32, #tpu.memory_space<vmem>>) attributes {dimension_semantics = [#tpu.dimension_semantics<arbitrary>], iteration_bounds = array<i64: 8>, scalar_prefetch = 0 : i64, scratch_operands = 0 : i64, tpu.core_type = #tpu.core_type<tc>, window_params = [{transform_indices = @transform_0, window_bounds = array<i64: 512, 200>}, {transform_indices = @transform_1, window_bounds = array<i64: 512, 200>}, {transform_indices = @transform_2, window_bounds = array<i64: 512, 200>}, {transform_indices = @transform_3, window_bounds = array<i64: 512, 200>}, {transform_indices = @transform_4, window_bounds = array<i64: 512, 200>}, {transform_indices = @transform_5, window_bounds = array<i64: 512, 200>}]} {
    %get3A = arith.constant 0 : index
    %get3A_0 = arith.constant 0 : index
    %get3A_1 = vector.load %arg1[%get3A, %get3A_0] : memref<512x200xi32, #tpu.memory_space<vmem>>, vector<512x200xi32>
    %mul3A = arith.constant 12 : i32
    %mul3A_2 = vector.broadcast %mul3A : i32 to vector<512x200xi32>
    %mul3A_3 = arith.muli %get3A_1, %mul3A_2 : vector<512x200xi32>
    %get3A_4 = arith.constant 0 : index
    %get3A_5 = arith.constant 0 : index
    %get3A_6 = vector.load %arg2[%get3A_4, %get3A_5] : memref<512x200xi32, #tpu.memory_space<vmem>>, vector<512x200xi32>
    %add3A = arith.addi %mul3A_3, %get3A_6 : vector<512x200xi32>
    %mul3A_7 = arith.constant 4 : i32
    %mul3A_8 = vector.broadcast %mul3A_7 : i32 to vector<512x200xi32>
    %mul3A_9 = arith.muli %add3A, %mul3A_8 : vector<512x200xi32>
    %get3A_10 = arith.constant 0 : index
    %get3A_11 = arith.constant 0 : index
    %get3A_12 = vector.load %arg3[%get3A_10, %get3A_11] : memref<512x200xi32, #tpu.memory_space<vmem>>, vector<512x200xi32>
    %add3A_13 = arith.addi %mul3A_9, %get3A_12 : vector<512x200xi32>
    %mul3A_14 = arith.constant 24 : i32
    %mul3A_15 = vector.broadcast %mul3A_14 : i32 to vector<512x200xi32>
    %mul3A_16 = arith.muli %add3A_13, %mul3A_15 : vector<512x200xi32>
    %get3A_17 = arith.constant 0 : index
    %get3A_18 = arith.constant 0 : index
    %get3A_19 = vector.load %arg4[%get3A_17, %get3A_18] : memref<512x200xi32, #tpu.memory_space<vmem>>, vector<512x200xi32>
    %add3A_20 = arith.addi %mul3A_16, %get3A_19 : vector<512x200xi32>
    %mul3A_21 = arith.constant 4 : i32
    %mul3A_22 = vector.broadcast %mul3A_21 : i32 to vector<512x200xi32>
    %mul3A_23 = arith.muli %add3A_20, %mul3A_22 : vector<512x200xi32>
    %get3A_24 = arith.constant 0 : index
    %get3A_25 = arith.constant 0 : index
    %get3A_26 = vector.load %arg5[%get3A_24, %get3A_25] : memref<512x200xi32, #tpu.memory_space<vmem>>, vector<512x200xi32>
    %add3A_27 = arith.addi %mul3A_23, %get3A_26 : vector<512x200xi32>
    %swap3A = arith.constant 0 : index
    %swap3A_28 = arith.constant 0 : index
    %swap3A_29 = vector.load %arg6[%swap3A, %swap3A_28] : memref<512x200xi32, #tpu.memory_space<vmem>>, vector<512x200xi32>
    tpu.vector_store %arg6[%swap3A, %swap3A_28], %add3A_27 {strides = array<i32>} : memref<512x200xi32, #tpu.memory_space<vmem>>, vector<512x200xi32>,
    return
  }
  func.func @transform_0(%arg0: i32) -> (i32, i32) {
    %c0_i32 = arith.constant 0 : i32
    %c0_i32_0 = arith.constant 0 : i32
    return %arg0, %c0_i32 : i32, i32
  }
  func.func @transform_1(%arg0: i32) -> (i32, i32) {
    %c0_i32 = arith.constant 0 : i32
    %c0_i32_0 = arith.constant 0 : i32
    return %arg0, %c0_i32 : i32, i32
  }
  func.func @transform_2(%arg0: i32) -> (i32, i32) {
    %c0_i32 = arith.constant 0 : i32
    %c0_i32_0 = arith.constant 0 : i32
    return %arg0, %c0_i32 : i32, i32
  }
  func.func @transform_3(%arg0: i32) -> (i32, i32) {
    %c0_i32 = arith.constant 0 : i32
    %c0_i32_0 = arith.constant 0 : i32
    return %arg0, %c0_i32 : i32, i32
  }
  func.func @transform_4(%arg0: i32) -> (i32, i32) {
    %c0_i32 = arith.constant 0 : i32
    %c0_i32_0 = arith.constant 0 : i32
    return %arg0, %c0_i32 : i32, i32
  }
  func.func @transform_5(%arg0: i32) -> (i32, i32) {
    %c0_i32 = arith.constant 0 : i32
    %c0_i32_0 = arith.constant 0 : i32
    return %arg0, %c0_i32 : i32, i32
  }
}

module attributes {stable_mosaic.version = 14 : i64} {
  func.func @_table_body(%arg0: i32, %arg1: memref<7x16xf32, #tpu.memory_space<vmem>>, %arg2: memref<12x16xf32, #tpu.memory_space<vmem>>, %arg3: memref<4x8xf32, #tpu.memory_space<vmem>>, %arg4: memref<24x16xf32, #tpu.memory_space<vmem>>, %arg5: memref<4x8xf32, #tpu.memory_space<vmem>>, %arg6: memref<64x128xf32, #tpu.memory_space<vmem>>, %arg7: memref<1x128xf32, #tpu.memory_space<vmem>>, %arg8: memref<4608x128xf32, #tpu.memory_space<vmem>>) attributes {dimension_semantics = [#tpu.dimension_semantics<arbitrary>], iteration_bounds = array<i64: 7>, scalar_prefetch = 0 : i64, scratch_operands = 0 : i64, tpu.core_type = #tpu.core_type<tc>, window_params = [{pipeline_mode = #tpu.pipeline_mode<synchronous>, transform_indices = @transform_0, window_bounds = array<i64: 7, 16>}, {pipeline_mode = #tpu.pipeline_mode<synchronous>, transform_indices = @transform_1, window_bounds = array<i64: 12, 16>}, {pipeline_mode = #tpu.pipeline_mode<synchronous>, transform_indices = @transform_2, window_bounds = array<i64: 4, 8>}, {pipeline_mode = #tpu.pipeline_mode<synchronous>, transform_indices = @transform_3, window_bounds = array<i64: 24, 16>}, {pipeline_mode = #tpu.pipeline_mode<synchronous>, transform_indices = @transform_4, window_bounds = array<i64: 4, 8>}, {pipeline_mode = #tpu.pipeline_mode<synchronous>, transform_indices = @transform_5, window_bounds = array<i64: 64, 128>}, {pipeline_mode = #tpu.pipeline_mode<synchronous>, transform_indices = @transform_6, window_bounds = array<i64: 1, 128>}, {transform_indices = @transform_7, window_bounds = array<i64: 4608, 128>}]} {
    %iota3A = tpu.iota {dimensions = array<i32: 0>} : vector<4608x1xi32>
    %broadcast_in_dim3A = vector.broadcast %arg0 : i32 to vector<4608x1xi32>
    %jit3A = arith.constant 384 : i32
    %div3A = vector.broadcast %jit3A : i32 to vector<4608x1xi32>
    %div3A_0 = arith.divsi %iota3A, %div3A : vector<4608x1xi32>
    %sign3A = arith.constant 0 : i32
    %sign3A_1 = vector.broadcast %sign3A : i32 to vector<4608x1xi32>
    %sign3A_2 = arith.cmpi sgt, %iota3A, %sign3A_1 : vector<4608x1xi32>
    %sign3A_3 = arith.extui %sign3A_2 : vector<4608x1xi1> to vector<4608x1xi32>
    %sign3A_4 = arith.constant 0 : i32
    %sign3A_5 = vector.broadcast %sign3A_4 : i32 to vector<4608x1xi32>
    %sign3A_6 = arith.cmpi slt, %iota3A, %sign3A_5 : vector<4608x1xi32>
    %sign3A_7 = arith.extui %sign3A_6 : vector<4608x1xi1> to vector<4608x1xi32>
    %sign3A_8 = arith.subi %sign3A_3, %sign3A_7 : vector<4608x1xi32>
    %sign3A_9 = arith.constant 0 : i32
    %sign3A_10 = arith.cmpi sgt, %jit3A, %sign3A_9 : i32
    %sign3A_11 = arith.extui %sign3A_10 : i1 to i32
    %sign3A_12 = arith.constant 0 : i32
    %sign3A_13 = arith.cmpi slt, %jit3A, %sign3A_12 : i32
    %sign3A_14 = arith.extui %sign3A_13 : i1 to i32
    %sign3A_15 = arith.subi %sign3A_11, %sign3A_14 : i32
    %ne3A = vector.broadcast %sign3A_15 : i32 to vector<4608x1xi32>
    %ne3A_16 = arith.cmpi ne, %sign3A_8, %ne3A : vector<4608x1xi32>
    %rem3A = vector.broadcast %jit3A : i32 to vector<4608x1xi32>
    %rem3A_17 = arith.remsi %iota3A, %rem3A : vector<4608x1xi32>
    %ne3A_18 = arith.constant 0 : i32
    %ne3A_19 = vector.broadcast %ne3A_18 : i32 to vector<4608x1xi32>
    %ne3A_20 = arith.cmpi ne, %rem3A_17, %ne3A_19 : vector<4608x1xi32>
    %and3A = arith.andi %ne3A_16, %ne3A_20 : vector<4608x1xi1>
    %sub3A = arith.constant 1 : i32
    %sub3A_21 = vector.broadcast %sub3A : i32 to vector<4608x1xi32>
    %sub3A_22 = arith.subi %div3A_0, %sub3A_21 : vector<4608x1xi32>
    %select_n3A = arith.select %and3A, %sub3A_22, %div3A_0 : vector<4608x1xi1>, vector<4608x1xi32>
    %jit3A_23 = arith.constant 96 : i32
    %div3A_24 = vector.broadcast %jit3A_23 : i32 to vector<4608x1xi32>
    %div3A_25 = arith.divsi %iota3A, %div3A_24 : vector<4608x1xi32>
    %sign3A_26 = arith.constant 0 : i32
    %sign3A_27 = vector.broadcast %sign3A_26 : i32 to vector<4608x1xi32>
    %sign3A_28 = arith.cmpi sgt, %iota3A, %sign3A_27 : vector<4608x1xi32>
    %sign3A_29 = arith.extui %sign3A_28 : vector<4608x1xi1> to vector<4608x1xi32>
    %sign3A_30 = arith.constant 0 : i32
    %sign3A_31 = vector.broadcast %sign3A_30 : i32 to vector<4608x1xi32>
    %sign3A_32 = arith.cmpi slt, %iota3A, %sign3A_31 : vector<4608x1xi32>
    %sign3A_33 = arith.extui %sign3A_32 : vector<4608x1xi1> to vector<4608x1xi32>
    %sign3A_34 = arith.subi %sign3A_29, %sign3A_33 : vector<4608x1xi32>
    %sign3A_35 = arith.constant 0 : i32
    %sign3A_36 = arith.cmpi sgt, %jit3A_23, %sign3A_35 : i32
    %sign3A_37 = arith.extui %sign3A_36 : i1 to i32
    %sign3A_38 = arith.constant 0 : i32
    %sign3A_39 = arith.cmpi slt, %jit3A_23, %sign3A_38 : i32
    %sign3A_40 = arith.extui %sign3A_39 : i1 to i32
    %sign3A_41 = arith.subi %sign3A_37, %sign3A_40 : i32
    %ne3A_42 = vector.broadcast %sign3A_41 : i32 to vector<4608x1xi32>
    %ne3A_43 = arith.cmpi ne, %sign3A_34, %ne3A_42 : vector<4608x1xi32>
    %rem3A_44 = vector.broadcast %jit3A_23 : i32 to vector<4608x1xi32>
    %rem3A_45 = arith.remsi %iota3A, %rem3A_44 : vector<4608x1xi32>
    %ne3A_46 = arith.constant 0 : i32
    %ne3A_47 = vector.broadcast %ne3A_46 : i32 to vector<4608x1xi32>
    %ne3A_48 = arith.cmpi ne, %rem3A_45, %ne3A_47 : vector<4608x1xi32>
    %and3A_49 = arith.andi %ne3A_43, %ne3A_48 : vector<4608x1xi1>
    %sub3A_50 = arith.constant 1 : i32
    %sub3A_51 = vector.broadcast %sub3A_50 : i32 to vector<4608x1xi32>
    %sub3A_52 = arith.subi %div3A_25, %sub3A_51 : vector<4608x1xi32>
    %select_n3A_53 = arith.select %and3A_49, %sub3A_52, %div3A_25 : vector<4608x1xi1>, vector<4608x1xi32>
    %jit3A_54 = arith.constant 4 : i32
    %eq3A = arith.constant 0 : i32
    %eq3A_55 = arith.cmpi eq, %jit3A_54, %eq3A : i32
    %jit3A_56 = arith.constant 1 : i32
    %select_n3A_57 = arith.select %eq3A_55, %jit3A_56, %jit3A_54 : i32
    %rem3A_58 = vector.broadcast %select_n3A_57 : i32 to vector<4608x1xi32>
    %rem3A_59 = arith.remsi %select_n3A_53, %rem3A_58 : vector<4608x1xi32>
    %ne3A_60 = arith.constant 0 : i32
    %ne3A_61 = vector.broadcast %ne3A_60 : i32 to vector<4608x1xi32>
    %ne3A_62 = arith.cmpi ne, %rem3A_59, %ne3A_61 : vector<4608x1xi32>
    %lt3A = arith.constant 0 : i32
    %lt3A_63 = vector.broadcast %lt3A : i32 to vector<4608x1xi32>
    %lt3A_64 = arith.cmpi slt, %rem3A_59, %lt3A_63 : vector<4608x1xi32>
    %lt3A_65 = arith.constant 0 : i32
    %lt3A_66 = arith.cmpi slt, %select_n3A_57, %lt3A_65 : i32
    %ne3A_67 = vector.broadcast %lt3A_66 : i1 to vector<4608x1xi1>
    %ne3A_68 = vector.broadcast %ne3A_67 : vector<4608x1xi1> to vector<4608x1xi1>
    %ne3A_69 = arith.xori %lt3A_64, %ne3A_68 : vector<4608x1xi1>
    %and3A_70 = arith.andi %ne3A_69, %ne3A_62 : vector<4608x1xi1>
    %add3A = vector.broadcast %select_n3A_57 : i32 to vector<4608x1xi32>
    %add3A_71 = arith.addi %rem3A_59, %add3A : vector<4608x1xi32>
    %select_n3A_72 = arith.select %and3A_70, %add3A_71, %rem3A_59 : vector<4608x1xi1>, vector<4608x1xi32>
    %jit3A_73 = arith.constant 4 : i32
    %div3A_74 = vector.broadcast %jit3A_73 : i32 to vector<4608x1xi32>
    %div3A_75 = arith.divsi %iota3A, %div3A_74 : vector<4608x1xi32>
    %sign3A_76 = arith.constant 0 : i32
    %sign3A_77 = vector.broadcast %sign3A_76 : i32 to vector<4608x1xi32>
    %sign3A_78 = arith.cmpi sgt, %iota3A, %sign3A_77 : vector<4608x1xi32>
    %sign3A_79 = arith.extui %sign3A_78 : vector<4608x1xi1> to vector<4608x1xi32>
    %sign3A_80 = arith.constant 0 : i32
    %sign3A_81 = vector.broadcast %sign3A_80 : i32 to vector<4608x1xi32>
    %sign3A_82 = arith.cmpi slt, %iota3A, %sign3A_81 : vector<4608x1xi32>
    %sign3A_83 = arith.extui %sign3A_82 : vector<4608x1xi1> to vector<4608x1xi32>
    %sign3A_84 = arith.subi %sign3A_79, %sign3A_83 : vector<4608x1xi32>
    %sign3A_85 = arith.constant 0 : i32
    %sign3A_86 = arith.cmpi sgt, %jit3A_73, %sign3A_85 : i32
    %sign3A_87 = arith.extui %sign3A_86 : i1 to i32
    %sign3A_88 = arith.constant 0 : i32
    %sign3A_89 = arith.cmpi slt, %jit3A_73, %sign3A_88 : i32
    %sign3A_90 = arith.extui %sign3A_89 : i1 to i32
    %sign3A_91 = arith.subi %sign3A_87, %sign3A_90 : i32
    %ne3A_92 = vector.broadcast %sign3A_91 : i32 to vector<4608x1xi32>
    %ne3A_93 = arith.cmpi ne, %sign3A_84, %ne3A_92 : vector<4608x1xi32>
    %rem3A_94 = vector.broadcast %jit3A_73 : i32 to vector<4608x1xi32>
    %rem3A_95 = arith.remsi %iota3A, %rem3A_94 : vector<4608x1xi32>
    %ne3A_96 = arith.constant 0 : i32
    %ne3A_97 = vector.broadcast %ne3A_96 : i32 to vector<4608x1xi32>
    %ne3A_98 = arith.cmpi ne, %rem3A_95, %ne3A_97 : vector<4608x1xi32>
    %and3A_99 = arith.andi %ne3A_93, %ne3A_98 : vector<4608x1xi1>
    %sub3A_100 = arith.constant 1 : i32
    %sub3A_101 = vector.broadcast %sub3A_100 : i32 to vector<4608x1xi32>
    %sub3A_102 = arith.subi %div3A_75, %sub3A_101 : vector<4608x1xi32>
    %select_n3A_103 = arith.select %and3A_99, %sub3A_102, %div3A_75 : vector<4608x1xi1>, vector<4608x1xi32>
    %jit3A_104 = arith.constant 24 : i32
    %eq3A_105 = arith.constant 0 : i32
    %eq3A_106 = arith.cmpi eq, %jit3A_104, %eq3A_105 : i32
    %jit3A_107 = arith.constant 1 : i32
    %select_n3A_108 = arith.select %eq3A_106, %jit3A_107, %jit3A_104 : i32
    %rem3A_109 = vector.broadcast %select_n3A_108 : i32 to vector<4608x1xi32>
    %rem3A_110 = arith.remsi %select_n3A_103, %rem3A_109 : vector<4608x1xi32>
    %ne3A_111 = arith.constant 0 : i32
    %ne3A_112 = vector.broadcast %ne3A_111 : i32 to vector<4608x1xi32>
    %ne3A_113 = arith.cmpi ne, %rem3A_110, %ne3A_112 : vector<4608x1xi32>
    %lt3A_114 = arith.constant 0 : i32
    %lt3A_115 = vector.broadcast %lt3A_114 : i32 to vector<4608x1xi32>
    %lt3A_116 = arith.cmpi slt, %rem3A_110, %lt3A_115 : vector<4608x1xi32>
    %lt3A_117 = arith.constant 0 : i32
    %lt3A_118 = arith.cmpi slt, %select_n3A_108, %lt3A_117 : i32
    %ne3A_119 = vector.broadcast %lt3A_118 : i1 to vector<4608x1xi1>
    %ne3A_120 = vector.broadcast %ne3A_119 : vector<4608x1xi1> to vector<4608x1xi1>
    %ne3A_121 = arith.xori %lt3A_116, %ne3A_120 : vector<4608x1xi1>
    %and3A_122 = arith.andi %ne3A_121, %ne3A_113 : vector<4608x1xi1>
    %add3A_123 = vector.broadcast %select_n3A_108 : i32 to vector<4608x1xi32>
    %add3A_124 = arith.addi %rem3A_110, %add3A_123 : vector<4608x1xi32>
    %select_n3A_125 = arith.select %and3A_122, %add3A_124, %rem3A_110 : vector<4608x1xi1>, vector<4608x1xi32>
    %jit3A_126 = arith.constant 4 : i32
    %eq3A_127 = arith.constant 0 : i32
    %eq3A_128 = arith.cmpi eq, %jit3A_126, %eq3A_127 : i32
    %jit3A_129 = arith.constant 1 : i32
    %select_n3A_130 = arith.select %eq3A_128, %jit3A_129, %jit3A_126 : i32
    %rem3A_131 = vector.broadcast %select_n3A_130 : i32 to vector<4608x1xi32>
    %rem3A_132 = arith.remsi %iota3A, %rem3A_131 : vector<4608x1xi32>
    %ne3A_133 = arith.constant 0 : i32
    %ne3A_134 = vector.broadcast %ne3A_133 : i32 to vector<4608x1xi32>
    %ne3A_135 = arith.cmpi ne, %rem3A_132, %ne3A_134 : vector<4608x1xi32>
    %lt3A_136 = arith.constant 0 : i32
    %lt3A_137 = vector.broadcast %lt3A_136 : i32 to vector<4608x1xi32>
    %lt3A_138 = arith.cmpi slt, %rem3A_132, %lt3A_137 : vector<4608x1xi32>
    %lt3A_139 = arith.constant 0 : i32
    %lt3A_140 = arith.cmpi slt, %select_n3A_130, %lt3A_139 : i32
    %ne3A_141 = vector.broadcast %lt3A_140 : i1 to vector<4608x1xi1>
    %ne3A_142 = vector.broadcast %ne3A_141 : vector<4608x1xi1> to vector<4608x1xi1>
    %ne3A_143 = arith.xori %lt3A_138, %ne3A_142 : vector<4608x1xi1>
    %and3A_144 = arith.andi %ne3A_143, %ne3A_135 : vector<4608x1xi1>
    %add3A_145 = vector.broadcast %select_n3A_130 : i32 to vector<4608x1xi32>
    %add3A_146 = arith.addi %rem3A_132, %add3A_145 : vector<4608x1xi32>
    %select_n3A_147 = arith.select %and3A_144, %add3A_146, %rem3A_132 : vector<4608x1xi1>, vector<4608x1xi32>
    %get3A = arith.constant 0 : index
    %get3A_148 = arith.constant 0 : index
    %get3A_149 = vector.load %arg1[%get3A, %get3A_148] : memref<7x16xf32, #tpu.memory_space<vmem>>, vector<7x16xf32>
    %get3A_150 = arith.constant 0 : index
    %get3A_151 = arith.constant 0 : index
    %get3A_152 = vector.load %arg6[%get3A_150, %get3A_151] : memref<64x128xf32, #tpu.memory_space<vmem>>, vector<16x128xf32>
    %dot_general3A = arith.constant dense<0.000000e+00> : vector<7x128xf32>
    %dot_general3A_153 = tpu.matmul %get3A_149, %get3A_152, %dot_general3A {dimension_numbers = #tpu.dot_dimension_numbers<[1], [0], [0], [1], [0, 0, 1, 1], [], []>, transpose_lhs_hint = false} : vector<7x16xf32>, vector<16x128xf32>, vector<7x128xf32> -> vector<7x128xf32>
    %get3A_154 = arith.constant 0 : index
    %get3A_155 = arith.constant 0 : index
    %get3A_156 = vector.load %arg2[%get3A_154, %get3A_155] : memref<12x16xf32, #tpu.memory_space<vmem>>, vector<12x16xf32>
    %get3A_157 = arith.constant 16 : index
    %get3A_158 = arith.constant 0 : index
    %get3A_159 = vector.load %arg6[%get3A_157, %get3A_158] : memref<64x128xf32, #tpu.memory_space<vmem>>, vector<16x128xf32>
    %dot_general3A_160 = arith.constant dense<0.000000e+00> : vector<12x128xf32>
    %dot_general3A_161 = tpu.matmul %get3A_156, %get3A_159, %dot_general3A_160 {dimension_numbers = #tpu.dot_dimension_numbers<[1], [0], [0], [1], [0, 0, 1, 1], [], []>, transpose_lhs_hint = false} : vector<12x16xf32>, vector<16x128xf32>, vector<12x128xf32> -> vector<12x128xf32>
    %get3A_162 = arith.constant 0 : index
    %get3A_163 = arith.constant 0 : index
    %get3A_164 = vector.load %arg3[%get3A_162, %get3A_163] : memref<4x8xf32, #tpu.memory_space<vmem>>, vector<4x8xf32>
    %get3A_165 = arith.constant 32 : index
    %get3A_166 = arith.constant 0 : index
    %get3A_167 = vector.load %arg6[%get3A_165, %get3A_166] : memref<64x128xf32, #tpu.memory_space<vmem>>, vector<8x128xf32>
    %dot_general3A_168 = arith.constant dense<0.000000e+00> : vector<4x128xf32>
    %dot_general3A_169 = tpu.matmul %get3A_164, %get3A_167, %dot_general3A_168 {dimension_numbers = #tpu.dot_dimension_numbers<[1], [0], [0], [1], [0, 0, 1, 1], [], []>, transpose_lhs_hint = false} : vector<4x8xf32>, vector<8x128xf32>, vector<4x128xf32> -> vector<4x128xf32>
    %get3A_170 = arith.constant 0 : index
    %get3A_171 = arith.constant 0 : index
    %get3A_172 = vector.load %arg4[%get3A_170, %get3A_171] : memref<24x16xf32, #tpu.memory_space<vmem>>, vector<24x16xf32>
    %get3A_173 = arith.constant 40 : index
    %get3A_174 = arith.constant 0 : index
    %get3A_175 = vector.load %arg6[%get3A_173, %get3A_174] : memref<64x128xf32, #tpu.memory_space<vmem>>, vector<16x128xf32>
    %dot_general3A_176 = arith.constant dense<0.000000e+00> : vector<24x128xf32>
    %dot_general3A_177 = tpu.matmul %get3A_172, %get3A_175, %dot_general3A_176 {dimension_numbers = #tpu.dot_dimension_numbers<[1], [0], [0], [1], [0, 0, 1, 1], [], []>, transpose_lhs_hint = false} : vector<24x16xf32>, vector<16x128xf32>, vector<24x128xf32> -> vector<24x128xf32>
    %get3A_178 = arith.constant 0 : index
    %get3A_179 = arith.constant 0 : index
    %get3A_180 = vector.load %arg5[%get3A_178, %get3A_179] : memref<4x8xf32, #tpu.memory_space<vmem>>, vector<4x8xf32>
    %get3A_181 = arith.constant 56 : index
    %get3A_182 = arith.constant 0 : index
    %get3A_183 = vector.load %arg6[%get3A_181, %get3A_182] : memref<64x128xf32, #tpu.memory_space<vmem>>, vector<8x128xf32>
    %dot_general3A_184 = arith.constant dense<0.000000e+00> : vector<4x128xf32>
    %dot_general3A_185 = tpu.matmul %get3A_180, %get3A_183, %dot_general3A_184 {dimension_numbers = #tpu.dot_dimension_numbers<[1], [0], [0], [1], [0, 0, 1, 1], [], []>, transpose_lhs_hint = false} : vector<4x8xf32>, vector<8x128xf32>, vector<4x128xf32> -> vector<4x128xf32>
    %iota3A_186 = tpu.iota {dimensions = array<i32: 1>} : vector<4608x7xi32>
    %eq3A_187 = vector.broadcast %broadcast_in_dim3A : vector<4608x1xi32> to vector<4608x7xi32>
    %eq3A_188 = arith.cmpi eq, %eq3A_187, %iota3A_186 : vector<4608x7xi32>
    %convert_element_type3A = arith.extui %eq3A_188 : vector<4608x7xi1> to vector<4608x7xi32>
    %convert_element_type3A_189 = arith.sitofp %convert_element_type3A : vector<4608x7xi32> to vector<4608x7xf32>
    %dot_general3A_190 = arith.constant dense<0.000000e+00> : vector<4608x128xf32>
    %dot_general3A_191 = tpu.matmul %convert_element_type3A_189, %dot_general3A_153, %dot_general3A_190 {dimension_numbers = #tpu.dot_dimension_numbers<[1], [0], [0], [1], [0, 0, 1, 1], [], []>, transpose_lhs_hint = false} : vector<4608x7xf32>, vector<7x128xf32>, vector<4608x128xf32> -> vector<4608x128xf32>
    %iota3A_192 = tpu.iota {dimensions = array<i32: 1>} : vector<4608x12xi32>
    %eq3A_193 = vector.broadcast %select_n3A : vector<4608x1xi32> to vector<4608x12xi32>
    %eq3A_194 = arith.cmpi eq, %eq3A_193, %iota3A_192 : vector<4608x12xi32>
    %convert_element_type3A_195 = arith.extui %eq3A_194 : vector<4608x12xi1> to vector<4608x12xi32>
    %convert_element_type3A_196 = arith.sitofp %convert_element_type3A_195 : vector<4608x12xi32> to vector<4608x12xf32>
    %dot_general3A_197 = arith.constant dense<0.000000e+00> : vector<4608x128xf32>
    %dot_general3A_198 = tpu.matmul %convert_element_type3A_196, %dot_general3A_161, %dot_general3A_197 {dimension_numbers = #tpu.dot_dimension_numbers<[1], [0], [0], [1], [0, 0, 1, 1], [], []>, transpose_lhs_hint = false} : vector<4608x12xf32>, vector<12x128xf32>, vector<4608x128xf32> -> vector<4608x128xf32>
    %add3A_199 = arith.addf %dot_general3A_191, %dot_general3A_198 : vector<4608x128xf32>
    %iota3A_200 = tpu.iota {dimensions = array<i32: 1>} : vector<4608x4xi32>
    %eq3A_201 = vector.broadcast %select_n3A_72 : vector<4608x1xi32> to vector<4608x4xi32>
    %eq3A_202 = arith.cmpi eq, %eq3A_201, %iota3A_200 : vector<4608x4xi32>
    %convert_element_type3A_203 = arith.extui %eq3A_202 : vector<4608x4xi1> to vector<4608x4xi32>
    %convert_element_type3A_204 = arith.sitofp %convert_element_type3A_203 : vector<4608x4xi32> to vector<4608x4xf32>
    %dot_general3A_205 = arith.constant dense<0.000000e+00> : vector<4608x128xf32>
    %dot_general3A_206 = tpu.matmul %convert_element_type3A_204, %dot_general3A_169, %dot_general3A_205 {dimension_numbers = #tpu.dot_dimension_numbers<[1], [0], [0], [1], [0, 0, 1, 1], [], []>, transpose_lhs_hint = false} : vector<4608x4xf32>, vector<4x128xf32>, vector<4608x128xf32> -> vector<4608x128xf32>
    %add3A_207 = arith.addf %add3A_199, %dot_general3A_206 : vector<4608x128xf32>
    %iota3A_208 = tpu.iota {dimensions = array<i32: 1>} : vector<4608x24xi32>
    %eq3A_209 = vector.broadcast %select_n3A_125 : vector<4608x1xi32> to vector<4608x24xi32>
    %eq3A_210 = arith.cmpi eq, %eq3A_209, %iota3A_208 : vector<4608x24xi32>
    %convert_element_type3A_211 = arith.extui %eq3A_210 : vector<4608x24xi1> to vector<4608x24xi32>
    %convert_element_type3A_212 = arith.sitofp %convert_element_type3A_211 : vector<4608x24xi32> to vector<4608x24xf32>
    %dot_general3A_213 = arith.constant dense<0.000000e+00> : vector<4608x128xf32>
    %dot_general3A_214 = tpu.matmul %convert_element_type3A_212, %dot_general3A_177, %dot_general3A_213 {dimension_numbers = #tpu.dot_dimension_numbers<[1], [0], [0], [1], [0, 0, 1, 1], [], []>, transpose_lhs_hint = false} : vector<4608x24xf32>, vector<24x128xf32>, vector<4608x128xf32> -> vector<4608x128xf32>
    %add3A_215 = arith.addf %add3A_207, %dot_general3A_214 : vector<4608x128xf32>
    %iota3A_216 = tpu.iota {dimensions = array<i32: 1>} : vector<4608x4xi32>
    %eq3A_217 = vector.broadcast %select_n3A_147 : vector<4608x1xi32> to vector<4608x4xi32>
    %eq3A_218 = arith.cmpi eq, %eq3A_217, %iota3A_216 : vector<4608x4xi32>
    %convert_element_type3A_219 = arith.extui %eq3A_218 : vector<4608x4xi1> to vector<4608x4xi32>
    %convert_element_type3A_220 = arith.sitofp %convert_element_type3A_219 : vector<4608x4xi32> to vector<4608x4xf32>
    %dot_general3A_221 = arith.constant dense<0.000000e+00> : vector<4608x128xf32>
    %dot_general3A_222 = tpu.matmul %convert_element_type3A_220, %dot_general3A_185, %dot_general3A_221 {dimension_numbers = #tpu.dot_dimension_numbers<[1], [0], [0], [1], [0, 0, 1, 1], [], []>, transpose_lhs_hint = false} : vector<4608x4xf32>, vector<4x128xf32>, vector<4608x128xf32> -> vector<4608x128xf32>
    %add3A_223 = arith.addf %add3A_215, %dot_general3A_222 : vector<4608x128xf32>
    %get3A_224 = arith.constant 0 : index
    %get3A_225 = arith.constant 0 : index
    %get3A_226 = vector.load %arg7[%get3A_224, %get3A_225] : memref<1x128xf32, #tpu.memory_space<vmem>>, vector<1x128xf32>
    %add3A_227 = vector.broadcast %get3A_226 : vector<1x128xf32> to vector<4608x128xf32>
    %add3A_228 = arith.addf %add3A_223, %add3A_227 : vector<4608x128xf32>
    %swap3A = arith.constant 0 : index
    %swap3A_229 = arith.constant 0 : index
    %swap3A_230 = vector.load %arg8[%swap3A, %swap3A_229] : memref<4608x128xf32, #tpu.memory_space<vmem>>, vector<4608x128xf32>
    tpu.vector_store %arg8[%swap3A, %swap3A_229], %add3A_228 {strides = array<i32>} : memref<4608x128xf32, #tpu.memory_space<vmem>>, vector<4608x128xf32>,
    return
  }
  func.func @transform_0(%arg0: i32) -> (i32, i32) {
    %c0_i32 = arith.constant 0 : i32
    %c0_i32_0 = arith.constant 0 : i32
    %c0_i32_1 = arith.constant 0 : i32
    return %c0_i32, %c0_i32_0 : i32, i32
  }
  func.func @transform_1(%arg0: i32) -> (i32, i32) {
    %c0_i32 = arith.constant 0 : i32
    %c0_i32_0 = arith.constant 0 : i32
    %c0_i32_1 = arith.constant 0 : i32
    return %c0_i32, %c0_i32_0 : i32, i32
  }
  func.func @transform_2(%arg0: i32) -> (i32, i32) {
    %c0_i32 = arith.constant 0 : i32
    %c0_i32_0 = arith.constant 0 : i32
    %c0_i32_1 = arith.constant 0 : i32
    return %c0_i32, %c0_i32_0 : i32, i32
  }
  func.func @transform_3(%arg0: i32) -> (i32, i32) {
    %c0_i32 = arith.constant 0 : i32
    %c0_i32_0 = arith.constant 0 : i32
    %c0_i32_1 = arith.constant 0 : i32
    return %c0_i32, %c0_i32_0 : i32, i32
  }
  func.func @transform_4(%arg0: i32) -> (i32, i32) {
    %c0_i32 = arith.constant 0 : i32
    %c0_i32_0 = arith.constant 0 : i32
    %c0_i32_1 = arith.constant 0 : i32
    return %c0_i32, %c0_i32_0 : i32, i32
  }
  func.func @transform_5(%arg0: i32) -> (i32, i32) {
    %c0_i32 = arith.constant 0 : i32
    %c0_i32_0 = arith.constant 0 : i32
    %c0_i32_1 = arith.constant 0 : i32
    return %c0_i32, %c0_i32_0 : i32, i32
  }
  func.func @transform_6(%arg0: i32) -> (i32, i32) {
    %c0_i32 = arith.constant 0 : i32
    %c0_i32_0 = arith.constant 0 : i32
    %c0_i32_1 = arith.constant 0 : i32
    return %c0_i32, %c0_i32_0 : i32, i32
  }
  func.func @transform_7(%arg0: i32) -> (i32, i32) {
    %c0_i32 = arith.constant 0 : i32
    %c0_i32_0 = arith.constant 0 : i32
    return %arg0, %c0_i32 : i32, i32
  }
}

</mosaic_0001>

<sc_bundles>
// kernel: kernel.5.cloned.1.call-start
scs
__scs_entry_jumppad:
0x0: {  	(pc) =	sbr.rel $0x88, $3  }
0x1: {  	(tag) =	ssettag $0x0;
	lr =	simm.s32 $0x1  }
0x2: {  	[smem:$0x3F95] =	sst lr;
	_ =	strace $0xD0000000  }
0x3: {  	_ = 	snop  }
0x4: {  	_ = 	snop  }
0x5: {  	_ = 	snop  }
0x6: {  	_ = 	snop  }
0x7: {  	_ = 	snop  }
__scs_overlays_trampoline_lowered:
0x8: {  	[smem:$0x3FA4] =	sst s0  }
0x9: {  	[smem:$0x3FA5] =	sst s1  }
0xa: {  	[smem:$0x3FA6] =	sst s2  }
0xb: {  	[smem:$0x3FA7] =	sst s3  }
0xc: {  	[smem:$0x3FA8] =	sst s4  }
0xd: {  	[smem:$0x3FA9] =	sst s5  }
0xe: {  	[smem:$0x3FAA] =	sst s6  }
0xf: {  	[smem:$0x3FAB] =	sst s7  }
0x10: {  	[smem:$0x3FAC] =	sst s8  }
0x11: {  	[smem:$0x3FAD] =	sst s9;
	s0 =	simm.s32 @!p0 $0x0  }
0x12: {  	s1 =	sld [smem:$0x3F93];
	s0 =	simm.s32 @p0 $0x1  }
0x13: {  	[smem:$0x3FAE] =	sst s0;
	s0 =	simm.s32 @!p1 $0x0  }
0x14: {  	s2 =	sld [smem:$0x3F92];
	s0 =	simm.s32 @p1 $0x1  }
0x15: {  	[smem:$0x3FAF] =	sst s0;
	s0 =	simm.s32 @!p2 $0x0  }
0x16: {  	s3 =	sld [smem:$0x3FDB];
	s0 =	simm.s32 @p2 $0x1  }
0x17: {  	s4 =	simm.s32 $0x1BF5;
	[smem:$0x3FB1] =	sst s0  }
0x18: {  	s0 =	sld [smem:$0x3F94];
	_ =	swait.ge [sflag:s4], $0x0  }
0x19: {  	s7 =	sld [smem:$0x3F95]  }
0x1a: {  	s8 =	sadd.s32 $0xFFFFE003, lr  }
0x1b: {  	s9 =	sadd.s32 $0xFFFFFEF7, lr;
	s5 =	simm.s32 $0xFFFFFFFF;
	p2 =	slt.u32 s8, $0xFFFFF086  }
0x1c: {  	p1 =	slt.u32 s9, $0xF7A;
	s5 =	simm.s32 @!p2 $0x0  }
0x1d: {  	s5 =	simm.s32 @p1 $0x1;
	p0 =	seq.s32 s7, s2  }
0x1e: {  	s7 =	smul.u32 @!p0 $0xF7A, s2;
	p2 =	seq.s32 @!p0 s5, $0x0  }
0x1f: {  	s9 =	smul.u32 $0xF7A, s1;
	s8 =	simm.s32 @!p0 $0x1BF5;
	p2 =	por !p2, p0  }
0x20: {  	[sflag:s8] =	ssyncset.s32 @!p0 $0xFFFFF086;
	s6 =	sadd.s32 @!p0 s3, s7;
	s7 =	simm.s32 @!p0 $0x108  }
0x21: {  	s3 =	sadd.s32 s3, s9;
	s6 =	sadd.s32 @!p0 $0x88, s6;
	s7 =	simm.s32 @p2 $0x1082  }
0x22: {  	[simem:s7], [sflag:s8] =	dma.local @!p0 [hbm:s6], $0xF7A  }
0x23: {  	s9 =	sor.u32 $0xD0000000, s2;
	s6 =	simm.s32 $0x108;
	_ =	swait.ge @!p0 [sflag:s8], $0x0  }
0x24: {  	s3 =	sadd.s32 $0x88, s3;
	s6 =	simm.s32 @!p1 $0x1082;
	[sflag:s4] =	ssyncset.s32 $0xFFFFF086  }
0x25: {  	[simem:s6], [sflag:s4] =	dma.local [hbm:s3], $0xF7A  }
0x26: {  	[smem:$0x3F95] =	sst s1;
	(tag) =	ssettag s2;
	_ =	strace s9  }
0x27: {  	s1 =	sld [smem:$0x3FA5]  }
0x28: {  	s2 =	sld [smem:$0x3FA6]  }
0x29: {  	s4 =	sld [smem:$0x3FA8]  }
0x2a: {  	p0 =	seq.s32 s5, $0x0;
	s5 =	sld [smem:$0x3FA9]  }
0x2b: {  	s6 =	sld [smem:$0x3FAA]  }
0x2c: {  	s7 =	sld [smem:$0x3FAB]  }
0x2d: {  	s3 =	simm.s32 $0x108;
	s8 =	sld [smem:$0x3FAC]  }
0x2e: {  	s3 =	simm.s32 @!p0 $0x1082;
	s9 =	sld [smem:$0x3FAD]  }
0x2f: {  	lr =	sadd.s32 s0, s3;
	s0 =	sld [smem:$0x3FA4]  }
0x30: {  	s3 =	sld [smem:$0x3FA7]  }
0x31: {  	[smem:$0x3FB0] =	sst s10  }
0x32: {  	s10 =	sld [smem:$0x3FAE];
	_ =	sdelay $0x3  }
0x33: {  	p0 =	seq.s32 s10, $0x1;
	s10 =	sld [smem:$0x3FB0];
	_ =	sdelay $0x3  }
0x34: {  	[smem:$0x3FB0] =	sst s10  }
0x35: {  	s10 =	sld [smem:$0x3FAF];
	_ =	sdelay $0x3  }
0x36: {  	p1 =	seq.s32 s10, $0x1;
	s10 =	sld [smem:$0x3FB0];
	_ =	sdelay $0x3  }
0x37: {  	[smem:$0x3FB0] =	sst s10  }
0x38: {  	s10 =	sld [smem:$0x3FB1]  }
0x39: {  	_ = 	snop;
	(pc) =	sbr.ind lr, $3  }
0x3a: {  	_ = 	snop  }
0x3b: {  	_ = 	snop  }
0x3c: {  	p2 =	seq.s32 s10, $0x1;
	s10 =	sld [smem:$0x3FB0]  }
0x3d: {  	_ =	shalt  }
0x3e: {  	_ =	shalt  }
0x3f: {  	_ =	shalt  }
0x40: {  	_ =	shalt  }
0x41: {  	_ =	shalt  }
0x42: {  	_ =	shalt  }
0x43: {  	_ =	shalt  }
0x44: {  	_ =	shalt  }
0x45: {  	_ =	shalt  }
0x46: {  	_ =	shalt  }
0x47: {  	_ =	shalt  }
0x48: {  	_ =	shalt  }
0x49: {  	_ =	shalt  }
0x4a: {  	_ =	shalt  }
0x4b: {  	_ =	shalt  }
0x4c: {  	_ =	shalt  }
0x4d: {  	_ =	shalt  }
0x4e: {  	_ =	shalt  }
0x4f: {  	_ =	shalt  }
0x50: {  	_ =	shalt  }
0x51: {  	_ =	shalt  }
0x52: {  	_ =	shalt  }
0x53: {  	_ =	shalt  }
0x54: {  	_ =	shalt  }
0x55: {  	_ =	shalt  }
0x56: {  	_ =	shalt  }
0x57: {  	_ =	shalt  }
0x58: {  	_ =	shalt  }
0x59: {  	_ =	shalt  }
0x5a: {  	_ =	shalt  }
0x5b: {  	_ =	shalt  }
0x5c: {  	_ =	shalt  }
0x5d: {  	_ =	shalt  }
0x5e: {  	_ =	shalt  }
0x5f: {  	_ =	shalt  }
0x60: {  	_ =	shalt  }
0x61: {  	_ =	shalt  }
0x62: {  	_ =	shalt  }
0x63: {  	_ =	shalt  }
0x64: {  	_ =	shalt  }
0x65: {  	_ =	shalt  }
0x66: {  	_ =	shalt  }
0x67: {  	_ =	shalt  }
0x68: {  	_ =	shalt  }
0x69: {  	_ =	shalt  }
0x6a: {  	_ =	shalt  }
0x6b: {  	_ =	shalt  }
0x6c: {  	_ =	shalt  }
0x6d: {  	_ =	shalt  }
0x6e: {  	_ =	shalt  }
0x6f: {  	_ =	shalt  }
0x70: {  	_ =	shalt  }
0x71: {  	_ =	shalt  }
0x72: {  	_ =	shalt  }
0x73: {  	_ =	shalt  }
0x74: {  	_ =	shalt  }
0x75: {  	_ =	shalt  }
0x76: {  	_ =	shalt  }
0x77: {  	_ =	shalt  }
0x78: {  	_ =	shalt  }
0x79: {  	_ =	shalt  }
0x7a: {  	_ =	shalt  }
0x7b: {  	_ =	shalt  }
0x7c: {  	_ =	shalt  }
0x7d: {  	_ =	shalt  }
0x7e: {  	_ =	shalt  }
0x7f: {  	_ =	shalt  }
0x80: {  	_ =	shalt  }
0x81: {  	_ =	shalt  }
0x82: {  	_ =	shalt  }
0x83: {  	_ =	shalt  }
0x84: {  	_ =	shalt  }
0x85: {  	_ =	shalt  }
0x86: {  	_ =	shalt  }
0x87: {  	_ =	shalt  }
.Lfunc_end0:
.L_simem_size_0:
called_computation_lowered:
.L_overlay_start_0:
0x88: {  	s2 =	sld [smem:$0x3FD9]  }
0x89: {  	s3 =	sld [smem:$0x3FFE];
	_ =	sdelay $0x1  }
0x8a: {  	s1 =	srdreg.scid  }
0x8b: {  	s0 =	sand.u32 $0x1, s1  }
0x8c: {  	s17 =	sshll.u32 s0, $0xA;
	s2 =	sadd.s32 s3, s2  }
0x8d: {  	s2 =	sadd.s32 s2, s17  }
0x8e: {  	[smem:$0x3FBC] =	sst s2  }
0x8f: {  	_ = 	snop  }
0x90: {  	s2 =	sld [smem:$0x3FD0];
	(tm) =	ssettm $0x1  }
0x91: {  	s18 =	sld [smem:$0x3FFB];
	_ =	sdelay $0x3  }
0x92: {  	_ =	strace s18  }
0x93: {  	s3 =	sld [smem:$0x3FFC];
	_ =	sdelay $0x3  }
0x94: {  	_ =	strace s3  }
0x95: {  	s3 =	sld [smem:$0x3FFD];
	_ =	sdelay $0x3  }
0x96: {  	_ =	strace s3  }
0x97: {  	_ =	strace $0x8FFFFFFF  }
0x98: {  	s19 =	sld [smem:$0x3FDB];
	_ =	sdelay $0x1  }
0x99: {  	s4 =	simm.s32 $_scs_section_size  }
0x9a: {  	s5 =	simm.s32 $_size__tile_overlayer_lowered;
	s6 =	simm.s32 $_tile_overlayer_lowered  }
0x9b: {  	s22 =	simm.s32 $0x1BFF;
	s21 =	sshll.u32 s6, $0x1;
	s3 =	sadd.s32 s4, s19  }
0x9c: {  	s7 =	simm.s32 $0x0;
	s20 =	sshll.u32 s5, $0x1;
	s5 =	sadd.s32 s21, s3  }
0x9d: {  	[timem:s7], [sflag:s22] =	dma.local [hbm:s5], s20  }
0x9e: {  	_ =	swait.ge [sflag:s22], s20  }
0x9f: {  	s4 =	ssub.s32 $0x0, s20;
	[sflag:s22] =	ssyncset.done $0x0  }
0xa0: {  	[sflag:s22] =	ssyncadd.s32 s4;
	_ =	sdelay $0x1  }
0xa1: {  	s23 =	simm.s32 $0x1B8B  }
0xa2: {  	_ =	swait.ge [sflag:s23], $0x1  }
0xa3: {  	[sflag:s23] =	ssyncset.done $0x0  }
0xa4: {  	s25 =	simm.s32 $0x1B8E;
	s24 =	sld [smem:$0x3FFE];
	[sflag:s23] =	ssyncadd.s32 $0xFFFFFFFF  }
0xa5: {  	s26 =	simm.s32 $execute0_lowered;
	[smem:$0x3FD2] =	sst s25  }
0xa6: {  	s5 =	sshll.u32 s26, $0x1;
	_ =	strace $0x80000046;
	[dreg:$0x1] =	wrdreg $0xFFFFFFFF  }
0xa7: {  	s28 =	simm.s32 $_size_execute0_lowered;
	s3 =	sadd.s32 s3, s5;
	[dreg:$0x0] =	wrdreg $0x0  }
0xa8: {  	s5 =	sshll.u32 s28, $0x1;
	[dreg:$0x2] =	wrdreg s3  }
0xa9: {  	[dreg:$0x3] =	wrdreg s5  }
0xaa: {  	[dreg:$0x4] =	wrdreg $0xC0  }
0xab: {  	_ =	task [dreg:s7], $0x5FFFF  }
0xac: {  	[dreg:$0x1] =	wrdreg $0xFFFFFFFF  }
0xad: {  	[dreg:$0x0] =	wrdreg $0x60  }
0xae: {  	[dreg:$0x2] =	wrdreg s24  }
0xaf: {  	[dreg:$0x3] =	wrdreg s2  }
0xb0: {  	[dreg:$0x4] =	wrdreg $0x9  }
0xb1: {  	_ =	task.clear_ibuf [dreg:s7], $0x5FFFF;
	_ =	strace $0x90000046  }
0xb2: {  	s29 =	simm.s32 $0x9;
	_ =	strace $0x80000048  }
0xb3: {  	_ =	swait.ge [sflag:s29], $0x1  }
0xb4: {  	[sflag:s29] =	ssyncadd.s32 $0xFFFFFFFF  }
0xb5: {  	_ =	strace $0x90000048  }
0xb6: {  	_ =	sfence  }
0xb7: {  	s30 =	sld [smem:$0x0];
	_ =	sdelay $0x2  }
0xb8: {  	s31 =	sshll.u32 s1, $0xD;
	s1 =	sshrl.u32 s1, $0x2  }
0xb9: {  	s3 =	sand.u32 $0x4000, s31;
	s1 =	sadd.s32 s1, s30  }
0xba: {  	s0 =	sor.u32 s3, s0;
	s1 =	sshll.u32 s1, $0x11  }
0xbb: {  	s0 =	sor.u32 s1, s0  }
0xbc: {  	s0 =	sadd.s32 $0x8F2B, s0  }
0xbd: {  	[sflag:s0] =	ssyncadd.remote.s32 $0x1  }
0xbe: {  	_ =	sfence.sel $0xFFFF  }
0xbf: {  	[dreg:$0x0] =	wrdreg $0xFFFFFFFF;
	(pc) =	sbr.abs _section_cstart, $3  }
0xc0: {  	[dreg:$0x1] =	wrdreg $0xFFFFFFFF  }
0xc1: {  	_ =	task.clear_ibuf [dreg:s7], $0x2FFFF;
	_ =	strace $0x9FFFFFFF  }
0xc2: {  	(tm) =	ssettm $0x7FFFFFFF  }
0xc3: {  	_ =	shalt  }
tec
execute0_lowered:
.L_overlay_start_1:
0x0: {  	(tag) =	ssettag $0x1  }
0x1: {  	s3 =	rddreg [dreg:$0x0]  }
0x2: {  	s4 =	rddreg [dreg:$0x1];
	s2 =	simm.s32 $0x0  }
0x3: {  	s14 =	simm.s32 $0x400;
	[smem:$0x7FF] =	sst s2  }
0x4: {  	s15 =	simm.s32 $0x480;
	_ =	strace $0x80000047;
	[dreg:$0x4] =	wrdreg s14  }
0x5: {  	s16 =	simm.s32 $0x100;
	[dreg:$0x5] =	wrdreg s15  }
0x6: {  	s18 =	simm.s32 $0x500;
	[dreg:$0x6] =	wrdreg s16  }
0x7: {  	s19 =	simm.s32 $0x180;
	[dreg:$0x7] =	wrdreg s18  }
0x8: {  	s20 =	simm.s32 $0x580;
	[dreg:$0x8] =	wrdreg s19  }
0x9: {  	s22 =	simm.s32 $0x200;
	[dreg:$0x9] =	wrdreg s20  }
0xa: {  	s0 =	stileid.u32;
	s23 =	simm.s32 $0x600;
	[dreg:$0xa] =	wrdreg s22  }
0xb: {  	s1 =	srdreg.scid;
	s24 =	simm.s32 $0x280;
	[dreg:$0xb] =	wrdreg s23  }
0xc: {  	s25 =	simm.s32 $0x680;
	s26 =	simm.s32 $0x300;
	[dreg:$0xc] =	wrdreg s24  }
0xd: {  	s29 =	simm.s32 $0x700;
	s30 =	simm.s32 $0x380;
	[dreg:$0xd] =	wrdreg s25  }
0xe: {  	s31 =	simm.s32 $0x780;
	s9 =	simm.s32 $0x800;
	[dreg:$0xe] =	wrdreg s26  }
0xf: {  	s10 =	simm.s32 $0xC00;
	s11 =	simm.s32 $0x880;
	[dreg:$0xf] =	wrdreg s29  }
0x10: {  	s12 =	simm.s32 $0xC80;
	s13 =	simm.s32 $0x900;
	[dreg:$0x10] =	wrdreg s30  }
0x11: {  	s28 =	simm.s32 $0x0;
	s5 =	sand.u32 $0x1, s1;
	[dreg:$0x11] =	wrdreg s31  }
0x12: {  	s6 =	smul.u32 $0xC8000, s0;
	s17 =	sshll.u32 s0, $0xD;
	[dreg:$0x12] =	wrdreg s9  }
0x13: {  	s7 =	smul.u32 $0x64000, s5;
	s21 =	ssub.s32 $0x2, s5;
	[dreg:$0x13] =	wrdreg s10  }
0x14: {  	s5 =	sshll.u32 s5, $0xC;
	s9 =	simm.s32 $0x48;
	[dreg:$0x14] =	wrdreg s11  }
0x15: {  	s10 =	simm.s32 $0x5000;
	s11 =	simm.s32 $0x9000;
	[dreg:$0x15] =	wrdreg s12  }
0x16: {  	s12 =	simm.s32 $0x1;
	[dreg:$0x16] =	wrdreg s13;
	s14 =	simm.s32 $0xD00  }
0x17: {  	s13 =	simm.s32 $0xD000;
	s15 =	simm.s32 $0x980;
	s16 =	simm.s32 $0xD80  }
0x18: {  	s18 =	simm.s32 $0xE00;
	s19 =	simm.s32 $0xA80;
	s20 =	simm.s32 $0xE80  }
0x19: {  	s22 =	simm.s32 $0xF00;
	s23 =	simm.s32 $0xB80;
	[dreg:$0x17] =	wrdreg s14  }
0x1a: {  	s25 =	simm.s32 $0xF80;
	s24 =	simm.s32 $0xA;
	[dreg:$0x18] =	wrdreg s15  }
0x1b: {  	s26 =	simm.s32 $0xC;
	s4 =	sadd.s32 s6, s4;
	[dreg:$0x19] =	wrdreg s16  }
0x1c: {  	s6 =	sadd.s32 s17, s3;
	s3 =	sadd.s32 $0x21C00, s3;
	[dreg:$0x1b] =	wrdreg s18  }
0x1d: {  	s8 =	sshrl.u32 s21, $0x1;
	s14 =	simm.s32 $0x2;
	[dreg:$0x1c] =	wrdreg s19  }
0x1e: {  	s15 =	simm.s32 $0x11000;
	s17 =	simm.s32 $0xA00;
	[dreg:$0x1d] =	wrdreg s20  }
0x1f: {  	s16 =	simm.s32 $0x3;
	s18 =	simm.s32 $0x4;
	[dreg:$0x1f] =	wrdreg s22  }
0x20: {  	s19 =	simm.s32 $0x7;
	s20 =	simm.s32 $0x5;
	[smem:$0x7FC] =	sst s23  }
0x21: {  	s22 =	simm.s32 $0x6;
	s23 =	simm.s32 $0x9;
	[smem:$0x7FD] =	sst s25  }
0x22: {  	s25 =	simm.s32 $0xB;
	s4 =	sadd.s32 s7, s4;
	s7 =	ssub.s32 s21, s8  }
0x23: {  	s5 =	sadd.s32 s5, s6;
	s6 =	simm.s32 $0xD;
	s8 =	simm.s32 $0x1000  }
0x24: {  	[dreg:$0x1a] =	wrdreg s17;
	s17 =	simm.s32 $0x15000;
	s21 =	simm.s32 $0xB00  }
0x25: {  	[dreg:$0x3] =	wrdreg s4;
	s4 =	smax.u32 s7, $0x1;
	s5 =	sadd.s32 $0x1C00, s5  }
0x26: {  	s7 =	simm.s32 $0x80;
	[dreg:$0x1e] =	wrdreg s21;
	s21 =	simm.s32 $0x8  }
.LBB2_1:
0x27: {  	[tilespmem:s2], [sflag:$0xD] =	stream.linear.gather [hbm4b:s5+s2], $0x1000, $0x38;
	[tilespmem:$0x19000] =	vst v63  }
0x28: {  	_ =	swait.ge [sflag:s6], $0x1000  }
0x29: {  	[sflag:s6] =	ssyncset.done $0x0  }
0x2a: {  	[sflag:s6] =	ssyncadd.s32 $0xFFFFF000  }
0x2b: {  	[tilespmem:s8], [sflag:$0x1] =	stream.indirect.gather [hbm4b:s3+s7], $0x80, s2, s7, $0xb8;
	[tilespmem:$0x19000] =	vst v63  }
0x2c: {  	s29 =	rddreg [dreg:$0x4]  }
0x2d: {  	[tilespmem:s10], [sflag:$0x2] =	stream.indirect.gather [hbm4b:s3+s9], $0x80, s29, s9, $0xb8;
	[tilespmem:$0x19000] =	vst v63  }
0x2e: {  	_ = 	snop  }
0x2f: {  	[tilespmem:s11], [sflag:$0x3] =	stream.indirect.gather [hbm4b:s3+s7], $0x80, s7, s7, $0xb8;
	[tilespmem:$0x19000] =	vst v63  }
0x30: {  	_ =	swait.ge [sflag:s12], $0x4000  }
0x31: {  	s29 =	rddreg [dreg:$0x3];
	[sflag:s12] =	ssyncset.done $0x0  }
0x32: {  	[sflag:s12] =	ssyncadd.s32 $0xFFFFC000;
	s29 =	sadd.s32 $0x0, s29  }
0x33: {  	[hbm4b:s29+s2] =	stream.linear.scatter [tilespmem:s8], [sflag:$0x7], $0x4000, $0x38;
	[tilespmem:$0x19000] =	vst v63  }
0x34: {  	s30 =	rddreg [dreg:$0x5]  }
0x35: {  	[tilespmem:s13], [sflag:$0x4] =	stream.indirect.gather [hbm4b:s3+s9], $0x80, s30, s9, $0xb8;
	[tilespmem:$0x19000] =	vst v63  }
0x36: {  	_ =	swait.ge [sflag:s14], $0x2400  }
0x37: {  	[sflag:s14] =	ssyncset.done $0x0  }
0x38: {  	s30 =	sadd.s32 $0x800, s29;
	[sflag:s14] =	ssyncadd.s32 $0xFFFFDC00  }
0x39: {  	[hbm4b:s30+s2] =	stream.linear.scatter [tilespmem:s10], [sflag:$0x8], $0x2400, $0x38;
	[tilespmem:$0x19000] =	vst v63  }
0x3a: {  	s31 =	rddreg [dreg:$0x6]  }
0x3b: {  	[tilespmem:s15], [sflag:$0x5] =	stream.indirect.gather [hbm4b:s3+s7], $0x80, s31, s7, $0xb8;
	[tilespmem:$0x19000] =	vst v63  }
0x3c: {  	_ =	swait.ge [sflag:s16], $0x4000  }
0x3d: {  	[sflag:s16] =	ssyncset.done $0x0  }
0x3e: {  	s30 =	sadd.s32 $0xC80, s29;
	[sflag:s16] =	ssyncadd.s32 $0xFFFFC000  }
0x3f: {  	[hbm4b:s30+s2] =	stream.linear.scatter [tilespmem:s11], [sflag:$0x9], $0x4000, $0x38;
	[tilespmem:$0x19000] =	vst v63  }
0x40: {  	s1 =	rddreg [dreg:$0x7]  }
0x41: {  	[tilespmem:s17], [sflag:$0x6] =	stream.indirect.gather [hbm4b:s3+s9], $0x80, s1, s9, $0xb8;
	[tilespmem:$0x19000] =	vst v63  }
0x42: {  	_ =	swait.ge [sflag:s18], $0x2400  }
0x43: {  	[sflag:s18] =	ssyncset.done $0x0  }
0x44: {  	s30 =	sadd.s32 $0x1480, s29;
	[sflag:s18] =	ssyncadd.s32 $0xFFFFDC00  }
0x45: {  	[hbm4b:s30+s2] =	stream.linear.scatter [tilespmem:s13], [sflag:$0xA], $0x2400, $0x38;
	[tilespmem:$0x19000] =	vst v63  }
0x46: {  	_ =	swait.ge [sflag:s19], $0x4000  }
0x47: {  	[sflag:s19] =	ssyncset.done $0x0  }
0x48: {  	s30 =	rddreg [dreg:$0x8];
	[sflag:s19] =	ssyncadd.s32 $0xFFFFC000  }
0x49: {  	[tilespmem:s8], [sflag:$0x1] =	stream.indirect.gather [hbm4b:s3+s7], $0x80, s30, s7, $0xb8;
	[tilespmem:$0x19000] =	vst v63  }
0x4a: {  	_ =	swait.ge [sflag:s20], $0x4000  }
0x4b: {  	[sflag:s20] =	ssyncset.done $0x0  }
0x4c: {  	s30 =	sadd.s32 $0x1900, s29;
	[sflag:s20] =	ssyncadd.s32 $0xFFFFC000  }
0x4d: {  	[hbm4b:s30+s2] =	stream.linear.scatter [tilespmem:s15], [sflag:$0xB], $0x4000, $0x38;
	[tilespmem:$0x19000] =	vst v63  }
0x4e: {  	_ =	swait.ge [sflag:s21], $0x2400  }
0x4f: {  	[sflag:s21] =	ssyncset.done $0x0  }
0x50: {  	s30 =	rddreg [dreg:$0x9];
	[sflag:s21] =	ssyncadd.s32 $0xFFFFDC00  }
0x51: {  	[tilespmem:s10], [sflag:$0x2] =	stream.indirect.gather [hbm4b:s3+s9], $0x80, s30, s9, $0xb8;
	[tilespmem:$0x19000] =	vst v63  }
0x52: {  	_ =	swait.ge [sflag:s22], $0x2400  }
0x53: {  	[sflag:s22] =	ssyncset.done $0x0  }
0x54: {  	s30 =	sadd.s32 $0x2100, s29;
	[sflag:s22] =	ssyncadd.s32 $0xFFFFDC00  }
0x55: {  	[hbm4b:s30+s2] =	stream.linear.scatter [tilespmem:s17], [sflag:$0xC], $0x2400, $0x38;
	[tilespmem:$0x19000] =	vst v63  }
0x56: {  	_ =	swait.ge [sflag:s23], $0x4000  }
0x57: {  	[sflag:s23] =	ssyncset.done $0x0  }
0x58: {  	s30 =	rddreg [dreg:$0xa];
	[sflag:s23] =	ssyncadd.s32 $0xFFFFC000  }
0x59: {  	[tilespmem:s11], [sflag:$0x3] =	stream.indirect.gather [hbm4b:s3+s7], $0x80, s30, s7, $0xb8;
	[tilespmem:$0x19000] =	vst v63  }
0x5a: {  	_ =	swait.ge [sflag:s12], $0x4000  }
0x5b: {  	[sflag:s12] =	ssyncset.done $0x0  }
0x5c: {  	s30 =	sadd.s32 $0x2580, s29;
	[sflag:s12] =	ssyncadd.s32 $0xFFFFC000  }
0x5d: {  	[hbm4b:s30+s2] =	stream.linear.scatter [tilespmem:s8], [sflag:$0x7], $0x4000, $0x38;
	[tilespmem:$0x19000] =	vst v63  }
0x5e: {  	_ =	swait.ge [sflag:s24], $0x2400  }
0x5f: {  	[sflag:s24] =	ssyncset.done $0x0  }
0x60: {  	s30 =	rddreg [dreg:$0xb];
	[sflag:s24] =	ssyncadd.s32 $0xFFFFDC00  }
0x61: {  	[tilespmem:s13], [sflag:$0x4] =	stream.indirect.gather [hbm4b:s3+s9], $0x80, s30, s9, $0xb8;
	[tilespmem:$0x19000] =	vst v63  }
0x62: {  	_ =	swait.ge [sflag:s14], $0x2400  }
0x63: {  	[sflag:s14] =	ssyncset.done $0x0  }
0x64: {  	s30 =	sadd.s32 $0x2D80, s29;
	[sflag:s14] =	ssyncadd.s32 $0xFFFFDC00  }
0x65: {  	[hbm4b:s30+s2] =	stream.linear.scatter [tilespmem:s10], [sflag:$0x8], $0x2400, $0x38;
	[tilespmem:$0x19000] =	vst v63  }
0x66: {  	_ =	swait.ge [sflag:s25], $0x4000  }
0x67: {  	[sflag:s25] =	ssyncset.done $0x0  }
0x68: {  	s30 =	rddreg [dreg:$0xc];
	[sflag:s25] =	ssyncadd.s32 $0xFFFFC000  }
0x69: {  	[tilespmem:s15], [sflag:$0x5] =	stream.indirect.gather [hbm4b:s3+s7], $0x80, s30, s7, $0xb8;
	[tilespmem:$0x19000] =	vst v63  }
0x6a: {  	_ =	swait.ge [sflag:s16], $0x4000  }
0x6b: {  	[sflag:s16] =	ssyncset.done $0x0  }
0x6c: {  	s30 =	sadd.s32 $0x3200, s29;
	[sflag:s16] =	ssyncadd.s32 $0xFFFFC000  }
0x6d: {  	[hbm4b:s30+s2] =	stream.linear.scatter [tilespmem:s11], [sflag:$0x9], $0x4000, $0x38;
	[tilespmem:$0x19000] =	vst v63  }
0x6e: {  	_ =	swait.ge [sflag:s26], $0x2400  }
0x6f: {  	[sflag:s26] =	ssyncset.done $0x0  }
0x70: {  	s30 =	rddreg [dreg:$0xd];
	[sflag:s26] =	ssyncadd.s32 $0xFFFFDC00  }
0x71: {  	[tilespmem:s17], [sflag:$0x6] =	stream.indirect.gather [hbm4b:s3+s9], $0x80, s30, s9, $0xb8;
	[tilespmem:$0x19000] =	vst v63  }
0x72: {  	_ =	swait.ge [sflag:s18], $0x2400  }
0x73: {  	[sflag:s18] =	ssyncset.done $0x0  }
0x74: {  	s30 =	sadd.s32 $0x3A00, s29;
	[sflag:s18] =	ssyncadd.s32 $0xFFFFDC00  }
0x75: {  	[hbm4b:s30+s2] =	stream.linear.scatter [tilespmem:s13], [sflag:$0xA], $0x2400, $0x38;
	[tilespmem:$0x19000] =	vst v63  }
0x76: {  	_ =	swait.ge [sflag:s19], $0x4000  }
0x77: {  	[sflag:s19] =	ssyncset.done $0x0  }
0x78: {  	s30 =	rddreg [dreg:$0xe];
	[sflag:s19] =	ssyncadd.s32 $0xFFFFC000  }
0x79: {  	[tilespmem:s8], [sflag:$0x1] =	stream.indirect.gather [hbm4b:s3+s7], $0x80, s30, s7, $0xb8;
	[tilespmem:$0x19000] =	vst v63  }
0x7a: {  	_ =	swait.ge [sflag:s20], $0x4000  }
0x7b: {  	[sflag:s20] =	ssyncset.done $0x0  }
0x7c: {  	s30 =	sadd.s32 $0x3E80, s29;
	[sflag:s20] =	ssyncadd.s32 $0xFFFFC000  }
0x7d: {  	[hbm4b:s30+s2] =	stream.linear.scatter [tilespmem:s15], [sflag:$0xB], $0x4000, $0x38;
	[tilespmem:$0x19000] =	vst v63  }
0x7e: {  	_ =	swait.ge [sflag:s21], $0x2400  }
0x7f: {  	[sflag:s21] =	ssyncset.done $0x0  }
0x80: {  	s30 =	rddreg [dreg:$0xf];
	[sflag:s21] =	ssyncadd.s32 $0xFFFFDC00  }
0x81: {  	[tilespmem:s10], [sflag:$0x2] =	stream.indirect.gather [hbm4b:s3+s9], $0x80, s30, s9, $0xb8;
	[tilespmem:$0x19000] =	vst v63  }
0x82: {  	_ =	swait.ge [sflag:s22], $0x2400  }
0x83: {  	[sflag:s22] =	ssyncset.done $0x0  }
0x84: {  	s30 =	sadd.s32 $0x4680, s29;
	[sflag:s22] =	ssyncadd.s32 $0xFFFFDC00  }
0x85: {  	[hbm4b:s30+s2] =	stream.linear.scatter [tilespmem:s17], [sflag:$0xC], $0x2400, $0x38;
	[tilespmem:$0x19000] =	vst v63  }
0x86: {  	_ =	swait.ge [sflag:s23], $0x4000  }
0x87: {  	[sflag:s23] =	ssyncset.done $0x0  }
0x88: {  	s30 =	rddreg [dreg:$0x10];
	[sflag:s23] =	ssyncadd.s32 $0xFFFFC000  }
0x89: {  	[tilespmem:s11], [sflag:$0x3] =	stream.indirect.gather [hbm4b:s3+s7], $0x80, s30, s7, $0xb8;
	[tilespmem:$0x19000] =	vst v63  }
0x8a: {  	_ =	swait.ge [sflag:s12], $0x4000  }
0x8b: {  	[sflag:s12] =	ssyncset.done $0x0  }
0x8c: {  	s30 =	sadd.s32 $0x4B00, s29;
	[sflag:s12] =	ssyncadd.s32 $0xFFFFC000  }
0x8d: {  	[hbm4b:s30+s2] =	stream.linear.scatter [tilespmem:s8], [sflag:$0x7], $0x4000, $0x38;
	[tilespmem:$0x19000] =	vst v63  }
0x8e: {  	_ =	swait.ge [sflag:s24], $0x2400  }
0x8f: {  	[sflag:s24] =	ssyncset.done $0x0  }
0x90: {  	s30 =	rddreg [dreg:$0x11];
	[sflag:s24] =	ssyncadd.s32 $0xFFFFDC00  }
0x91: {  	[tilespmem:s13], [sflag:$0x4] =	stream.indirect.gather [hbm4b:s3+s9], $0x80, s30, s9, $0xb8;
	[tilespmem:$0x19000] =	vst v63  }
0x92: {  	_ =	swait.ge [sflag:s14], $0x2400  }
0x93: {  	[sflag:s14] =	ssyncset.done $0x0  }
0x94: {  	s30 =	sadd.s32 $0x5300, s29;
	[sflag:s14] =	ssyncadd.s32 $0xFFFFDC00  }
0x95: {  	[hbm4b:s30+s2] =	stream.linear.scatter [tilespmem:s10], [sflag:$0x8], $0x2400, $0x38;
	[tilespmem:$0x19000] =	vst v63  }
0x96: {  	_ =	swait.ge [sflag:s25], $0x4000  }
0x97: {  	[sflag:s25] =	ssyncset.done $0x0  }
0x98: {  	s30 =	rddreg [dreg:$0x12];
	[sflag:s25] =	ssyncadd.s32 $0xFFFFC000  }
0x99: {  	[tilespmem:s15], [sflag:$0x5] =	stream.indirect.gather [hbm4b:s3+s7], $0x80, s30, s7, $0xb8;
	[tilespmem:$0x19000] =	vst v63  }
0x9a: {  	_ =	swait.ge [sflag:s16], $0x4000  }
0x9b: {  	[sflag:s16] =	ssyncset.done $0x0  }
0x9c: {  	s30 =	sadd.s32 $0x5780, s29;
	[sflag:s16] =	ssyncadd.s32 $0xFFFFC000  }
0x9d: {  	[hbm4b:s30+s2] =	stream.linear.scatter [tilespmem:s11], [sflag:$0x9], $0x4000, $0x38;
	[tilespmem:$0x19000] =	vst v63  }
0x9e: {  	_ =	swait.ge [sflag:s26], $0x2400  }
0x9f: {  	[sflag:s26] =	ssyncset.done $0x0  }
0xa0: {  	s30 =	rddreg [dreg:$0x13];
	[sflag:s26] =	ssyncadd.s32 $0xFFFFDC00  }
0xa1: {  	[tilespmem:s17], [sflag:$0x6] =	stream.indirect.gather [hbm4b:s3+s9], $0x80, s30, s9, $0xb8;
	[tilespmem:$0x19000] =	vst v63  }
0xa2: {  	_ =	swait.ge [sflag:s18], $0x2400  }
0xa3: {  	[sflag:s18] =	ssyncset.done $0x0  }
0xa4: {  	s30 =	sadd.s32 $0x5F80, s29;
	[sflag:s18] =	ssyncadd.s32 $0xFFFFDC00  }
0xa5: {  	[hbm4b:s30+s2] =	stream.linear.scatter [tilespmem:s13], [sflag:$0xA], $0x2400, $0x38;
	[tilespmem:$0x19000] =	vst v63  }
0xa6: {  	_ =	swait.ge [sflag:s19], $0x4000  }
0xa7: {  	[sflag:s19] =	ssyncset.done $0x0  }
0xa8: {  	s30 =	rddreg [dreg:$0x14];
	[sflag:s19] =	ssyncadd.s32 $0xFFFFC000  }
0xa9: {  	[tilespmem:s8], [sflag:$0x1] =	stream.indirect.gather [hbm4b:s3+s7], $0x80, s30, s7, $0xb8;
	[tilespmem:$0x19000] =	vst v63  }
0xaa: {  	_ =	swait.ge [sflag:s20], $0x4000  }
0xab: {  	[sflag:s20] =	ssyncset.done $0x0  }
0xac: {  	s30 =	sadd.s32 $0x6400, s29;
	[sflag:s20] =	ssyncadd.s32 $0xFFFFC000  }
0xad: {  	[hbm4b:s30+s2] =	stream.linear.scatter [tilespmem:s15], [sflag:$0xB], $0x4000, $0x38;
	[tilespmem:$0x19000] =	vst v63  }
0xae: {  	_ =	swait.ge [sflag:s21], $0x2400  }
0xaf: {  	[sflag:s21] =	ssyncset.done $0x0  }
0xb0: {  	s30 =	rddreg [dreg:$0x15];
	[sflag:s21] =	ssyncadd.s32 $0xFFFFDC00  }
0xb1: {  	[tilespmem:s10], [sflag:$0x2] =	stream.indirect.gather [hbm4b:s3+s9], $0x80, s30, s9, $0xb8;
	[tilespmem:$0x19000] =	vst v63  }
0xb2: {  	_ =	swait.ge [sflag:s22], $0x2400  }
0xb3: {  	[sflag:s22] =	ssyncset.done $0x0  }
0xb4: {  	s30 =	sadd.s32 $0x6C00, s29;
	[sflag:s22] =	ssyncadd.s32 $0xFFFFDC00  }
0xb5: {  	[hbm4b:s30+s2] =	stream.linear.scatter [tilespmem:s17], [sflag:$0xC], $0x2400, $0x38;
	[tilespmem:$0x19000] =	vst v63  }
0xb6: {  	_ =	swait.ge [sflag:s23], $0x4000  }
0xb7: {  	[sflag:s23] =	ssyncset.done $0x0  }
0xb8: {  	s30 =	rddreg [dreg:$0x16];
	[sflag:s23] =	ssyncadd.s32 $0xFFFFC000  }
0xb9: {  	[tilespmem:s11], [sflag:$0x3] =	stream.indirect.gather [hbm4b:s3+s7], $0x80, s30, s7, $0xb8;
	[tilespmem:$0x19000] =	vst v63  }
0xba: {  	_ =	swait.ge [sflag:s12], $0x4000  }
0xbb: {  	[sflag:s12] =	ssyncset.done $0x0  }
0xbc: {  	s30 =	sadd.s32 $0x7080, s29;
	[sflag:s12] =	ssyncadd.s32 $0xFFFFC000  }
0xbd: {  	[hbm4b:s30+s2] =	stream.linear.scatter [tilespmem:s8], [sflag:$0x7], $0x4000, $0x38;
	[tilespmem:$0x19000] =	vst v63  }
0xbe: {  	_ =	swait.ge [sflag:s24], $0x2400  }
0xbf: {  	[sflag:s24] =	ssyncset.done $0x0  }
0xc0: {  	s30 =	rddreg [dreg:$0x17];
	[sflag:s24] =	ssyncadd.s32 $0xFFFFDC00  }
0xc1: {  	[tilespmem:s13], [sflag:$0x4] =	stream.indirect.gather [hbm4b:s3+s9], $0x80, s30, s9, $0xb8;
	[tilespmem:$0x19000] =	vst v63  }
0xc2: {  	_ =	swait.ge [sflag:s14], $0x2400  }
0xc3: {  	[sflag:s14] =	ssyncset.done $0x0  }
0xc4: {  	s30 =	sadd.s32 $0x7880, s29;
	[sflag:s14] =	ssyncadd.s32 $0xFFFFDC00  }
0xc5: {  	[hbm4b:s30+s2] =	stream.linear.scatter [tilespmem:s10], [sflag:$0x8], $0x2400, $0x38;
	[tilespmem:$0x19000] =	vst v63  }
0xc6: {  	_ =	swait.ge [sflag:s25], $0x4000  }
0xc7: {  	[sflag:s25] =	ssyncset.done $0x0  }
0xc8: {  	s30 =	rddreg [dreg:$0x18];
	[sflag:s25] =	ssyncadd.s32 $0xFFFFC000  }
0xc9: {  	[tilespmem:s15], [sflag:$0x5] =	stream.indirect.gather [hbm4b:s3+s7], $0x80, s30, s7, $0xb8;
	[tilespmem:$0x19000] =	vst v63  }
0xca: {  	_ =	swait.ge [sflag:s16], $0x4000  }
0xcb: {  	[sflag:s16] =	ssyncset.done $0x0  }
0xcc: {  	s30 =	sadd.s32 $0x7D00, s29;
	[sflag:s16] =	ssyncadd.s32 $0xFFFFC000  }
0xcd: {  	[hbm4b:s30+s2] =	stream.linear.scatter [tilespmem:s11], [sflag:$0x9], $0x4000, $0x38;
	[tilespmem:$0x19000] =	vst v63  }
0xce: {  	_ =	swait.ge [sflag:s26], $0x2400  }
0xcf: {  	[sflag:s26] =	ssyncset.done $0x0  }
0xd0: {  	s30 =	rddreg [dreg:$0x19];
	[sflag:s26] =	ssyncadd.s32 $0xFFFFDC00  }
0xd1: {  	[tilespmem:s17], [sflag:$0x6] =	stream.indirect.gather [hbm4b:s3+s9], $0x80, s30, s9, $0xb8;
	[tilespmem:$0x19000] =	vst v63  }
0xd2: {  	_ =	swait.ge [sflag:s18], $0x2400  }
0xd3: {  	[sflag:s18] =	ssyncset.done $0x0  }
0xd4: {  	s30 =	sadd.s32 $0x8500, s29;
	[sflag:s18] =	ssyncadd.s32 $0xFFFFDC00  }
0xd5: {  	[hbm4b:s30+s2] =	stream.linear.scatter [tilespmem:s13], [sflag:$0xA], $0x2400, $0x38;
	[tilespmem:$0x19000] =	vst v63  }
0xd6: {  	_ =	swait.ge [sflag:s19], $0x4000  }
0xd7: {  	[sflag:s19] =	ssyncset.done $0x0  }
0xd8: {  	s30 =	rddreg [dreg:$0x1a];
	[sflag:s19] =	ssyncadd.s32 $0xFFFFC000  }
0xd9: {  	[tilespmem:s8], [sflag:$0x1] =	stream.indirect.gather [hbm4b:s3+s7], $0x80, s30, s7, $0xb8;
	[tilespmem:$0x19000] =	vst v63  }
0xda: {  	_ =	swait.ge [sflag:s20], $0x4000  }
0xdb: {  	[sflag:s20] =	ssyncset.done $0x0  }
0xdc: {  	s30 =	sadd.s32 $0x8980, s29;
	[sflag:s20] =	ssyncadd.s32 $0xFFFFC000  }
0xdd: {  	[hbm4b:s30+s2] =	stream.linear.scatter [tilespmem:s15], [sflag:$0xB], $0x4000, $0x38;
	[tilespmem:$0x19000] =	vst v63  }
0xde: {  	_ =	swait.ge [sflag:s21], $0x2400  }
0xdf: {  	[sflag:s21] =	ssyncset.done $0x0  }
0xe0: {  	s30 =	rddreg [dreg:$0x1b];
	[sflag:s21] =	ssyncadd.s32 $0xFFFFDC00  }
0xe1: {  	[tilespmem:s10], [sflag:$0x2] =	stream.indirect.gather [hbm4b:s3+s9], $0x80, s30, s9, $0xb8;
	[tilespmem:$0x19000] =	vst v63  }
0xe2: {  	_ =	swait.ge [sflag:s22], $0x2400  }
0xe3: {  	[sflag:s22] =	ssyncset.done $0x0  }
0xe4: {  	s30 =	sadd.s32 $0x9180, s29;
	[sflag:s22] =	ssyncadd.s32 $0xFFFFDC00  }
0xe5: {  	[hbm4b:s30+s2] =	stream.linear.scatter [tilespmem:s17], [sflag:$0xC], $0x2400, $0x38;
	[tilespmem:$0x19000] =	vst v63  }
0xe6: {  	_ =	swait.ge [sflag:s23], $0x4000  }
0xe7: {  	[sflag:s23] =	ssyncset.done $0x0  }
0xe8: {  	s30 =	rddreg [dreg:$0x1c];
	[sflag:s23] =	ssyncadd.s32 $0xFFFFC000  }
0xe9: {  	[tilespmem:s11], [sflag:$0x3] =	stream.indirect.gather [hbm4b:s3+s7], $0x80, s30, s7, $0xb8;
	[tilespmem:$0x19000] =	vst v63  }
0xea: {  	_ =	swait.ge [sflag:s12], $0x4000  }
0xeb: {  	[sflag:s12] =	ssyncset.done $0x0  }
0xec: {  	s30 =	sadd.s32 $0x9600, s29;
	[sflag:s12] =	ssyncadd.s32 $0xFFFFC000  }
0xed: {  	[hbm4b:s30+s2] =	stream.linear.scatter [tilespmem:s8], [sflag:$0x7], $0x4000, $0x38;
	[tilespmem:$0x19000] =	vst v63  }
0xee: {  	_ =	swait.ge [sflag:s24], $0x2400  }
0xef: {  	[sflag:s24] =	ssyncset.done $0x0  }
0xf0: {  	s30 =	rddreg [dreg:$0x1d];
	[sflag:s24] =	ssyncadd.s32 $0xFFFFDC00  }
0xf1: {  	[tilespmem:s13], [sflag:$0x4] =	stream.indirect.gather [hbm4b:s3+s9], $0x80, s30, s9, $0xb8;
	[tilespmem:$0x19000] =	vst v63  }
0xf2: {  	_ =	swait.ge [sflag:s14], $0x2400  }
0xf3: {  	[sflag:s14] =	ssyncset.done $0x0  }
0xf4: {  	s30 =	sadd.s32 $0x9E00, s29;
	[sflag:s14] =	ssyncadd.s32 $0xFFFFDC00  }
0xf5: {  	[hbm4b:s30+s2] =	stream.linear.scatter [tilespmem:s10], [sflag:$0x8], $0x2400, $0x38;
	[tilespmem:$0x19000] =	vst v63  }
0xf6: {  	_ =	swait.ge [sflag:s25], $0x4000  }
0xf7: {  	[sflag:s25] =	ssyncset.done $0x0  }
0xf8: {  	s30 =	rddreg [dreg:$0x1e];
	[sflag:s25] =	ssyncadd.s32 $0xFFFFC000  }
0xf9: {  	[tilespmem:s15], [sflag:$0x5] =	stream.indirect.gather [hbm4b:s3+s7], $0x80, s30, s7, $0xb8;
	[tilespmem:$0x19000] =	vst v63  }
0xfa: {  	_ =	swait.ge [sflag:s16], $0x4000  }
0xfb: {  	[sflag:s16] =	ssyncset.done $0x0  }
0xfc: {  	s30 =	sadd.s32 $0xA280, s29;
	[sflag:s16] =	ssyncadd.s32 $0xFFFFC000  }
0xfd: {  	[hbm4b:s30+s2] =	stream.linear.scatter [tilespmem:s11], [sflag:$0x9], $0x4000, $0x38;
	[tilespmem:$0x19000] =	vst v63  }
0xfe: {  	_ =	swait.ge [sflag:s26], $0x2400  }
0xff: {  	[sflag:s26] =	ssyncset.done $0x0  }
0x100: {  	s30 =	rddreg [dreg:$0x1f];
	[sflag:s26] =	ssyncadd.s32 $0xFFFFDC00  }
0x101: {  	[tilespmem:s17], [sflag:$0x6] =	stream.indirect.gather [hbm4b:s3+s9], $0x80, s30, s9, $0xb8;
	[tilespmem:$0x19000] =	vst v63  }
0x102: {  	_ =	swait.ge [sflag:s18], $0x2400  }
0x103: {  	[sflag:s18] =	ssyncset.done $0x0  }
0x104: {  	s30 =	sadd.s32 $0xAA80, s29;
	[sflag:s18] =	ssyncadd.s32 $0xFFFFDC00  }
0x105: {  	[hbm4b:s30+s2] =	stream.linear.scatter [tilespmem:s13], [sflag:$0xA], $0x2400, $0x38;
	[tilespmem:$0x19000] =	vst v63  }
0x106: {  	_ =	swait.ge [sflag:s19], $0x4000  }
0x107: {  	s30 =	sld [smem:$0x7FC]  }
0x108: {  	[sflag:s19] =	ssyncset.done $0x0  }
0x109: {  	[sflag:s19] =	ssyncadd.s32 $0xFFFFC000  }
0x10a: {  	[tilespmem:s8], [sflag:$0x1] =	stream.indirect.gather [hbm4b:s3+s7], $0x80, s30, s7, $0xb8;
	[tilespmem:$0x19000] =	vst v63  }
0x10b: {  	_ =	swait.ge [sflag:s20], $0x4000  }
0x10c: {  	[sflag:s20] =	ssyncset.done $0x0  }
0x10d: {  	s30 =	sadd.s32 $0xAF00, s29;
	[sflag:s20] =	ssyncadd.s32 $0xFFFFC000  }
0x10e: {  	[hbm4b:s30+s2] =	stream.linear.scatter [tilespmem:s15], [sflag:$0xB], $0x4000, $0x38;
	[tilespmem:$0x19000] =	vst v63  }
0x10f: {  	_ =	swait.ge [sflag:s21], $0x2400  }
0x110: {  	s30 =	sld [smem:$0x7FD]  }
0x111: {  	[sflag:s21] =	ssyncset.done $0x0  }
0x112: {  	[sflag:s21] =	ssyncadd.s32 $0xFFFFDC00  }
0x113: {  	[tilespmem:s10], [sflag:$0x2] =	stream.indirect.gather [hbm4b:s3+s9], $0x80, s30, s9, $0xb8;
	[tilespmem:$0x19000] =	vst v63  }
0x114: {  	_ =	swait.ge [sflag:s22], $0x2400  }
0x115: {  	[sflag:s22] =	ssyncset.done $0x0  }
0x116: {  	s30 =	sadd.s32 $0xB700, s29;
	[sflag:s22] =	ssyncadd.s32 $0xFFFFDC00  }
0x117: {  	[hbm4b:s30+s2] =	stream.linear.scatter [tilespmem:s17], [sflag:$0xC], $0x2400, $0x38;
	[tilespmem:$0x19000] =	vst v63  }
0x118: {  	_ =	swait.ge [sflag:s12], $0x4000  }
0x119: {  	[sflag:s12] =	ssyncset.done $0x0  }
0x11a: {  	s30 =	sadd.s32 $0xBB80, s29;
	[sflag:s12] =	ssyncadd.s32 $0xFFFFC000  }
0x11b: {  	[hbm4b:s30+s2] =	stream.linear.scatter [tilespmem:s8], [sflag:$0x7], $0x4000, $0x38;
	[tilespmem:$0x19000] =	vst v63  }
0x11c: {  	_ =	swait.ge [sflag:s14], $0x2400  }
0x11d: {  	[sflag:s14] =	ssyncset.done $0x0  }
0x11e: {  	s29 =	sadd.s32 $0xC380, s29;
	[sflag:s14] =	ssyncadd.s32 $0xFFFFDC00  }
0x11f: {  	[hbm4b:s29+s2] =	stream.linear.scatter [tilespmem:s10], [sflag:$0x8], $0x2400, $0x38;
	[tilespmem:$0x19000] =	vst v63  }
0x120: {  	_ =	swait.ge [sflag:s23], $0x4000  }
0x121: {  	[sflag:s23] =	ssyncset.done $0x0  }
0x122: {  	[sflag:s23] =	ssyncadd.s32 $0xFFFFC000  }
0x123: {  	_ =	swait.ge [sflag:s24], $0x2400  }
0x124: {  	[sflag:s24] =	ssyncset.done $0x0  }
0x125: {  	[sflag:s24] =	ssyncadd.s32 $0xFFFFDC00  }
0x126: {  	_ =	swait.ge [sflag:s25], $0x4000  }
0x127: {  	[sflag:s25] =	ssyncset.done $0x0  }
0x128: {  	[sflag:s25] =	ssyncadd.s32 $0xFFFFC000  }
0x129: {  	_ =	swait.ge [sflag:s26], $0x2400  }
0x12a: {  	[sflag:s26] =	ssyncset.done $0x0  }
0x12b: {  	[sflag:s26] =	ssyncadd.s32 $0xFFFFDC00  }
0x12c: {  	_ =	swait.ge [sflag:s19], $0x4000  }
0x12d: {  	[sflag:s19] =	ssyncset.done $0x0  }
0x12e: {  	[sflag:s19] =	ssyncadd.s32 $0xFFFFC000  }
0x12f: {  	_ =	swait.ge [sflag:s21], $0x2400  }
0x130: {  	s30 =	smov.u32 s5;
	s29 =	simm.s32 $0xC800;
	[sflag:s21] =	ssyncset.done $0x0  }
.LBB2_2:
0x131: {  	[sflag:s21] =	ssyncadd.s32 $0xFFFFDC00;
	s30 =	sadd.s32 $0x200, s30  }
0x132: {  	[tilespmem:s2], [sflag:$0xD] =	stream.linear.gather [hbm4b:s30+s2], $0x1000, $0x38;
	[tilespmem:$0x19000] =	vst v63  }
0x133: {  	_ =	swait.ge [sflag:s6], $0x1000  }
0x134: {  	[sflag:s6] =	ssyncset.done $0x0  }
0x135: {  	[sflag:s6] =	ssyncadd.s32 $0xFFFFF000  }
0x136: {  	[tilespmem:s8], [sflag:$0x1] =	stream.indirect.gather [hbm4b:s3+s7], $0x80, s2, s7, $0xb8;
	[tilespmem:$0x19000] =	vst v63  }
0x137: {  	s1 =	rddreg [dreg:$0x4]  }
0x138: {  	[tilespmem:s10], [sflag:$0x2] =	stream.indirect.gather [hbm4b:s3+s9], $0x80, s1, s9, $0xb8;
	[tilespmem:$0x19000] =	vst v63  }
0x139: {  	_ = 	snop  }
0x13a: {  	[tilespmem:s11], [sflag:$0x3] =	stream.indirect.gather [hbm4b:s3+s7], $0x80, s7, s7, $0xb8;
	[tilespmem:$0x19000] =	vst v63  }
0x13b: {  	_ =	swait.ge [sflag:s12], $0x4000  }
0x13c: {  	s31 =	smov.u32 s29;
	s0 =	rddreg [dreg:$0x3];
	[sflag:s12] =	ssyncset.done $0x0  }
0x13d: {  	[sflag:s12] =	ssyncadd.s32 $0xFFFFC000;
	s31 =	sadd.s32 s31, s0  }
0x13e: {  	[hbm4b:s31+s2] =	stream.linear.scatter [tilespmem:s8], [sflag:$0x7], $0x4000, $0x38;
	[tilespmem:$0x19000] =	vst v63  }
0x13f: {  	s0 =	rddreg [dreg:$0x5]  }
0x140: {  	[tilespmem:s13], [sflag:$0x4] =	stream.indirect.gather [hbm4b:s3+s9], $0x80, s0, s9, $0xb8;
	[tilespmem:$0x19000] =	vst v63  }
0x141: {  	_ =	swait.ge [sflag:s14], $0x2400  }
0x142: {  	[sflag:s14] =	ssyncset.done $0x0  }
0x143: {  	s1 =	sadd.s32 $0x800, s31;
	[sflag:s14] =	ssyncadd.s32 $0xFFFFDC00  }
0x144: {  	[hbm4b:s1+s2] =	stream.linear.scatter [tilespmem:s10], [sflag:$0x8], $0x2400, $0x38;
	[tilespmem:$0x19000] =	vst v63  }
0x145: {  	s0 =	rddreg [dreg:$0x6]  }
0x146: {  	[tilespmem:s15], [sflag:$0x5] =	stream.indirect.gather [hbm4b:s3+s7], $0x80, s0, s7, $0xb8;
	[tilespmem:$0x19000] =	vst v63  }
0x147: {  	_ =	swait.ge [sflag:s16], $0x4000  }
0x148: {  	[sflag:s16] =	ssyncset.done $0x0  }
0x149: {  	s0 =	sadd.s32 $0xC80, s31;
	[sflag:s16] =	ssyncadd.s32 $0xFFFFC000  }
0x14a: {  	[hbm4b:s0+s2] =	stream.linear.scatter [tilespmem:s11], [sflag:$0x9], $0x4000, $0x38;
	[tilespmem:$0x19000] =	vst v63  }
0x14b: {  	s1 =	rddreg [dreg:$0x7]  }
0x14c: {  	[tilespmem:s17], [sflag:$0x6] =	stream.indirect.gather [hbm4b:s3+s9], $0x80, s1, s9, $0xb8;
	[tilespmem:$0x19000] =	vst v63  }
0x14d: {  	_ =	swait.ge [sflag:s18], $0x2400  }
0x14e: {  	[sflag:s18] =	ssyncset.done $0x0  }
0x14f: {  	s1 =	sadd.s32 $0x1480, s31;
	[sflag:s18] =	ssyncadd.s32 $0xFFFFDC00  }
0x150: {  	[hbm4b:s1+s2] =	stream.linear.scatter [tilespmem:s13], [sflag:$0xA], $0x2400, $0x38;
	[tilespmem:$0x19000] =	vst v63  }
0x151: {  	_ =	swait.ge [sflag:s19], $0x4000  }
0x152: {  	[sflag:s19] =	ssyncset.done $0x0  }
0x153: {  	s1 =	rddreg [dreg:$0x8];
	[sflag:s19] =	ssyncadd.s32 $0xFFFFC000  }
0x154: {  	[tilespmem:s8], [sflag:$0x1] =	stream.indirect.gather [hbm4b:s3+s7], $0x80, s1, s7, $0xb8;
	[tilespmem:$0x19000] =	vst v63  }
0x155: {  	_ =	swait.ge [sflag:s20], $0x4000  }
0x156: {  	[sflag:s20] =	ssyncset.done $0x0  }
0x157: {  	s1 =	sadd.s32 $0x1900, s31;
	[sflag:s20] =	ssyncadd.s32 $0xFFFFC000  }
0x158: {  	[hbm4b:s1+s2] =	stream.linear.scatter [tilespmem:s15], [sflag:$0xB], $0x4000, $0x38;
	[tilespmem:$0x19000] =	vst v63  }
0x159: {  	_ =	swait.ge [sflag:s21], $0x2400  }
0x15a: {  	[sflag:s21] =	ssyncset.done $0x0  }
0x15b: {  	s1 =	rddreg [dreg:$0x9];
	[sflag:s21] =	ssyncadd.s32 $0xFFFFDC00  }
0x15c: {  	[tilespmem:s10], [sflag:$0x2] =	stream.indirect.gather [hbm4b:s3+s9], $0x80, s1, s9, $0xb8;
	[tilespmem:$0x19000] =	vst v63  }
0x15d: {  	_ =	swait.ge [sflag:s22], $0x2400  }
0x15e: {  	[sflag:s22] =	ssyncset.done $0x0  }
0x15f: {  	s1 =	sadd.s32 $0x2100, s31;
	[sflag:s22] =	ssyncadd.s32 $0xFFFFDC00  }
0x160: {  	[hbm4b:s1+s2] =	stream.linear.scatter [tilespmem:s17], [sflag:$0xC], $0x2400, $0x38;
	[tilespmem:$0x19000] =	vst v63  }
0x161: {  	_ =	swait.ge [sflag:s23], $0x4000  }
0x162: {  	[sflag:s23] =	ssyncset.done $0x0  }
0x163: {  	s1 =	rddreg [dreg:$0xa];
	[sflag:s23] =	ssyncadd.s32 $0xFFFFC000  }
0x164: {  	[tilespmem:s11], [sflag:$0x3] =	stream.indirect.gather [hbm4b:s3+s7], $0x80, s1, s7, $0xb8;
	[tilespmem:$0x19000] =	vst v63  }
0x165: {  	_ =	swait.ge [sflag:s12], $0x4000  }
0x166: {  	[sflag:s12] =	ssyncset.done $0x0  }
0x167: {  	s1 =	sadd.s32 $0x2580, s31;
	[sflag:s12] =	ssyncadd.s32 $0xFFFFC000  }
0x168: {  	[hbm4b:s1+s2] =	stream.linear.scatter [tilespmem:s8], [sflag:$0x7], $0x4000, $0x38;
	[tilespmem:$0x19000] =	vst v63  }
0x169: {  	_ =	swait.ge [sflag:s24], $0x2400  }
0x16a: {  	[sflag:s24] =	ssyncset.done $0x0  }
0x16b: {  	s1 =	rddreg [dreg:$0xb];
	[sflag:s24] =	ssyncadd.s32 $0xFFFFDC00  }
0x16c: {  	[tilespmem:s13], [sflag:$0x4] =	stream.indirect.gather [hbm4b:s3+s9], $0x80, s1, s9, $0xb8;
	[tilespmem:$0x19000] =	vst v63  }
0x16d: {  	_ =	swait.ge [sflag:s14], $0x2400  }
0x16e: {  	[sflag:s14] =	ssyncset.done $0x0  }
0x16f: {  	s1 =	sadd.s32 $0x2D80, s31;
	[sflag:s14] =	ssyncadd.s32 $0xFFFFDC00  }
0x170: {  	[hbm4b:s1+s2] =	stream.linear.scatter [tilespmem:s10], [sflag:$0x8], $0x2400, $0x38;
	[tilespmem:$0x19000] =	vst v63  }
0x171: {  	_ =	swait.ge [sflag:s25], $0x4000  }
0x172: {  	[sflag:s25] =	ssyncset.done $0x0  }
0x173: {  	s1 =	rddreg [dreg:$0xc];
	[sflag:s25] =	ssyncadd.s32 $0xFFFFC000  }
0x174: {  	[tilespmem:s15], [sflag:$0x5] =	stream.indirect.gather [hbm4b:s3+s7], $0x80, s1, s7, $0xb8;
	[tilespmem:$0x19000] =	vst v63  }
0x175: {  	_ =	swait.ge [sflag:s16], $0x4000  }
0x176: {  	[sflag:s16] =	ssyncset.done $0x0  }
0x177: {  	s1 =	sadd.s32 $0x3200, s31;
	[sflag:s16] =	ssyncadd.s32 $0xFFFFC000  }
0x178: {  	[hbm4b:s1+s2] =	stream.linear.scatter [tilespmem:s11], [sflag:$0x9], $0x4000, $0x38;
	[tilespmem:$0x19000] =	vst v63  }
0x179: {  	_ =	swait.ge [sflag:s26], $0x2400  }
0x17a: {  	[sflag:s26] =	ssyncset.done $0x0  }
0x17b: {  	s1 =	rddreg [dreg:$0xd];
	[sflag:s26] =	ssyncadd.s32 $0xFFFFDC00  }
0x17c: {  	[tilespmem:s17], [sflag:$0x6] =	stream.indirect.gather [hbm4b:s3+s9], $0x80, s1, s9, $0xb8;
	[tilespmem:$0x19000] =	vst v63  }
0x17d: {  	_ =	swait.ge [sflag:s18], $0x2400  }
0x17e: {  	[sflag:s18] =	ssyncset.done $0x0  }
0x17f: {  	s1 =	sadd.s32 $0x3A00, s31;
	[sflag:s18] =	ssyncadd.s32 $0xFFFFDC00  }
0x180: {  	[hbm4b:s1+s2] =	stream.linear.scatter [tilespmem:s13], [sflag:$0xA], $0x2400, $0x38;
	[tilespmem:$0x19000] =	vst v63  }
0x181: {  	_ =	swait.ge [sflag:s19], $0x4000  }
0x182: {  	[sflag:s19] =	ssyncset.done $0x0  }
0x183: {  	s1 =	rddreg [dreg:$0xe];
	[sflag:s19] =	ssyncadd.s32 $0xFFFFC000  }
0x184: {  	[tilespmem:s8], [sflag:$0x1] =	stream.indirect.gather [hbm4b:s3+s7], $0x80, s1, s7, $0xb8;
	[tilespmem:$0x19000] =	vst v63  }
0x185: {  	_ =	swait.ge [sflag:s20], $0x4000  }
0x186: {  	[sflag:s20] =	ssyncset.done $0x0  }
0x187: {  	s1 =	sadd.s32 $0x3E80, s31;
	[sflag:s20] =	ssyncadd.s32 $0xFFFFC000  }
0x188: {  	[hbm4b:s1+s2] =	stream.linear.scatter [tilespmem:s15], [sflag:$0xB], $0x4000, $0x38;
	[tilespmem:$0x19000] =	vst v63  }
0x189: {  	_ =	swait.ge [sflag:s21], $0x2400  }
0x18a: {  	[sflag:s21] =	ssyncset.done $0x0  }
0x18b: {  	s1 =	rddreg [dreg:$0xf];
	[sflag:s21] =	ssyncadd.s32 $0xFFFFDC00  }
0x18c: {  	[tilespmem:s10], [sflag:$0x2] =	stream.indirect.gather [hbm4b:s3+s9], $0x80, s1, s9, $0xb8;
	[tilespmem:$0x19000] =	vst v63  }
0x18d: {  	_ =	swait.ge [sflag:s22], $0x2400  }
0x18e: {  	[sflag:s22] =	ssyncset.done $0x0  }
0x18f: {  	s1 =	sadd.s32 $0x4680, s31;
	[sflag:s22] =	ssyncadd.s32 $0xFFFFDC00  }
0x190: {  	[hbm4b:s1+s2] =	stream.linear.scatter [tilespmem:s17], [sflag:$0xC], $0x2400, $0x38;
	[tilespmem:$0x19000] =	vst v63  }
0x191: {  	_ =	swait.ge [sflag:s23], $0x4000  }
0x192: {  	[sflag:s23] =	ssyncset.done $0x0  }
0x193: {  	s1 =	rddreg [dreg:$0x10];
	[sflag:s23] =	ssyncadd.s32 $0xFFFFC000  }
0x194: {  	[tilespmem:s11], [sflag:$0x3] =	stream.indirect.gather [hbm4b:s3+s7], $0x80, s1, s7, $0xb8;
	[tilespmem:$0x19000] =	vst v63  }
0x195: {  	_ =	swait.ge [sflag:s12], $0x4000  }
0x196: {  	[sflag:s12] =	ssyncset.done $0x0  }
0x197: {  	s1 =	sadd.s32 $0x4B00, s31;
	[sflag:s12] =	ssyncadd.s32 $0xFFFFC000  }
0x198: {  	[hbm4b:s1+s2] =	stream.linear.scatter [tilespmem:s8], [sflag:$0x7], $0x4000, $0x38;
	[tilespmem:$0x19000] =	vst v63  }
0x199: {  	_ =	swait.ge [sflag:s24], $0x2400  }
0x19a: {  	[sflag:s24] =	ssyncset.done $0x0  }
0x19b: {  	s1 =	rddreg [dreg:$0x11];
	[sflag:s24] =	ssyncadd.s32 $0xFFFFDC00  }
0x19c: {  	[tilespmem:s13], [sflag:$0x4] =	stream.indirect.gather [hbm4b:s3+s9], $0x80, s1, s9, $0xb8;
	[tilespmem:$0x19000] =	vst v63  }
0x19d: {  	_ =	swait.ge [sflag:s14], $0x2400  }
0x19e: {  	[sflag:s14] =	ssyncset.done $0x0  }
0x19f: {  	s1 =	sadd.s32 $0x5300, s31;
	[sflag:s14] =	ssyncadd.s32 $0xFFFFDC00  }
0x1a0: {  	[hbm4b:s1+s2] =	stream.linear.scatter [tilespmem:s10], [sflag:$0x8], $0x2400, $0x38;
	[tilespmem:$0x19000] =	vst v63  }
0x1a1: {  	_ =	swait.ge [sflag:s25], $0x4000  }
0x1a2: {  	[sflag:s25] =	ssyncset.done $0x0  }
0x1a3: {  	s1 =	rddreg [dreg:$0x12];
	[sflag:s25] =	ssyncadd.s32 $0xFFFFC000  }
0x1a4: {  	[tilespmem:s15], [sflag:$0x5] =	stream.indirect.gather [hbm4b:s3+s7], $0x80, s1, s7, $0xb8;
	[tilespmem:$0x19000] =	vst v63  }
0x1a5: {  	_ =	swait.ge [sflag:s16], $0x4000  }
0x1a6: {  	[sflag:s16] =	ssyncset.done $0x0  }
0x1a7: {  	s1 =	sadd.s32 $0x5780, s31;
	[sflag:s16] =	ssyncadd.s32 $0xFFFFC000  }
0x1a8: {  	[hbm4b:s1+s2] =	stream.linear.scatter [tilespmem:s11], [sflag:$0x9], $0x4000, $0x38;
	[tilespmem:$0x19000] =	vst v63  }
0x1a9: {  	_ =	swait.ge [sflag:s26], $0x2400  }
0x1aa: {  	[sflag:s26] =	ssyncset.done $0x0  }
0x1ab: {  	s1 =	rddreg [dreg:$0x13];
	[sflag:s26] =	ssyncadd.s32 $0xFFFFDC00  }
0x1ac: {  	[tilespmem:s17], [sflag:$0x6] =	stream.indirect.gather [hbm4b:s3+s9], $0x80, s1, s9, $0xb8;
	[tilespmem:$0x19000] =	vst v63  }
0x1ad: {  	_ =	swait.ge [sflag:s18], $0x2400  }
0x1ae: {  	[sflag:s18] =	ssyncset.done $0x0  }
0x1af: {  	s1 =	sadd.s32 $0x5F80, s31;
	[sflag:s18] =	ssyncadd.s32 $0xFFFFDC00  }
0x1b0: {  	[hbm4b:s1+s2] =	stream.linear.scatter [tilespmem:s13], [sflag:$0xA], $0x2400, $0x38;
	[tilespmem:$0x19000] =	vst v63  }
0x1b1: {  	_ =	swait.ge [sflag:s19], $0x4000  }
0x1b2: {  	[sflag:s19] =	ssyncset.done $0x0  }
0x1b3: {  	s1 =	rddreg [dreg:$0x14];
	[sflag:s19] =	ssyncadd.s32 $0xFFFFC000  }
0x1b4: {  	[tilespmem:s8], [sflag:$0x1] =	stream.indirect.gather [hbm4b:s3+s7], $0x80, s1, s7, $0xb8;
	[tilespmem:$0x19000] =	vst v63  }
0x1b5: {  	_ =	swait.ge [sflag:s20], $0x4000  }
0x1b6: {  	[sflag:s20] =	ssyncset.done $0x0  }
0x1b7: {  	s1 =	sadd.s32 $0x6400, s31;
	[sflag:s20] =	ssyncadd.s32 $0xFFFFC000  }
0x1b8: {  	[hbm4b:s1+s2] =	stream.linear.scatter [tilespmem:s15], [sflag:$0xB], $0x4000, $0x38;
	[tilespmem:$0x19000] =	vst v63  }
0x1b9: {  	_ =	swait.ge [sflag:s21], $0x2400  }
0x1ba: {  	[sflag:s21] =	ssyncset.done $0x0  }
0x1bb: {  	s1 =	rddreg [dreg:$0x15];
	[sflag:s21] =	ssyncadd.s32 $0xFFFFDC00  }
0x1bc: {  	[tilespmem:s10], [sflag:$0x2] =	stream.indirect.gather [hbm4b:s3+s9], $0x80, s1, s9, $0xb8;
	[tilespmem:$0x19000] =	vst v63  }
0x1bd: {  	_ =	swait.ge [sflag:s22], $0x2400  }
0x1be: {  	[sflag:s22] =	ssyncset.done $0x0  }
0x1bf: {  	s1 =	sadd.s32 $0x6C00, s31;
	[sflag:s22] =	ssyncadd.s32 $0xFFFFDC00  }
0x1c0: {  	[hbm4b:s1+s2] =	stream.linear.scatter [tilespmem:s17], [sflag:$0xC], $0x2400, $0x38;
	[tilespmem:$0x19000] =	vst v63  }
0x1c1: {  	_ =	swait.ge [sflag:s23], $0x4000  }
0x1c2: {  	[sflag:s23] =	ssyncset.done $0x0  }
0x1c3: {  	s1 =	rddreg [dreg:$0x16];
	[sflag:s23] =	ssyncadd.s32 $0xFFFFC000  }
0x1c4: {  	[tilespmem:s11], [sflag:$0x3] =	stream.indirect.gather [hbm4b:s3+s7], $0x80, s1, s7, $0xb8;
	[tilespmem:$0x19000] =	vst v63  }
0x1c5: {  	_ =	swait.ge [sflag:s12], $0x4000  }
0x1c6: {  	[sflag:s12] =	ssyncset.done $0x0  }
0x1c7: {  	s1 =	sadd.s32 $0x7080, s31;
	[sflag:s12] =	ssyncadd.s32 $0xFFFFC000  }
0x1c8: {  	[hbm4b:s1+s2] =	stream.linear.scatter [tilespmem:s8], [sflag:$0x7], $0x4000, $0x38;
	[tilespmem:$0x19000] =	vst v63  }
0x1c9: {  	_ =	swait.ge [sflag:s24], $0x2400  }
0x1ca: {  	[sflag:s24] =	ssyncset.done $0x0  }
0x1cb: {  	s1 =	rddreg [dreg:$0x17];
	[sflag:s24] =	ssyncadd.s32 $0xFFFFDC00  }
0x1cc: {  	[tilespmem:s13], [sflag:$0x4] =	stream.indirect.gather [hbm4b:s3+s9], $0x80, s1, s9, $0xb8;
	[tilespmem:$0x19000] =	vst v63  }
0x1cd: {  	_ =	swait.ge [sflag:s14], $0x2400  }
0x1ce: {  	[sflag:s14] =	ssyncset.done $0x0  }
0x1cf: {  	s1 =	sadd.s32 $0x7880, s31;
	[sflag:s14] =	ssyncadd.s32 $0xFFFFDC00  }
0x1d0: {  	[hbm4b:s1+s2] =	stream.linear.scatter [tilespmem:s10], [sflag:$0x8], $0x2400, $0x38;
	[tilespmem:$0x19000] =	vst v63  }
0x1d1: {  	_ =	swait.ge [sflag:s25], $0x4000  }
0x1d2: {  	[sflag:s25] =	ssyncset.done $0x0  }
0x1d3: {  	s1 =	rddreg [dreg:$0x18];
	[sflag:s25] =	ssyncadd.s32 $0xFFFFC000  }
0x1d4: {  	[tilespmem:s15], [sflag:$0x5] =	stream.indirect.gather [hbm4b:s3+s7], $0x80, s1, s7, $0xb8;
	[tilespmem:$0x19000] =	vst v63  }
0x1d5: {  	_ =	swait.ge [sflag:s16], $0x4000  }
0x1d6: {  	[sflag:s16] =	ssyncset.done $0x0  }
0x1d7: {  	s1 =	sadd.s32 $0x7D00, s31;
	[sflag:s16] =	ssyncadd.s32 $0xFFFFC000  }
0x1d8: {  	[hbm4b:s1+s2] =	stream.linear.scatter [tilespmem:s11], [sflag:$0x9], $0x4000, $0x38;
	[tilespmem:$0x19000] =	vst v63  }
0x1d9: {  	_ =	swait.ge [sflag:s26], $0x2400  }
0x1da: {  	[sflag:s26] =	ssyncset.done $0x0  }
0x1db: {  	s1 =	rddreg [dreg:$0x19];
	[sflag:s26] =	ssyncadd.s32 $0xFFFFDC00  }
0x1dc: {  	[tilespmem:s17], [sflag:$0x6] =	stream.indirect.gather [hbm4b:s3+s9], $0x80, s1, s9, $0xb8;
	[tilespmem:$0x19000] =	vst v63  }
0x1dd: {  	_ =	swait.ge [sflag:s18], $0x2400  }
0x1de: {  	[sflag:s18] =	ssyncset.done $0x0  }
0x1df: {  	s1 =	sadd.s32 $0x8500, s31;
	[sflag:s18] =	ssyncadd.s32 $0xFFFFDC00  }
0x1e0: {  	[hbm4b:s1+s2] =	stream.linear.scatter [tilespmem:s13], [sflag:$0xA], $0x2400, $0x38;
	[tilespmem:$0x19000] =	vst v63  }
0x1e1: {  	_ =	swait.ge [sflag:s19], $0x4000  }
0x1e2: {  	[sflag:s19] =	ssyncset.done $0x0  }
0x1e3: {  	s1 =	rddreg [dreg:$0x1a];
	[sflag:s19] =	ssyncadd.s32 $0xFFFFC000  }
0x1e4: {  	[tilespmem:s8], [sflag:$0x1] =	stream.indirect.gather [hbm4b:s3+s7], $0x80, s1, s7, $0xb8;
	[tilespmem:$0x19000] =	vst v63  }
0x1e5: {  	_ =	swait.ge [sflag:s20], $0x4000  }
0x1e6: {  	[sflag:s20] =	ssyncset.done $0x0  }
0x1e7: {  	s1 =	sadd.s32 $0x8980, s31;
	[sflag:s20] =	ssyncadd.s32 $0xFFFFC000  }
0x1e8: {  	[hbm4b:s1+s2] =	stream.linear.scatter [tilespmem:s15], [sflag:$0xB], $0x4000, $0x38;
	[tilespmem:$0x19000] =	vst v63  }
0x1e9: {  	_ =	swait.ge [sflag:s21], $0x2400  }
0x1ea: {  	[sflag:s21] =	ssyncset.done $0x0  }
0x1eb: {  	s1 =	rddreg [dreg:$0x1b];
	[sflag:s21] =	ssyncadd.s32 $0xFFFFDC00  }
0x1ec: {  	[tilespmem:s10], [sflag:$0x2] =	stream.indirect.gather [hbm4b:s3+s9], $0x80, s1, s9, $0xb8;
	[tilespmem:$0x19000] =	vst v63  }
0x1ed: {  	_ =	swait.ge [sflag:s22], $0x2400  }
0x1ee: {  	[sflag:s22] =	ssyncset.done $0x0  }
0x1ef: {  	s1 =	sadd.s32 $0x9180, s31;
	[sflag:s22] =	ssyncadd.s32 $0xFFFFDC00  }
0x1f0: {  	[hbm4b:s1+s2] =	stream.linear.scatter [tilespmem:s17], [sflag:$0xC], $0x2400, $0x38;
	[tilespmem:$0x19000] =	vst v63  }
0x1f1: {  	_ =	swait.ge [sflag:s23], $0x4000  }
0x1f2: {  	[sflag:s23] =	ssyncset.done $0x0  }
0x1f3: {  	s1 =	rddreg [dreg:$0x1c];
	[sflag:s23] =	ssyncadd.s32 $0xFFFFC000  }
0x1f4: {  	[tilespmem:s11], [sflag:$0x3] =	stream.indirect.gather [hbm4b:s3+s7], $0x80, s1, s7, $0xb8;
	[tilespmem:$0x19000] =	vst v63  }
0x1f5: {  	_ =	swait.ge [sflag:s12], $0x4000  }
0x1f6: {  	[sflag:s12] =	ssyncset.done $0x0  }
0x1f7: {  	s1 =	sadd.s32 $0x9600, s31;
	[sflag:s12] =	ssyncadd.s32 $0xFFFFC000  }
0x1f8: {  	[hbm4b:s1+s2] =	stream.linear.scatter [tilespmem:s8], [sflag:$0x7], $0x4000, $0x38;
	[tilespmem:$0x19000] =	vst v63  }
0x1f9: {  	_ =	swait.ge [sflag:s24], $0x2400  }
0x1fa: {  	[sflag:s24] =	ssyncset.done $0x0  }
0x1fb: {  	s1 =	rddreg [dreg:$0x1d];
	[sflag:s24] =	ssyncadd.s32 $0xFFFFDC00  }
0x1fc: {  	[tilespmem:s13], [sflag:$0x4] =	stream.indirect.gather [hbm4b:s3+s9], $0x80, s1, s9, $0xb8;
	[tilespmem:$0x19000] =	vst v63  }
0x1fd: {  	_ =	swait.ge [sflag:s14], $0x2400  }
0x1fe: {  	[sflag:s14] =	ssyncset.done $0x0  }
0x1ff: {  	s1 =	sadd.s32 $0x9E00, s31;
	[sflag:s14] =	ssyncadd.s32 $0xFFFFDC00  }
0x200: {  	[hbm4b:s1+s2] =	stream.linear.scatter [tilespmem:s10], [sflag:$0x8], $0x2400, $0x38;
	[tilespmem:$0x19000] =	vst v63  }
0x201: {  	_ =	swait.ge [sflag:s25], $0x4000  }
0x202: {  	[sflag:s25] =	ssyncset.done $0x0  }
0x203: {  	s1 =	rddreg [dreg:$0x1e];
	[sflag:s25] =	ssyncadd.s32 $0xFFFFC000  }
0x204: {  	[tilespmem:s15], [sflag:$0x5] =	stream.indirect.gather [hbm4b:s3+s7], $0x80, s1, s7, $0xb8;
	[tilespmem:$0x19000] =	vst v63  }
0x205: {  	_ =	swait.ge [sflag:s16], $0x4000  }
0x206: {  	[sflag:s16] =	ssyncset.done $0x0  }
0x207: {  	s1 =	sadd.s32 $0xA280, s31;
	[sflag:s16] =	ssyncadd.s32 $0xFFFFC000  }
0x208: {  	[hbm4b:s1+s2] =	stream.linear.scatter [tilespmem:s11], [sflag:$0x9], $0x4000, $0x38;
	[tilespmem:$0x19000] =	vst v63  }
0x209: {  	_ =	swait.ge [sflag:s26], $0x2400  }
0x20a: {  	[sflag:s26] =	ssyncset.done $0x0  }
0x20b: {  	s1 =	rddreg [dreg:$0x1f];
	[sflag:s26] =	ssyncadd.s32 $0xFFFFDC00  }
0x20c: {  	[tilespmem:s17], [sflag:$0x6] =	stream.indirect.gather [hbm4b:s3+s9], $0x80, s1, s9, $0xb8;
	[tilespmem:$0x19000] =	vst v63  }
0x20d: {  	_ =	swait.ge [sflag:s18], $0x2400  }
0x20e: {  	[sflag:s18] =	ssyncset.done $0x0  }
0x20f: {  	s1 =	sadd.s32 $0xAA80, s31;
	[sflag:s18] =	ssyncadd.s32 $0xFFFFDC00  }
0x210: {  	[hbm4b:s1+s2] =	stream.linear.scatter [tilespmem:s13], [sflag:$0xA], $0x2400, $0x38;
	[tilespmem:$0x19000] =	vst v63  }
0x211: {  	_ =	swait.ge [sflag:s19], $0x4000  }
0x212: {  	s1 =	sld [smem:$0x7FC]  }
0x213: {  	[sflag:s19] =	ssyncset.done $0x0  }
0x214: {  	[sflag:s19] =	ssyncadd.s32 $0xFFFFC000  }
0x215: {  	[tilespmem:s8], [sflag:$0x1] =	stream.indirect.gather [hbm4b:s3+s7], $0x80, s1, s7, $0xb8;
	[tilespmem:$0x19000] =	vst v63  }
0x216: {  	_ =	swait.ge [sflag:s20], $0x4000  }
0x217: {  	[sflag:s20] =	ssyncset.done $0x0  }
0x218: {  	s1 =	sadd.s32 $0xAF00, s31;
	[sflag:s20] =	ssyncadd.s32 $0xFFFFC000  }
0x219: {  	[hbm4b:s1+s2] =	stream.linear.scatter [tilespmem:s15], [sflag:$0xB], $0x4000, $0x38;
	[tilespmem:$0x19000] =	vst v63  }
0x21a: {  	_ =	swait.ge [sflag:s21], $0x2400  }
0x21b: {  	s1 =	sld [smem:$0x7FD]  }
0x21c: {  	[sflag:s21] =	ssyncset.done $0x0  }
0x21d: {  	[sflag:s21] =	ssyncadd.s32 $0xFFFFDC00  }
0x21e: {  	[tilespmem:s10], [sflag:$0x2] =	stream.indirect.gather [hbm4b:s3+s9], $0x80, s1, s9, $0xb8;
	[tilespmem:$0x19000] =	vst v63  }
0x21f: {  	_ =	swait.ge [sflag:s22], $0x2400  }
0x220: {  	[sflag:s22] =	ssyncset.done $0x0  }
0x221: {  	s1 =	sadd.s32 $0xB700, s31;
	[sflag:s22] =	ssyncadd.s32 $0xFFFFDC00  }
0x222: {  	[hbm4b:s1+s2] =	stream.linear.scatter [tilespmem:s17], [sflag:$0xC], $0x2400, $0x38;
	[tilespmem:$0x19000] =	vst v63  }
0x223: {  	_ =	swait.ge [sflag:s12], $0x4000  }
0x224: {  	[sflag:s12] =	ssyncset.done $0x0  }
0x225: {  	s1 =	sadd.s32 $0xBB80, s31;
	[sflag:s12] =	ssyncadd.s32 $0xFFFFC000  }
0x226: {  	[hbm4b:s1+s2] =	stream.linear.scatter [tilespmem:s8], [sflag:$0x7], $0x4000, $0x38;
	[tilespmem:$0x19000] =	vst v63  }
0x227: {  	_ =	swait.ge [sflag:s14], $0x2400  }
0x228: {  	[sflag:s14] =	ssyncset.done $0x0  }
0x229: {  	s31 =	sadd.s32 $0xC380, s31;
	[sflag:s14] =	ssyncadd.s32 $0xFFFFDC00  }
0x22a: {  	[hbm4b:s31+s2] =	stream.linear.scatter [tilespmem:s10], [sflag:$0x8], $0x2400, $0x38;
	[tilespmem:$0x19000] =	vst v63  }
0x22b: {  	_ =	swait.ge [sflag:s23], $0x4000  }
0x22c: {  	[sflag:s23] =	ssyncset.done $0x0  }
0x22d: {  	[sflag:s23] =	ssyncadd.s32 $0xFFFFC000  }
0x22e: {  	_ =	swait.ge [sflag:s24], $0x2400  }
0x22f: {  	[sflag:s24] =	ssyncset.done $0x0  }
0x230: {  	[sflag:s24] =	ssyncadd.s32 $0xFFFFDC00  }
0x231: {  	_ =	swait.ge [sflag:s25], $0x4000  }
0x232: {  	[sflag:s25] =	ssyncset.done $0x0  }
0x233: {  	[sflag:s25] =	ssyncadd.s32 $0xFFFFC000  }
0x234: {  	_ =	swait.ge [sflag:s26], $0x2400  }
0x235: {  	[sflag:s26] =	ssyncset.done $0x0  }
0x236: {  	p0 =	sne.s32 s29, $0x57800;
	[sflag:s26] =	ssyncadd.s32 $0xFFFFDC00  }
.Ltmp0:
0x237: {  	_ =	swait.ge [sflag:s19], $0x4000;
	(pc) =	sbr.rel @p0 .LBB2_2-.Ltmp0, $4  }
0x238: {  	[sflag:s19] =	ssyncset.done $0x0  }
0x239: {  	[sflag:s19] =	ssyncadd.s32 $0xFFFFC000  }
0x23a: {  	_ =	swait.ge [sflag:s21], $0x2400  }
0x23b: {  	s29 =	sadd.s32 $0xC800, s29;
	[sflag:s21] =	ssyncset.done $0x0  }
0x23c: {  	s28 =	sadd.s32 $0x1, s28  }
0x23d: {  	p0 =	sne.s32 s28, s4  }
.Ltmp1:
0x23e: {  	_ = 	snop;
	(pc) =	sbr.rel @p0 .LBB2_1-.Ltmp1, $2  }
0x23f: {  	_ =	sdelay $0x2  }
0x240: {  	[sflag:s21] =	ssyncadd.s32 $0xFFFFDC00  }
0x241: {  	_ =	sfence.sel $0x180000  }
0x242: {  	[bflag:$0x0] =	sbarrier.arrive $0xFFFF  }
0x243: {  	_ =	strace $0x90000047  }
0x244: {  	s0 =	stileid.u32;
	[bflag:$0x2] =	sbarrier.arrive $0xFFFF  }
0x245: {  	p0 =	sne.s32 s0, $0x0;
	s0 =	rddreg [dreg:$0x2]  }
0x246: {  	s0 =	sadd.s32 @!p0 $0x100000, s0  }
0x247: {  	[sflag:s0] =	ssyncadd.tile.s32 @!p0 $0x1;
	_ =	shalt  }
.Lfunc_end2:
_tile_overlayer_lowered:
.L_overlay_start_2:
0x248: {  	(tag) =	ssettag $0x2  }
0x249: {  	s0 =	rddreg [dreg:$0x0];
	s2 =	stileid.u32  }
0x24a: {  	s1 =	rddreg [dreg:$0x1];
	p0 =	sne.s32 s2, $0x0  }
0x24b: {  	s3 =	rddreg [dreg:$0x2];
	[bflag:$0x3] =	sbarrier.arrive $0xFFFF;
	s2 =	simm.s32 @!p0 $0x1C0D  }
0x24c: {  	[timem:s3], [sflag:s2] =	dma.local @!p0 [hbm:s0], s1  }
0x24d: {  	s0 =	simm.s32 @!p0 $0xD  }
0x24e: {  	_ =	swait.ge @!p0 [sflag:s0], s1  }
0x24f: {  	s1 =	ssub.s32 @!p0 $0x0, s1;
	[sflag:s0] =	ssyncset.done @!p0 $0x0  }
0x250: {  	[sflag:s0] =	ssyncadd.s32 @!p0 s1  }
0x251: {  	[bflag:$0x3] =	sbarrier.arrive $0xFFFF  }
0x252: {  	_ =	shalt  }

</sc_bundles>
